<compile_context>
chip_gen: v7x
topology: tpu7x:2x2x1
jax: 0.10.2.dev20260603
libtpu: 0.0.44.dev20260713+nightly
codegen_flags: <defaults>
</compile_context>

<pallas_src>
import functools

import jax
import jax.numpy as jnp
import numpy as np
from jax import lax
from jax.experimental import pallas as pl
from jax.experimental.pallas import tpu as pltpu
from jax.experimental.pallas import tpu_sc as plsc

N = 50000
C = 128
H = 64
K = 7
NK = N * K

NW = 32
NBUF = 6
CHUNK = 112
BPAD = 351232
HALF_B = BPAD // 2
B_PER_W = HALF_B // NW
NCHUNK = B_PER_W // CHUNK
NP = BPAD // K
HALF_NP = NP // 2
MM_R = 3584
MM_GRID = HALF_NP // MM_R

_HI_MASK = np.int32(-65536)


def _leaky(v):
    return jnp.where(v > 0, v, 0.2 * v)


def _unpack(w):
    lo = lax.bitcast_convert_type(lax.shift_left(w, 16), jnp.float32)
    hi = lax.bitcast_convert_type(lax.bitwise_and(w, _HI_MASK), jnp.float32)
    return lo, hi


def _pack(a, b):
    ar = a.astype(jnp.bfloat16).astype(jnp.float32)
    br = b.astype(jnp.bfloat16).astype(jnp.float32)
    au = lax.shift_right_logical(lax.bitcast_convert_type(ar, jnp.int32), 16)
    bu = lax.bitwise_and(lax.bitcast_convert_type(br, jnp.int32), _HI_MASK)
    return lax.bitwise_or(au, bu)


def _make_sc_gather(off):
    mesh = plsc.VectorSubcoreMesh(core_axis_name="c", subcore_axis_name="s")

    @functools.partial(
        pl.kernel,
        mesh=mesh,
        compiler_params=pltpu.CompilerParams(use_tc_tiling_on_sc=False),
        out_type=jax.ShapeDtypeStruct((HALF_B, H), jnp.int32),
        scratch_types=[
            pltpu.VMEM((B_PER_W,), jnp.int32),
            pltpu.VMEM((NBUF, CHUNK, H), jnp.int32),
            pltpu.SemaphoreType.DMA,
            pltpu.SemaphoreType.DMA,
        ],
    )
    def gather_kernel(table_hbm, idx_hbm, out_hbm, idx_v, rows_v, semg, semw):
        wid = lax.axis_index("s") * 2 + lax.axis_index("c")
        row0 = wid * B_PER_W
        pltpu.sync_copy(idx_hbm.at[pl.ds(off + row0, B_PER_W)], idx_v)

        def gstart(j):
            buf = rows_v.at[lax.rem(j, NBUF)]
            idx_c = idx_v.at[pl.ds(j * CHUNK, CHUNK)]
            pltpu.make_async_copy(table_hbm.at[idx_c], buf, semg).start()

        def gwait():
            pltpu.make_async_copy(
                table_hbm.at[idx_v.at[pl.ds(0, CHUNK)]], rows_v.at[0], semg
            ).wait()

        def wstart(j):
            pltpu.make_async_copy(
                rows_v.at[lax.rem(j, NBUF)],
                out_hbm.at[pl.ds(row0 + j * CHUNK, CHUNK)],
                semw,
            ).start()

        def wwait():
            pltpu.make_async_copy(
                rows_v.at[0], out_hbm.at[pl.ds(row0, CHUNK)], semw
            ).wait()

        gstart(0)
        gstart(1)
        gstart(2)

        def step(j, carry):
            @pl.when(j >= NBUF - 3)
            def _():
                wwait()

            @pl.when(j + 3 < NCHUNK)
            def _():
                gstart(j + 3)

            gwait()
            wstart(j)
            return carry

        lax.fori_loop(0, NCHUNK, step, 0)
        for _ in range(NBUF - 3):
            wwait()

    return gather_kernel


PACK_R = 10000


def _pack_x_body(x_ref, o_ref):
    o_ref[...] = _pack(x_ref[:, :H], x_ref[:, H:])


def _pack_x(x):
    return pl.pallas_call(
        _pack_x_body,
        grid=(N // PACK_R,),
        in_specs=[pl.BlockSpec((PACK_R, C), lambda i: (i, 0))],
        out_specs=pl.BlockSpec((PACK_R, H), lambda i: (i, 0)),
        out_shape=jax.ShapeDtypeStruct((N, H), jnp.int32),
    )(x)


def _mm_body(g_ref, wlo_ref, whi_ref, b_ref, sclo_ref, schi_ref, shlo_ref,
             shhi_ref, h_ref, sum_ref, sq_ref, *, apply_affine, blk_off):
    i = pl.program_id(0)
    glo, ghi = _unpack(g_ref[...])
    if apply_affine:
        glo = _leaky(glo * sclo_ref[...] + shlo_ref[...])
        ghi = _leaky(ghi * schi_ref[...] + shhi_ref[...])
    h = (
        jnp.dot(glo.astype(jnp.bfloat16), wlo_ref[...],
                preferred_element_type=jnp.float32)
        + jnp.dot(ghi.astype(jnp.bfloat16), whi_ref[...],
                  preferred_element_type=jnp.float32)
        + b_ref[...]
    )
    h_ref[...] = _pack(h[:, :H], h[:, H:])
    rows = (i + blk_off) * MM_R + lax.broadcasted_iota(jnp.int32, (MM_R, 1), 0)
    hm = jnp.where(rows < N, h, 0.0)
    s = jnp.sum(hm, axis=0, keepdims=True)
    q = jnp.sum(hm * hm, axis=0, keepdims=True)

    @pl.when(i == 0)
    def _init():
        sum_ref[...] = s
        sq_ref[...] = q

    @pl.when(i > 0)
    def _acc():
        sum_ref[...] += s
        sq_ref[...] += q


def _mm_half_a_call(body, kh):
    return pl.pallas_call(
        body,
        grid=(MM_GRID,),
        in_specs=[
            pl.BlockSpec((MM_R, kh), lambda i: (i, 0)),
            pl.BlockSpec((kh, C), lambda i: (0, 0)),
            pl.BlockSpec((kh, C), lambda i: (0, 0)),
            pl.BlockSpec((1, C), lambda i: (0, 0)),
            pl.BlockSpec((1, kh), lambda i: (0, 0)),
            pl.BlockSpec((1, kh), lambda i: (0, 0)),
            pl.BlockSpec((1, kh), lambda i: (0, 0)),
            pl.BlockSpec((1, kh), lambda i: (0, 0)),
        ],
        out_specs=[
            pl.BlockSpec((MM_R, H), lambda i: (i, 0)),
            pl.BlockSpec((1, C), lambda i: (0, 0)),
            pl.BlockSpec((1, C), lambda i: (0, 0)),
        ],
        out_shape=[
            jax.ShapeDtypeStruct((NP, H), jnp.int32),
            jax.ShapeDtypeStruct((1, C), jnp.float32),
            jax.ShapeDtypeStruct((1, C), jnp.float32),
        ],
    )


def _mm_half_b_call(body, kh):
    nb = MM_GRID
    return pl.pallas_call(
        body,
        grid=(MM_GRID,),
        in_specs=[
            pl.BlockSpec((MM_R, kh), lambda i: (i, 0)),
            pl.BlockSpec((kh, C), lambda i: (0, 0)),
            pl.BlockSpec((kh, C), lambda i: (0, 0)),
            pl.BlockSpec((1, C), lambda i: (0, 0)),
            pl.BlockSpec((1, kh), lambda i: (0, 0)),
            pl.BlockSpec((1, kh), lambda i: (0, 0)),
            pl.BlockSpec((1, kh), lambda i: (0, 0)),
            pl.BlockSpec((1, kh), lambda i: (0, 0)),
            pl.BlockSpec(memory_space=pl.ANY),
        ],
        out_specs=[
            pl.BlockSpec((MM_R, H), lambda i: (i + nb, 0)),
            pl.BlockSpec((1, C), lambda i: (0, 0)),
            pl.BlockSpec((1, C), lambda i: (0, 0)),
        ],
        out_shape=[
            jax.ShapeDtypeStruct((NP, H), jnp.int32),
            jax.ShapeDtypeStruct((1, C), jnp.float32),
            jax.ShapeDtypeStruct((1, C), jnp.float32),
        ],
        input_output_aliases={8: 0},
    )


def _conv(ga, gb, wlo, whi, b, sclo, schi, shlo, shhi, apply_affine):
    kh = K * H
    body_a = functools.partial(_mm_body, apply_affine=apply_affine, blk_off=0)
    body_b = functools.partial(_mm_body, apply_affine=apply_affine,
                               blk_off=MM_GRID)

    def ignore_alias(*refs):
        body_b(*refs[:8], *refs[9:])

    args = (wlo, whi, b.reshape(1, C), sclo, schi, shlo, shhi)
    ha, sa, qa = _mm_half_a_call(body_a, kh)(ga.reshape(HALF_NP, kh), *args)
    hb, sb, qb = _mm_half_b_call(ignore_alias, kh)(
        gb.reshape(HALF_NP, kh), *args, ha)
    return hb, sa + sb, qa + qb


FIN_R = 10000


def _fin_body(h_ref, x_ref, sc_ref, sh_ref, o_ref):
    hlo, hhi = _unpack(h_ref[...])
    h = jnp.concatenate([hlo, hhi], axis=1)
    o_ref[...] = _leaky(h * sc_ref[...] + sh_ref[...] + x_ref[...])


def _finalize(h2, x, scale2, shift2):
    return pl.pallas_call(
        _fin_body,
        grid=(N // FIN_R,),
        in_specs=[
            pl.BlockSpec((FIN_R, H), lambda i: (i, 0)),
            pl.BlockSpec((FIN_R, C), lambda i: (i, 0)),
            pl.BlockSpec((1, C), lambda i: (0, 0)),
            pl.BlockSpec((1, C), lambda i: (0, 0)),
        ],
        out_specs=pl.BlockSpec((FIN_R, C), lambda i: (i, 0)),
        out_shape=jax.ShapeDtypeStruct((N, C), jnp.float32),
    )(h2, x, scale2.reshape(1, C), shift2.reshape(1, C))


def _bn_coeffs(ssum, ssq, gamma, beta):
    mean = ssum[0] / N
    var = ssq[0] / N - mean * mean
    scale = gamma * lax.rsqrt(var + 1e-5)
    shift = beta - mean * scale
    return scale, shift


def _split_w(w):
    w3 = w.reshape(K, C, C)
    wlo = w3[:, :H, :].reshape(K * H, C)
    whi = w3[:, H:, :].reshape(K * H, C)
    return wlo, whi


def kernel(x, neigh_orders, W1, b1, gamma1, beta1, W2, b2, gamma2, beta2):
    idx = jnp.concatenate(
        [neigh_orders, jnp.zeros((BPAD - NK,), jnp.int32)]
    )
    kh = K * H
    zeros_kh = jnp.zeros((1, kh), jnp.float32)
    w1lo, w1hi = _split_w(W1.astype(jnp.bfloat16))
    w2lo, w2hi = _split_w(W2.astype(jnp.bfloat16))

    gather_a = _make_sc_gather(0)
    gather_b = _make_sc_gather(HALF_B)

    xp = _pack_x(x)
    g1a = gather_a(xp, idx)
    g1b = gather_b(xp, idx)
    h1, s1, q1 = _conv(g1a, g1b, w1lo, w1hi, b1, zeros_kh, zeros_kh,
                       zeros_kh, zeros_kh, apply_affine=False)
    scale1, shift1 = _bn_coeffs(s1, q1, gamma1, beta1)

    g2a = gather_a(h1, idx)
    g2b = gather_b(h1, idx)
    sc1lo = jnp.tile(scale1[:H], K).reshape(1, kh)
    sc1hi = jnp.tile(scale1[H:], K).reshape(1, kh)
    sh1lo = jnp.tile(shift1[:H], K).reshape(1, kh)
    sh1hi = jnp.tile(shift1[H:], K).reshape(1, kh)
    h2, s2, q2 = _conv(g2a, g2b, w2lo, w2hi, b2, sc1lo, sc1hi, sh1lo, sh1hi,
                       apply_affine=True)
    scale2, shift2 = _bn_coeffs(s2, q2, gamma2, beta2)

    return _finalize(h2, x, scale2, shift2)

# --- scband reference (transcript-rebuilt; emitter-appended) ---
"""Pipeline reference for scband-res-block-4449586118760 (READ-ONLY COPY).

The authoritative reference and input builder live on the scoring server;
editing this copy changes nothing except your own understanding.
"""

import jax, jax.numpy as jnp
import numpy as np

N = 50000
C_IN = 128
C_OUT = 128


def setup_inputs(seed: int = 0) -> dict:
    key = jax.random.key(seed)
    ks = jax.random.split(key, 10)
    x = jax.random.normal(ks[0], (N, C_IN), dtype=jnp.float32)
    neigh_orders = jax.random.randint(ks[1], (N * 7,), 0, N, dtype=jnp.int32)
    W1 = jax.random.normal(ks[2], (7 * C_IN, C_OUT), dtype=jnp.float32) * 0.02
    b1 = jnp.zeros((C_OUT,), dtype=jnp.float32)
    gamma1 = jnp.ones((C_OUT,), dtype=jnp.float32)
    beta1 = jnp.zeros((C_OUT,), dtype=jnp.float32)
    W2 = jax.random.normal(ks[3], (7 * C_OUT, C_OUT), dtype=jnp.float32) * 0.02
    b2 = jnp.zeros((C_OUT,), dtype=jnp.float32)
    gamma2 = jnp.ones((C_OUT,), dtype=jnp.float32)
    beta2 = jnp.zeros((C_OUT,), dtype=jnp.float32)
    return {"x": x, "neigh_orders": neigh_orders, "W1": W1, "b1": b1,
            "gamma1": gamma1, "beta1": beta1, "W2": W2, "b2": b2,
            "gamma2": gamma2, "beta2": beta2}


def _leaky(x):
    return jnp.where(x > 0, x, 0.2 * x)


def _bn(x, gamma, beta):
    mean = jnp.mean(x, axis=0)
    var = jnp.var(x, axis=0)
    return gamma * (x - mean) / jnp.sqrt(var + 1e-5) + beta


def _onering_conv(x, neigh, W, b):
    # gather one-ring neighborhood features: [N*7, C] -> [N, 7*C]
    mat = jnp.take(x, neigh, axis=0).reshape(x.shape[0], 7 * x.shape[1])
    return mat @ W + b


def reference(x, neigh_orders, W1, b1, gamma1, beta1, W2, b2, gamma2, beta2):
    res = x
    h = _onering_conv(x, neigh_orders, W1, b1)
    h = _bn(h, gamma1, beta1)
    h = _leaky(h)
    h = _onering_conv(h, neigh_orders, W2, b2)
    h = _bn(h, gamma2, beta2)
    # first_in_block=False: no channel doubling of residual
    h = h + res
    h = _leaky(h)
    return h

if __name__ == "__main__":
    import jax
    _d = setup_inputs()
    print(jax.jit(kernel)(*tuple(_d.values())))

</pallas_src>

<mosaic_0001>
#map = affine_map<(d0, d1) -> (0, 0)>
#map1 = affine_map<(d0, d1) -> (0)>
module attributes {stable_mosaic.version = 14 : i64} {
  func.func @gather_kernel(%arg0: i32, %arg1: i32, %arg2: memref<50176x64xi32, #tpu.memory_space<hbm>>, %arg3: memref<351232xi32, #tpu.memory_space<hbm>>, %arg4: memref<175616x64xi32, #tpu.memory_space<hbm>>, %arg5: memref<5488xi32, #tpu.memory_space<vmem>>, %arg6: memref<6x112x64xi32, #tpu.memory_space<vmem>>, %arg7: memref<!tpu.dma_semaphore, #tpu.memory_space<semaphore_mem>>, %arg8: memref<!tpu.dma_semaphore, #tpu.memory_space<semaphore_mem>>) attributes {dimension_semantics = [#tpu.dimension_semantics<core_parallel>, #tpu.dimension_semantics<subcore_parallel>], iteration_bounds = array<i64: 2, 16>, scalar_prefetch = 0 : i64, scratch_operands = 4 : i64, tpu.core_type = #tpu.core_type<sc_vector_subcore>, window_params = [{transform_indices = #map}, {transform_indices = #map1}, {transform_indices = #map}]} {
    %mul3A = arith.constant 2 : i32
    %mul3A_0 = arith.muli %arg1, %mul3A : i32
    %add3A = arith.addi %mul3A_0, %arg0 : i32
    %mul3A_1 = arith.constant 5488 : i32
    %mul3A_2 = arith.muli %add3A, %mul3A_1 : i32
    %add3A_3 = arith.constant 0 : i32
    %add3A_4 = arith.addi %add3A_3, %mul3A_2 : i32
    "tpu.region"() ({
      %run_scoped3A = tpu.sem_alloc : memref<!tpu.dma_semaphore, #tpu.memory_space<semaphore_mem>>
      %dma_start3A_82 = tpu.memref_slice %arg3[%add3A_4] : memref<351232xi32, #tpu.memory_space<hbm>> -> memref<5488xi32, #tpu.memory_space<hbm>>
      %dma_start3A_83 = tpu.memref_slice %arg3[%add3A_4] : memref<351232xi32, #tpu.memory_space<hbm>> -> memref<5488xi32, #tpu.memory_space<hbm>>
      tpu.enqueue_dma source(%dma_start3A_83 : memref<5488xi32, #tpu.memory_space<hbm>>) target(%arg5 : memref<5488xi32, #tpu.memory_space<vmem>>) target_semaphore(%run_scoped3A : memref<!tpu.dma_semaphore, #tpu.memory_space<semaphore_mem>>)
      %dma_wait3A_84 = tpu.memref_slice %arg3[%add3A_4] : memref<351232xi32, #tpu.memory_space<hbm>> -> memref<5488xi32, #tpu.memory_space<hbm>>
      %dma_wait3A_85 = tpu.memref_slice %arg3[%add3A_4] : memref<351232xi32, #tpu.memory_space<hbm>> -> memref<5488xi32, #tpu.memory_space<hbm>>
      tpu.wait_dma2 semaphore(%run_scoped3A : memref<!tpu.dma_semaphore, #tpu.memory_space<semaphore_mem>>) src(%dma_wait3A_85 : memref<5488xi32, #tpu.memory_space<hbm>>) dst(%arg5 : memref<5488xi32, #tpu.memory_space<vmem>>)
      tpu.yield
    }) : () -> ()
    %rem3A = arith.constant 0 : i32
    %rem3A_5 = arith.constant 6 : i32
    %rem3A_6 = arith.remsi %rem3A, %rem3A_5 : i32
    %dma_start3A = arith.constant 0 : i32
    %dma_start3A_7 = arith.constant 0 : i32
    %dma_start3A_8 = tpu.memref_slice %arg6[%rem3A_6, %dma_start3A, %dma_start3A_7] : memref<6x112x64xi32, #tpu.memory_space<vmem>> -> memref<1x112x64xi32, #tpu.memory_space<vmem>>
    %dma_start3A_9 = tpu.memref_squeeze %dma_start3A_8 : memref<1x112x64xi32, #tpu.memory_space<vmem>> -> memref<112x64xi32, #tpu.memory_space<vmem>>
    %dma_start3A_10 = arith.constant 0 : i32
    %dma_start3A_11 = tpu.memref_slice %arg5[%dma_start3A_10] : memref<5488xi32, #tpu.memory_space<vmem>> -> memref<112xi32, #tpu.memory_space<vmem>>
    %dma_start3A_12 = arith.constant 0 : i32
    %dma_start3A_13 = arith.constant 0 : i32
    %dma_start3A_14 = tpu.memref_slice %arg2[%dma_start3A_12, %dma_start3A_13] : memref<50176x64xi32, #tpu.memory_space<hbm>> -> memref<50176x64xi32, #tpu.memory_space<hbm>>
    tpu.enqueue_indirect_dma source(%dma_start3A_14 : memref<50176x64xi32, #tpu.memory_space<hbm>>) target(%dma_start3A_9 : memref<112x64xi32, #tpu.memory_space<vmem>>) offsets(%dma_start3A_11 : memref<112xi32, #tpu.memory_space<vmem>>) semaphore(%arg7 : memref<!tpu.dma_semaphore, #tpu.memory_space<semaphore_mem>>)
    %rem3A_15 = arith.constant 1 : i32
    %rem3A_16 = arith.constant 6 : i32
    %rem3A_17 = arith.remsi %rem3A_15, %rem3A_16 : i32
    %dma_start3A_18 = arith.constant 0 : i32
    %dma_start3A_19 = arith.constant 0 : i32
    %dma_start3A_20 = tpu.memref_slice %arg6[%rem3A_17, %dma_start3A_18, %dma_start3A_19] : memref<6x112x64xi32, #tpu.memory_space<vmem>> -> memref<1x112x64xi32, #tpu.memory_space<vmem>>
    %dma_start3A_21 = tpu.memref_squeeze %dma_start3A_20 : memref<1x112x64xi32, #tpu.memory_space<vmem>> -> memref<112x64xi32, #tpu.memory_space<vmem>>
    %dma_start3A_22 = arith.constant 112 : i32
    %dma_start3A_23 = tpu.memref_slice %arg5[%dma_start3A_22] : memref<5488xi32, #tpu.memory_space<vmem>> -> memref<112xi32, #tpu.memory_space<vmem>>
    %dma_start3A_24 = arith.constant 0 : i32
    %dma_start3A_25 = arith.constant 0 : i32
    %dma_start3A_26 = tpu.memref_slice %arg2[%dma_start3A_24, %dma_start3A_25] : memref<50176x64xi32, #tpu.memory_space<hbm>> -> memref<50176x64xi32, #tpu.memory_space<hbm>>
    tpu.enqueue_indirect_dma source(%dma_start3A_26 : memref<50176x64xi32, #tpu.memory_space<hbm>>) target(%dma_start3A_21 : memref<112x64xi32, #tpu.memory_space<vmem>>) offsets(%dma_start3A_23 : memref<112xi32, #tpu.memory_space<vmem>>) semaphore(%arg7 : memref<!tpu.dma_semaphore, #tpu.memory_space<semaphore_mem>>)
    %rem3A_27 = arith.constant 2 : i32
    %rem3A_28 = arith.constant 6 : i32
    %rem3A_29 = arith.remsi %rem3A_27, %rem3A_28 : i32
    %dma_start3A_30 = arith.constant 0 : i32
    %dma_start3A_31 = arith.constant 0 : i32
    %dma_start3A_32 = tpu.memref_slice %arg6[%rem3A_29, %dma_start3A_30, %dma_start3A_31] : memref<6x112x64xi32, #tpu.memory_space<vmem>> -> memref<1x112x64xi32, #tpu.memory_space<vmem>>
    %dma_start3A_33 = tpu.memref_squeeze %dma_start3A_32 : memref<1x112x64xi32, #tpu.memory_space<vmem>> -> memref<112x64xi32, #tpu.memory_space<vmem>>
    %dma_start3A_34 = arith.constant 224 : i32
    %dma_start3A_35 = tpu.memref_slice %arg5[%dma_start3A_34] : memref<5488xi32, #tpu.memory_space<vmem>> -> memref<112xi32, #tpu.memory_space<vmem>>
    %dma_start3A_36 = arith.constant 0 : i32
    %dma_start3A_37 = arith.constant 0 : i32
    %dma_start3A_38 = tpu.memref_slice %arg2[%dma_start3A_36, %dma_start3A_37] : memref<50176x64xi32, #tpu.memory_space<hbm>> -> memref<50176x64xi32, #tpu.memory_space<hbm>>
    tpu.enqueue_indirect_dma source(%dma_start3A_38 : memref<50176x64xi32, #tpu.memory_space<hbm>>) target(%dma_start3A_33 : memref<112x64xi32, #tpu.memory_space<vmem>>) offsets(%dma_start3A_35 : memref<112xi32, #tpu.memory_space<vmem>>) semaphore(%arg7 : memref<!tpu.dma_semaphore, #tpu.memory_space<semaphore_mem>>)
    %scan3A = arith.constant 0 : i32
    %scan3A_39 = arith.constant 0 : i32
    %scan3A_40 = arith.constant 49 : i32
    %scan3A_41 = arith.addi %scan3A_39, %scan3A_40 : i32
    %scan3A_42 = arith.constant 1 : i32
    scf.for %scan3A_82 = %scan3A_39 to %scan3A_41 step %scan3A_42  : i32 {
      %ge3A = arith.constant 3 : i32
      %ge3A_83 = arith.cmpi sge, %scan3A_82, %ge3A : i32
      %convert_element_type3A = arith.extui %ge3A_83 : i1 to i32
      %cond3A = arith.constant 0 : i32
      %cond3A_84 = arith.cmpi ne, %convert_element_type3A, %cond3A : i32
      scf.if %cond3A_84 {
        %dma_wait3A_118 = arith.constant 0 : i32
        %dma_wait3A_119 = arith.constant 0 : i32
        %dma_wait3A_120 = arith.constant 0 : i32
        %dma_wait3A_121 = tpu.memref_slice %arg6[%dma_wait3A_118, %dma_wait3A_119, %dma_wait3A_120] : memref<6x112x64xi32, #tpu.memory_space<vmem>> -> memref<1x112x64xi32, #tpu.memory_space<vmem>>
        %dma_wait3A_122 = tpu.memref_squeeze %dma_wait3A_121 : memref<1x112x64xi32, #tpu.memory_space<vmem>> -> memref<112x64xi32, #tpu.memory_space<vmem>>
        %dma_wait3A_123 = arith.constant 0 : i32
        %dma_wait3A_124 = tpu.memref_slice %arg4[%mul3A_2, %dma_wait3A_123] : memref<175616x64xi32, #tpu.memory_space<hbm>> -> memref<112x64xi32, #tpu.memory_space<hbm>>
        %dma_wait3A_125 = arith.constant 0 : i32
        %dma_wait3A_126 = tpu.memref_slice %arg4[%mul3A_2, %dma_wait3A_125] : memref<175616x64xi32, #tpu.memory_space<hbm>> -> memref<112x64xi32, #tpu.memory_space<hbm>>
        %dma_wait3A_127 = arith.constant 0 : i32
        %dma_wait3A_128 = arith.constant 0 : i32
        %dma_wait3A_129 = tpu.memref_slice %arg6[%dma_wait3A_118, %dma_wait3A_127, %dma_wait3A_128] : memref<6x112x64xi32, #tpu.memory_space<vmem>> -> memref<1x112x64xi32, #tpu.memory_space<vmem>>
        %dma_wait3A_130 = tpu.memref_squeeze %dma_wait3A_129 : memref<1x112x64xi32, #tpu.memory_space<vmem>> -> memref<112x64xi32, #tpu.memory_space<vmem>>
        tpu.wait_dma2 semaphore(%arg8 : memref<!tpu.dma_semaphore, #tpu.memory_space<semaphore_mem>>) src(%dma_wait3A_130 : memref<112x64xi32, #tpu.memory_space<vmem>>) dst(%dma_wait3A_126 : memref<112x64xi32, #tpu.memory_space<hbm>>)
      } else {
      }
      %add3A_85 = arith.constant 3 : i32
      %add3A_86 = arith.addi %scan3A_82, %add3A_85 : i32
      %lt3A = arith.constant 49 : i32
      %lt3A_87 = arith.cmpi slt, %add3A_86, %lt3A : i32
      %convert_element_type3A_88 = arith.extui %lt3A_87 : i1 to i32
      %cond3A_89 = arith.constant 0 : i32
      %cond3A_90 = arith.cmpi ne, %convert_element_type3A_88, %cond3A_89 : i32
      scf.if %cond3A_90 {
        %add3A_118 = arith.constant 3 : i32
        %add3A_119 = arith.addi %scan3A_82, %add3A_118 : i32
        %rem3A_120 = arith.constant 6 : i32
        %rem3A_121 = arith.remsi %add3A_119, %rem3A_120 : i32
        %mul3A_122 = arith.constant 112 : i32
        %mul3A_123 = arith.muli %add3A_119, %mul3A_122 : i32
        %dma_start3A_124 = arith.constant 0 : i32
        %dma_start3A_125 = arith.constant 0 : i32
        %dma_start3A_126 = tpu.memref_slice %arg6[%rem3A_121, %dma_start3A_124, %dma_start3A_125] : memref<6x112x64xi32, #tpu.memory_space<vmem>> -> memref<1x112x64xi32, #tpu.memory_space<vmem>>
        %dma_start3A_127 = tpu.memref_squeeze %dma_start3A_126 : memref<1x112x64xi32, #tpu.memory_space<vmem>> -> memref<112x64xi32, #tpu.memory_space<vmem>>
        %dma_start3A_128 = tpu.memref_slice %arg5[%mul3A_123] : memref<5488xi32, #tpu.memory_space<vmem>> -> memref<112xi32, #tpu.memory_space<vmem>>
        %dma_start3A_129 = arith.constant 0 : i32
        %dma_start3A_130 = arith.constant 0 : i32
        %dma_start3A_131 = tpu.memref_slice %arg2[%dma_start3A_129, %dma_start3A_130] : memref<50176x64xi32, #tpu.memory_space<hbm>> -> memref<50176x64xi32, #tpu.memory_space<hbm>>
        tpu.enqueue_indirect_dma source(%dma_start3A_131 : memref<50176x64xi32, #tpu.memory_space<hbm>>) target(%dma_start3A_127 : memref<112x64xi32, #tpu.memory_space<vmem>>) offsets(%dma_start3A_128 : memref<112xi32, #tpu.memory_space<vmem>>) semaphore(%arg7 : memref<!tpu.dma_semaphore, #tpu.memory_space<semaphore_mem>>)
      } else {
      }
      %dma_wait3A_91 = arith.constant 0 : i32
      %dma_wait3A_92 = arith.constant 0 : i32
      %dma_wait3A_93 = arith.constant 0 : i32
      %dma_wait3A_94 = tpu.memref_slice %arg6[%dma_wait3A_91, %dma_wait3A_92, %dma_wait3A_93] : memref<6x112x64xi32, #tpu.memory_space<vmem>> -> memref<1x112x64xi32, #tpu.memory_space<vmem>>
      %dma_wait3A_95 = tpu.memref_squeeze %dma_wait3A_94 : memref<1x112x64xi32, #tpu.memory_space<vmem>> -> memref<112x64xi32, #tpu.memory_space<vmem>>
      %dma_wait3A_96 = arith.constant 0 : i32
      %dma_wait3A_97 = tpu.memref_slice %arg5[%dma_wait3A_96] : memref<5488xi32, #tpu.memory_space<vmem>> -> memref<112xi32, #tpu.memory_space<vmem>>
      %dma_wait3A_98 = arith.constant 0 : i32
      %dma_wait3A_99 = arith.constant 0 : i32
      %dma_wait3A_100 = tpu.memref_slice %arg2[%dma_wait3A_98, %dma_wait3A_99] : memref<50176x64xi32, #tpu.memory_space<hbm>> -> memref<50176x64xi32, #tpu.memory_space<hbm>>
      tpu.wait_indirect_dma semaphore(%arg7 : memref<!tpu.dma_semaphore, #tpu.memory_space<semaphore_mem>>) src(%dma_wait3A_100 : memref<50176x64xi32, #tpu.memory_space<hbm>>) dst(%dma_wait3A_95 : memref<112x64xi32, #tpu.memory_space<vmem>>)
      %rem3A_101 = arith.constant 6 : i32
      %rem3A_102 = arith.remsi %scan3A_82, %rem3A_101 : i32
      %mul3A_103 = arith.constant 112 : i32
      %mul3A_104 = arith.muli %scan3A_82, %mul3A_103 : i32
      %add3A_105 = arith.addi %mul3A_2, %mul3A_104 : i32
      %dma_start3A_106 = arith.constant 0 : i32
      %dma_start3A_107 = arith.constant 0 : i32
      %dma_start3A_108 = tpu.memref_slice %arg6[%rem3A_102, %dma_start3A_106, %dma_start3A_107] : memref<6x112x64xi32, #tpu.memory_space<vmem>> -> memref<1x112x64xi32, #tpu.memory_space<vmem>>
      %dma_start3A_109 = tpu.memref_squeeze %dma_start3A_108 : memref<1x112x64xi32, #tpu.memory_space<vmem>> -> memref<112x64xi32, #tpu.memory_space<vmem>>
      %dma_start3A_110 = arith.constant 0 : i32
      %dma_start3A_111 = tpu.memref_slice %arg4[%add3A_105, %dma_start3A_110] : memref<175616x64xi32, #tpu.memory_space<hbm>> -> memref<112x64xi32, #tpu.memory_space<hbm>>
      %dma_start3A_112 = arith.constant 0 : i32
      %dma_start3A_113 = tpu.memref_slice %arg4[%add3A_105, %dma_start3A_112] : memref<175616x64xi32, #tpu.memory_space<hbm>> -> memref<112x64xi32, #tpu.memory_space<hbm>>
      %dma_start3A_114 = arith.constant 0 : i32
      %dma_start3A_115 = arith.constant 0 : i32
      %dma_start3A_116 = tpu.memref_slice %arg6[%rem3A_102, %dma_start3A_114, %dma_start3A_115] : memref<6x112x64xi32, #tpu.memory_space<vmem>> -> memref<1x112x64xi32, #tpu.memory_space<vmem>>
      %dma_start3A_117 = tpu.memref_squeeze %dma_start3A_116 : memref<1x112x64xi32, #tpu.memory_space<vmem>> -> memref<112x64xi32, #tpu.memory_space<vmem>>
      tpu.enqueue_dma source(%dma_start3A_117 : memref<112x64xi32, #tpu.memory_space<vmem>>) target(%dma_start3A_113 : memref<112x64xi32, #tpu.memory_space<hbm>>) target_semaphore(%arg8 : memref<!tpu.dma_semaphore, #tpu.memory_space<semaphore_mem>>)
    }
    %scan3A_43 = arith.constant 49 : i32
    %dma_wait3A = arith.constant 0 : i32
    %dma_wait3A_44 = arith.constant 0 : i32
    %dma_wait3A_45 = arith.constant 0 : i32
    %dma_wait3A_46 = tpu.memref_slice %arg6[%dma_wait3A, %dma_wait3A_44, %dma_wait3A_45] : memref<6x112x64xi32, #tpu.memory_space<vmem>> -> memref<1x112x64xi32, #tpu.memory_space<vmem>>
    %dma_wait3A_47 = tpu.memref_squeeze %dma_wait3A_46 : memref<1x112x64xi32, #tpu.memory_space<vmem>> -> memref<112x64xi32, #tpu.memory_space<vmem>>
    %dma_wait3A_48 = arith.constant 0 : i32
    %dma_wait3A_49 = tpu.memref_slice %arg4[%mul3A_2, %dma_wait3A_48] : memref<175616x64xi32, #tpu.memory_space<hbm>> -> memref<112x64xi32, #tpu.memory_space<hbm>>
    %dma_wait3A_50 = arith.constant 0 : i32
    %dma_wait3A_51 = tpu.memref_slice %arg4[%mul3A_2, %dma_wait3A_50] : memref<175616x64xi32, #tpu.memory_space<hbm>> -> memref<112x64xi32, #tpu.memory_space<hbm>>
    %dma_wait3A_52 = arith.constant 0 : i32
    %dma_wait3A_53 = arith.constant 0 : i32
    %dma_wait3A_54 = tpu.memref_slice %arg6[%dma_wait3A, %dma_wait3A_52, %dma_wait3A_53] : memref<6x112x64xi32, #tpu.memory_space<vmem>> -> memref<1x112x64xi32, #tpu.memory_space<vmem>>
    %dma_wait3A_55 = tpu.memref_squeeze %dma_wait3A_54 : memref<1x112x64xi32, #tpu.memory_space<vmem>> -> memref<112x64xi32, #tpu.memory_space<vmem>>
    tpu.wait_dma2 semaphore(%arg8 : memref<!tpu.dma_semaphore, #tpu.memory_space<semaphore_mem>>) src(%dma_wait3A_55 : memref<112x64xi32, #tpu.memory_space<vmem>>) dst(%dma_wait3A_51 : memref<112x64xi32, #tpu.memory_space<hbm>>)
    %dma_wait3A_56 = arith.constant 0 : i32
    %dma_wait3A_57 = arith.constant 0 : i32
    %dma_wait3A_58 = arith.constant 0 : i32
    %dma_wait3A_59 = tpu.memref_slice %arg6[%dma_wait3A_56, %dma_wait3A_57, %dma_wait3A_58] : memref<6x112x64xi32, #tpu.memory_space<vmem>> -> memref<1x112x64xi32, #tpu.memory_space<vmem>>
    %dma_wait3A_60 = tpu.memref_squeeze %dma_wait3A_59 : memref<1x112x64xi32, #tpu.memory_space<vmem>> -> memref<112x64xi32, #tpu.memory_space<vmem>>
    %dma_wait3A_61 = arith.constant 0 : i32
    %dma_wait3A_62 = tpu.memref_slice %arg4[%mul3A_2, %dma_wait3A_61] : memref<175616x64xi32, #tpu.memory_space<hbm>> -> memref<112x64xi32, #tpu.memory_space<hbm>>
    %dma_wait3A_63 = arith.constant 0 : i32
    %dma_wait3A_64 = tpu.memref_slice %arg4[%mul3A_2, %dma_wait3A_63] : memref<175616x64xi32, #tpu.memory_space<hbm>> -> memref<112x64xi32, #tpu.memory_space<hbm>>
    %dma_wait3A_65 = arith.constant 0 : i32
    %dma_wait3A_66 = arith.constant 0 : i32
    %dma_wait3A_67 = tpu.memref_slice %arg6[%dma_wait3A_56, %dma_wait3A_65, %dma_wait3A_66] : memref<6x112x64xi32, #tpu.memory_space<vmem>> -> memref<1x112x64xi32, #tpu.memory_space<vmem>>
    %dma_wait3A_68 = tpu.memref_squeeze %dma_wait3A_67 : memref<1x112x64xi32, #tpu.memory_space<vmem>> -> memref<112x64xi32, #tpu.memory_space<vmem>>
    tpu.wait_dma2 semaphore(%arg8 : memref<!tpu.dma_semaphore, #tpu.memory_space<semaphore_mem>>) src(%dma_wait3A_68 : memref<112x64xi32, #tpu.memory_space<vmem>>) dst(%dma_wait3A_64 : memref<112x64xi32, #tpu.memory_space<hbm>>)
    %dma_wait3A_69 = arith.constant 0 : i32
    %dma_wait3A_70 = arith.constant 0 : i32
    %dma_wait3A_71 = arith.constant 0 : i32
    %dma_wait3A_72 = tpu.memref_slice %arg6[%dma_wait3A_69, %dma_wait3A_70, %dma_wait3A_71] : memref<6x112x64xi32, #tpu.memory_space<vmem>> -> memref<1x112x64xi32, #tpu.memory_space<vmem>>
    %dma_wait3A_73 = tpu.memref_squeeze %dma_wait3A_72 : memref<1x112x64xi32, #tpu.memory_space<vmem>> -> memref<112x64xi32, #tpu.memory_space<vmem>>
    %dma_wait3A_74 = arith.constant 0 : i32
    %dma_wait3A_75 = tpu.memref_slice %arg4[%mul3A_2, %dma_wait3A_74] : memref<175616x64xi32, #tpu.memory_space<hbm>> -> memref<112x64xi32, #tpu.memory_space<hbm>>
    %dma_wait3A_76 = arith.constant 0 : i32
    %dma_wait3A_77 = tpu.memref_slice %arg4[%mul3A_2, %dma_wait3A_76] : memref<175616x64xi32, #tpu.memory_space<hbm>> -> memref<112x64xi32, #tpu.memory_space<hbm>>
    %dma_wait3A_78 = arith.constant 0 : i32
    %dma_wait3A_79 = arith.constant 0 : i32
    %dma_wait3A_80 = tpu.memref_slice %arg6[%dma_wait3A_69, %dma_wait3A_78, %dma_wait3A_79] : memref<6x112x64xi32, #tpu.memory_space<vmem>> -> memref<1x112x64xi32, #tpu.memory_space<vmem>>
    %dma_wait3A_81 = tpu.memref_squeeze %dma_wait3A_80 : memref<1x112x64xi32, #tpu.memory_space<vmem>> -> memref<112x64xi32, #tpu.memory_space<vmem>>
    tpu.wait_dma2 semaphore(%arg8 : memref<!tpu.dma_semaphore, #tpu.memory_space<semaphore_mem>>) src(%dma_wait3A_81 : memref<112x64xi32, #tpu.memory_space<vmem>>) dst(%dma_wait3A_77 : memref<112x64xi32, #tpu.memory_space<hbm>>)
    return
  }
}

#map = affine_map<(d0, d1) -> (0, 0)>
#map1 = affine_map<(d0, d1) -> (0)>
module attributes {stable_mosaic.version = 14 : i64} {
  func.func @gather_kernel(%arg0: i32, %arg1: i32, %arg2: memref<50176x64xi32, #tpu.memory_space<hbm>>, %arg3: memref<351232xi32, #tpu.memory_space<hbm>>, %arg4: memref<175616x64xi32, #tpu.memory_space<hbm>>, %arg5: memref<5488xi32, #tpu.memory_space<vmem>>, %arg6: memref<6x112x64xi32, #tpu.memory_space<vmem>>, %arg7: memref<!tpu.dma_semaphore, #tpu.memory_space<semaphore_mem>>, %arg8: memref<!tpu.dma_semaphore, #tpu.memory_space<semaphore_mem>>) attributes {dimension_semantics = [#tpu.dimension_semantics<core_parallel>, #tpu.dimension_semantics<subcore_parallel>], iteration_bounds = array<i64: 2, 16>, scalar_prefetch = 0 : i64, scratch_operands = 4 : i64, tpu.core_type = #tpu.core_type<sc_vector_subcore>, window_params = [{transform_indices = #map}, {transform_indices = #map1}, {transform_indices = #map}]} {
    %mul3A = arith.constant 2 : i32
    %mul3A_0 = arith.muli %arg1, %mul3A : i32
    %add3A = arith.addi %mul3A_0, %arg0 : i32
    %mul3A_1 = arith.constant 5488 : i32
    %mul3A_2 = arith.muli %add3A, %mul3A_1 : i32
    %add3A_3 = arith.constant 175616 : i32
    %add3A_4 = arith.addi %add3A_3, %mul3A_2 : i32
    "tpu.region"() ({
      %run_scoped3A = tpu.sem_alloc : memref<!tpu.dma_semaphore, #tpu.memory_space<semaphore_mem>>
      %dma_start3A_82 = tpu.memref_slice %arg3[%add3A_4] : memref<351232xi32, #tpu.memory_space<hbm>> -> memref<5488xi32, #tpu.memory_space<hbm>>
      %dma_start3A_83 = tpu.memref_slice %arg3[%add3A_4] : memref<351232xi32, #tpu.memory_space<hbm>> -> memref<5488xi32, #tpu.memory_space<hbm>>
      tpu.enqueue_dma source(%dma_start3A_83 : memref<5488xi32, #tpu.memory_space<hbm>>) target(%arg5 : memref<5488xi32, #tpu.memory_space<vmem>>) target_semaphore(%run_scoped3A : memref<!tpu.dma_semaphore, #tpu.memory_space<semaphore_mem>>)
      %dma_wait3A_84 = tpu.memref_slice %arg3[%add3A_4] : memref<351232xi32, #tpu.memory_space<hbm>> -> memref<5488xi32, #tpu.memory_space<hbm>>
      %dma_wait3A_85 = tpu.memref_slice %arg3[%add3A_4] : memref<351232xi32, #tpu.memory_space<hbm>> -> memref<5488xi32, #tpu.memory_space<hbm>>
      tpu.wait_dma2 semaphore(%run_scoped3A : memref<!tpu.dma_semaphore, #tpu.memory_space<semaphore_mem>>) src(%dma_wait3A_85 : memref<5488xi32, #tpu.memory_space<hbm>>) dst(%arg5 : memref<5488xi32, #tpu.memory_space<vmem>>)
      tpu.yield
    }) : () -> ()
    %rem3A = arith.constant 0 : i32
    %rem3A_5 = arith.constant 6 : i32
    %rem3A_6 = arith.remsi %rem3A, %rem3A_5 : i32
    %dma_start3A = arith.constant 0 : i32
    %dma_start3A_7 = arith.constant 0 : i32
    %dma_start3A_8 = tpu.memref_slice %arg6[%rem3A_6, %dma_start3A, %dma_start3A_7] : memref<6x112x64xi32, #tpu.memory_space<vmem>> -> memref<1x112x64xi32, #tpu.memory_space<vmem>>
    %dma_start3A_9 = tpu.memref_squeeze %dma_start3A_8 : memref<1x112x64xi32, #tpu.memory_space<vmem>> -> memref<112x64xi32, #tpu.memory_space<vmem>>
    %dma_start3A_10 = arith.constant 0 : i32
    %dma_start3A_11 = tpu.memref_slice %arg5[%dma_start3A_10] : memref<5488xi32, #tpu.memory_space<vmem>> -> memref<112xi32, #tpu.memory_space<vmem>>
    %dma_start3A_12 = arith.constant 0 : i32
    %dma_start3A_13 = arith.constant 0 : i32
    %dma_start3A_14 = tpu.memref_slice %arg2[%dma_start3A_12, %dma_start3A_13] : memref<50176x64xi32, #tpu.memory_space<hbm>> -> memref<50176x64xi32, #tpu.memory_space<hbm>>
    tpu.enqueue_indirect_dma source(%dma_start3A_14 : memref<50176x64xi32, #tpu.memory_space<hbm>>) target(%dma_start3A_9 : memref<112x64xi32, #tpu.memory_space<vmem>>) offsets(%dma_start3A_11 : memref<112xi32, #tpu.memory_space<vmem>>) semaphore(%arg7 : memref<!tpu.dma_semaphore, #tpu.memory_space<semaphore_mem>>)
    %rem3A_15 = arith.constant 1 : i32
    %rem3A_16 = arith.constant 6 : i32
    %rem3A_17 = arith.remsi %rem3A_15, %rem3A_16 : i32
    %dma_start3A_18 = arith.constant 0 : i32
    %dma_start3A_19 = arith.constant 0 : i32
    %dma_start3A_20 = tpu.memref_slice %arg6[%rem3A_17, %dma_start3A_18, %dma_start3A_19] : memref<6x112x64xi32, #tpu.memory_space<vmem>> -> memref<1x112x64xi32, #tpu.memory_space<vmem>>
    %dma_start3A_21 = tpu.memref_squeeze %dma_start3A_20 : memref<1x112x64xi32, #tpu.memory_space<vmem>> -> memref<112x64xi32, #tpu.memory_space<vmem>>
    %dma_start3A_22 = arith.constant 112 : i32
    %dma_start3A_23 = tpu.memref_slice %arg5[%dma_start3A_22] : memref<5488xi32, #tpu.memory_space<vmem>> -> memref<112xi32, #tpu.memory_space<vmem>>
    %dma_start3A_24 = arith.constant 0 : i32
    %dma_start3A_25 = arith.constant 0 : i32
    %dma_start3A_26 = tpu.memref_slice %arg2[%dma_start3A_24, %dma_start3A_25] : memref<50176x64xi32, #tpu.memory_space<hbm>> -> memref<50176x64xi32, #tpu.memory_space<hbm>>
    tpu.enqueue_indirect_dma source(%dma_start3A_26 : memref<50176x64xi32, #tpu.memory_space<hbm>>) target(%dma_start3A_21 : memref<112x64xi32, #tpu.memory_space<vmem>>) offsets(%dma_start3A_23 : memref<112xi32, #tpu.memory_space<vmem>>) semaphore(%arg7 : memref<!tpu.dma_semaphore, #tpu.memory_space<semaphore_mem>>)
    %rem3A_27 = arith.constant 2 : i32
    %rem3A_28 = arith.constant 6 : i32
    %rem3A_29 = arith.remsi %rem3A_27, %rem3A_28 : i32
    %dma_start3A_30 = arith.constant 0 : i32
    %dma_start3A_31 = arith.constant 0 : i32
    %dma_start3A_32 = tpu.memref_slice %arg6[%rem3A_29, %dma_start3A_30, %dma_start3A_31] : memref<6x112x64xi32, #tpu.memory_space<vmem>> -> memref<1x112x64xi32, #tpu.memory_space<vmem>>
    %dma_start3A_33 = tpu.memref_squeeze %dma_start3A_32 : memref<1x112x64xi32, #tpu.memory_space<vmem>> -> memref<112x64xi32, #tpu.memory_space<vmem>>
    %dma_start3A_34 = arith.constant 224 : i32
    %dma_start3A_35 = tpu.memref_slice %arg5[%dma_start3A_34] : memref<5488xi32, #tpu.memory_space<vmem>> -> memref<112xi32, #tpu.memory_space<vmem>>
    %dma_start3A_36 = arith.constant 0 : i32
    %dma_start3A_37 = arith.constant 0 : i32
    %dma_start3A_38 = tpu.memref_slice %arg2[%dma_start3A_36, %dma_start3A_37] : memref<50176x64xi32, #tpu.memory_space<hbm>> -> memref<50176x64xi32, #tpu.memory_space<hbm>>
    tpu.enqueue_indirect_dma source(%dma_start3A_38 : memref<50176x64xi32, #tpu.memory_space<hbm>>) target(%dma_start3A_33 : memref<112x64xi32, #tpu.memory_space<vmem>>) offsets(%dma_start3A_35 : memref<112xi32, #tpu.memory_space<vmem>>) semaphore(%arg7 : memref<!tpu.dma_semaphore, #tpu.memory_space<semaphore_mem>>)
    %scan3A = arith.constant 0 : i32
    %scan3A_39 = arith.constant 0 : i32
    %scan3A_40 = arith.constant 49 : i32
    %scan3A_41 = arith.addi %scan3A_39, %scan3A_40 : i32
    %scan3A_42 = arith.constant 1 : i32
    scf.for %scan3A_82 = %scan3A_39 to %scan3A_41 step %scan3A_42  : i32 {
      %ge3A = arith.constant 3 : i32
      %ge3A_83 = arith.cmpi sge, %scan3A_82, %ge3A : i32
      %convert_element_type3A = arith.extui %ge3A_83 : i1 to i32
      %cond3A = arith.constant 0 : i32
      %cond3A_84 = arith.cmpi ne, %convert_element_type3A, %cond3A : i32
      scf.if %cond3A_84 {
        %dma_wait3A_118 = arith.constant 0 : i32
        %dma_wait3A_119 = arith.constant 0 : i32
        %dma_wait3A_120 = arith.constant 0 : i32
        %dma_wait3A_121 = tpu.memref_slice %arg6[%dma_wait3A_118, %dma_wait3A_119, %dma_wait3A_120] : memref<6x112x64xi32, #tpu.memory_space<vmem>> -> memref<1x112x64xi32, #tpu.memory_space<vmem>>
        %dma_wait3A_122 = tpu.memref_squeeze %dma_wait3A_121 : memref<1x112x64xi32, #tpu.memory_space<vmem>> -> memref<112x64xi32, #tpu.memory_space<vmem>>
        %dma_wait3A_123 = arith.constant 0 : i32
        %dma_wait3A_124 = tpu.memref_slice %arg4[%mul3A_2, %dma_wait3A_123] : memref<175616x64xi32, #tpu.memory_space<hbm>> -> memref<112x64xi32, #tpu.memory_space<hbm>>
        %dma_wait3A_125 = arith.constant 0 : i32
        %dma_wait3A_126 = tpu.memref_slice %arg4[%mul3A_2, %dma_wait3A_125] : memref<175616x64xi32, #tpu.memory_space<hbm>> -> memref<112x64xi32, #tpu.memory_space<hbm>>
        %dma_wait3A_127 = arith.constant 0 : i32
        %dma_wait3A_128 = arith.constant 0 : i32
        %dma_wait3A_129 = tpu.memref_slice %arg6[%dma_wait3A_118, %dma_wait3A_127, %dma_wait3A_128] : memref<6x112x64xi32, #tpu.memory_space<vmem>> -> memref<1x112x64xi32, #tpu.memory_space<vmem>>
        %dma_wait3A_130 = tpu.memref_squeeze %dma_wait3A_129 : memref<1x112x64xi32, #tpu.memory_space<vmem>> -> memref<112x64xi32, #tpu.memory_space<vmem>>
        tpu.wait_dma2 semaphore(%arg8 : memref<!tpu.dma_semaphore, #tpu.memory_space<semaphore_mem>>) src(%dma_wait3A_130 : memref<112x64xi32, #tpu.memory_space<vmem>>) dst(%dma_wait3A_126 : memref<112x64xi32, #tpu.memory_space<hbm>>)
      } else {
      }
      %add3A_85 = arith.constant 3 : i32
      %add3A_86 = arith.addi %scan3A_82, %add3A_85 : i32
      %lt3A = arith.constant 49 : i32
      %lt3A_87 = arith.cmpi slt, %add3A_86, %lt3A : i32
      %convert_element_type3A_88 = arith.extui %lt3A_87 : i1 to i32
      %cond3A_89 = arith.constant 0 : i32
      %cond3A_90 = arith.cmpi ne, %convert_element_type3A_88, %cond3A_89 : i32
      scf.if %cond3A_90 {
        %add3A_118 = arith.constant 3 : i32
        %add3A_119 = arith.addi %scan3A_82, %add3A_118 : i32
        %rem3A_120 = arith.constant 6 : i32
        %rem3A_121 = arith.remsi %add3A_119, %rem3A_120 : i32
        %mul3A_122 = arith.constant 112 : i32
        %mul3A_123 = arith.muli %add3A_119, %mul3A_122 : i32
        %dma_start3A_124 = arith.constant 0 : i32
        %dma_start3A_125 = arith.constant 0 : i32
        %dma_start3A_126 = tpu.memref_slice %arg6[%rem3A_121, %dma_start3A_124, %dma_start3A_125] : memref<6x112x64xi32, #tpu.memory_space<vmem>> -> memref<1x112x64xi32, #tpu.memory_space<vmem>>
        %dma_start3A_127 = tpu.memref_squeeze %dma_start3A_126 : memref<1x112x64xi32, #tpu.memory_space<vmem>> -> memref<112x64xi32, #tpu.memory_space<vmem>>
        %dma_start3A_128 = tpu.memref_slice %arg5[%mul3A_123] : memref<5488xi32, #tpu.memory_space<vmem>> -> memref<112xi32, #tpu.memory_space<vmem>>
        %dma_start3A_129 = arith.constant 0 : i32
        %dma_start3A_130 = arith.constant 0 : i32
        %dma_start3A_131 = tpu.memref_slice %arg2[%dma_start3A_129, %dma_start3A_130] : memref<50176x64xi32, #tpu.memory_space<hbm>> -> memref<50176x64xi32, #tpu.memory_space<hbm>>
        tpu.enqueue_indirect_dma source(%dma_start3A_131 : memref<50176x64xi32, #tpu.memory_space<hbm>>) target(%dma_start3A_127 : memref<112x64xi32, #tpu.memory_space<vmem>>) offsets(%dma_start3A_128 : memref<112xi32, #tpu.memory_space<vmem>>) semaphore(%arg7 : memref<!tpu.dma_semaphore, #tpu.memory_space<semaphore_mem>>)
      } else {
      }
      %dma_wait3A_91 = arith.constant 0 : i32
      %dma_wait3A_92 = arith.constant 0 : i32
      %dma_wait3A_93 = arith.constant 0 : i32
      %dma_wait3A_94 = tpu.memref_slice %arg6[%dma_wait3A_91, %dma_wait3A_92, %dma_wait3A_93] : memref<6x112x64xi32, #tpu.memory_space<vmem>> -> memref<1x112x64xi32, #tpu.memory_space<vmem>>
      %dma_wait3A_95 = tpu.memref_squeeze %dma_wait3A_94 : memref<1x112x64xi32, #tpu.memory_space<vmem>> -> memref<112x64xi32, #tpu.memory_space<vmem>>
      %dma_wait3A_96 = arith.constant 0 : i32
      %dma_wait3A_97 = tpu.memref_slice %arg5[%dma_wait3A_96] : memref<5488xi32, #tpu.memory_space<vmem>> -> memref<112xi32, #tpu.memory_space<vmem>>
      %dma_wait3A_98 = arith.constant 0 : i32
      %dma_wait3A_99 = arith.constant 0 : i32
      %dma_wait3A_100 = tpu.memref_slice %arg2[%dma_wait3A_98, %dma_wait3A_99] : memref<50176x64xi32, #tpu.memory_space<hbm>> -> memref<50176x64xi32, #tpu.memory_space<hbm>>
      tpu.wait_indirect_dma semaphore(%arg7 : memref<!tpu.dma_semaphore, #tpu.memory_space<semaphore_mem>>) src(%dma_wait3A_100 : memref<50176x64xi32, #tpu.memory_space<hbm>>) dst(%dma_wait3A_95 : memref<112x64xi32, #tpu.memory_space<vmem>>)
      %rem3A_101 = arith.constant 6 : i32
      %rem3A_102 = arith.remsi %scan3A_82, %rem3A_101 : i32
      %mul3A_103 = arith.constant 112 : i32
      %mul3A_104 = arith.muli %scan3A_82, %mul3A_103 : i32
      %add3A_105 = arith.addi %mul3A_2, %mul3A_104 : i32
      %dma_start3A_106 = arith.constant 0 : i32
      %dma_start3A_107 = arith.constant 0 : i32
      %dma_start3A_108 = tpu.memref_slice %arg6[%rem3A_102, %dma_start3A_106, %dma_start3A_107] : memref<6x112x64xi32, #tpu.memory_space<vmem>> -> memref<1x112x64xi32, #tpu.memory_space<vmem>>
      %dma_start3A_109 = tpu.memref_squeeze %dma_start3A_108 : memref<1x112x64xi32, #tpu.memory_space<vmem>> -> memref<112x64xi32, #tpu.memory_space<vmem>>
      %dma_start3A_110 = arith.constant 0 : i32
      %dma_start3A_111 = tpu.memref_slice %arg4[%add3A_105, %dma_start3A_110] : memref<175616x64xi32, #tpu.memory_space<hbm>> -> memref<112x64xi32, #tpu.memory_space<hbm>>
      %dma_start3A_112 = arith.constant 0 : i32
      %dma_start3A_113 = tpu.memref_slice %arg4[%add3A_105, %dma_start3A_112] : memref<175616x64xi32, #tpu.memory_space<hbm>> -> memref<112x64xi32, #tpu.memory_space<hbm>>
      %dma_start3A_114 = arith.constant 0 : i32
      %dma_start3A_115 = arith.constant 0 : i32
      %dma_start3A_116 = tpu.memref_slice %arg6[%rem3A_102, %dma_start3A_114, %dma_start3A_115] : memref<6x112x64xi32, #tpu.memory_space<vmem>> -> memref<1x112x64xi32, #tpu.memory_space<vmem>>
      %dma_start3A_117 = tpu.memref_squeeze %dma_start3A_116 : memref<1x112x64xi32, #tpu.memory_space<vmem>> -> memref<112x64xi32, #tpu.memory_space<vmem>>
      tpu.enqueue_dma source(%dma_start3A_117 : memref<112x64xi32, #tpu.memory_space<vmem>>) target(%dma_start3A_113 : memref<112x64xi32, #tpu.memory_space<hbm>>) target_semaphore(%arg8 : memref<!tpu.dma_semaphore, #tpu.memory_space<semaphore_mem>>)
    }
    %scan3A_43 = arith.constant 49 : i32
    %dma_wait3A = arith.constant 0 : i32
    %dma_wait3A_44 = arith.constant 0 : i32
    %dma_wait3A_45 = arith.constant 0 : i32
    %dma_wait3A_46 = tpu.memref_slice %arg6[%dma_wait3A, %dma_wait3A_44, %dma_wait3A_45] : memref<6x112x64xi32, #tpu.memory_space<vmem>> -> memref<1x112x64xi32, #tpu.memory_space<vmem>>
    %dma_wait3A_47 = tpu.memref_squeeze %dma_wait3A_46 : memref<1x112x64xi32, #tpu.memory_space<vmem>> -> memref<112x64xi32, #tpu.memory_space<vmem>>
    %dma_wait3A_48 = arith.constant 0 : i32
    %dma_wait3A_49 = tpu.memref_slice %arg4[%mul3A_2, %dma_wait3A_48] : memref<175616x64xi32, #tpu.memory_space<hbm>> -> memref<112x64xi32, #tpu.memory_space<hbm>>
    %dma_wait3A_50 = arith.constant 0 : i32
    %dma_wait3A_51 = tpu.memref_slice %arg4[%mul3A_2, %dma_wait3A_50] : memref<175616x64xi32, #tpu.memory_space<hbm>> -> memref<112x64xi32, #tpu.memory_space<hbm>>
    %dma_wait3A_52 = arith.constant 0 : i32
    %dma_wait3A_53 = arith.constant 0 : i32
    %dma_wait3A_54 = tpu.memref_slice %arg6[%dma_wait3A, %dma_wait3A_52, %dma_wait3A_53] : memref<6x112x64xi32, #tpu.memory_space<vmem>> -> memref<1x112x64xi32, #tpu.memory_space<vmem>>
    %dma_wait3A_55 = tpu.memref_squeeze %dma_wait3A_54 : memref<1x112x64xi32, #tpu.memory_space<vmem>> -> memref<112x64xi32, #tpu.memory_space<vmem>>
    tpu.wait_dma2 semaphore(%arg8 : memref<!tpu.dma_semaphore, #tpu.memory_space<semaphore_mem>>) src(%dma_wait3A_55 : memref<112x64xi32, #tpu.memory_space<vmem>>) dst(%dma_wait3A_51 : memref<112x64xi32, #tpu.memory_space<hbm>>)
    %dma_wait3A_56 = arith.constant 0 : i32
    %dma_wait3A_57 = arith.constant 0 : i32
    %dma_wait3A_58 = arith.constant 0 : i32
    %dma_wait3A_59 = tpu.memref_slice %arg6[%dma_wait3A_56, %dma_wait3A_57, %dma_wait3A_58] : memref<6x112x64xi32, #tpu.memory_space<vmem>> -> memref<1x112x64xi32, #tpu.memory_space<vmem>>
    %dma_wait3A_60 = tpu.memref_squeeze %dma_wait3A_59 : memref<1x112x64xi32, #tpu.memory_space<vmem>> -> memref<112x64xi32, #tpu.memory_space<vmem>>
    %dma_wait3A_61 = arith.constant 0 : i32
    %dma_wait3A_62 = tpu.memref_slice %arg4[%mul3A_2, %dma_wait3A_61] : memref<175616x64xi32, #tpu.memory_space<hbm>> -> memref<112x64xi32, #tpu.memory_space<hbm>>
    %dma_wait3A_63 = arith.constant 0 : i32
    %dma_wait3A_64 = tpu.memref_slice %arg4[%mul3A_2, %dma_wait3A_63] : memref<175616x64xi32, #tpu.memory_space<hbm>> -> memref<112x64xi32, #tpu.memory_space<hbm>>
    %dma_wait3A_65 = arith.constant 0 : i32
    %dma_wait3A_66 = arith.constant 0 : i32
    %dma_wait3A_67 = tpu.memref_slice %arg6[%dma_wait3A_56, %dma_wait3A_65, %dma_wait3A_66] : memref<6x112x64xi32, #tpu.memory_space<vmem>> -> memref<1x112x64xi32, #tpu.memory_space<vmem>>
    %dma_wait3A_68 = tpu.memref_squeeze %dma_wait3A_67 : memref<1x112x64xi32, #tpu.memory_space<vmem>> -> memref<112x64xi32, #tpu.memory_space<vmem>>
    tpu.wait_dma2 semaphore(%arg8 : memref<!tpu.dma_semaphore, #tpu.memory_space<semaphore_mem>>) src(%dma_wait3A_68 : memref<112x64xi32, #tpu.memory_space<vmem>>) dst(%dma_wait3A_64 : memref<112x64xi32, #tpu.memory_space<hbm>>)
    %dma_wait3A_69 = arith.constant 0 : i32
    %dma_wait3A_70 = arith.constant 0 : i32
    %dma_wait3A_71 = arith.constant 0 : i32
    %dma_wait3A_72 = tpu.memref_slice %arg6[%dma_wait3A_69, %dma_wait3A_70, %dma_wait3A_71] : memref<6x112x64xi32, #tpu.memory_space<vmem>> -> memref<1x112x64xi32, #tpu.memory_space<vmem>>
    %dma_wait3A_73 = tpu.memref_squeeze %dma_wait3A_72 : memref<1x112x64xi32, #tpu.memory_space<vmem>> -> memref<112x64xi32, #tpu.memory_space<vmem>>
    %dma_wait3A_74 = arith.constant 0 : i32
    %dma_wait3A_75 = tpu.memref_slice %arg4[%mul3A_2, %dma_wait3A_74] : memref<175616x64xi32, #tpu.memory_space<hbm>> -> memref<112x64xi32, #tpu.memory_space<hbm>>
    %dma_wait3A_76 = arith.constant 0 : i32
    %dma_wait3A_77 = tpu.memref_slice %arg4[%mul3A_2, %dma_wait3A_76] : memref<175616x64xi32, #tpu.memory_space<hbm>> -> memref<112x64xi32, #tpu.memory_space<hbm>>
    %dma_wait3A_78 = arith.constant 0 : i32
    %dma_wait3A_79 = arith.constant 0 : i32
    %dma_wait3A_80 = tpu.memref_slice %arg6[%dma_wait3A_69, %dma_wait3A_78, %dma_wait3A_79] : memref<6x112x64xi32, #tpu.memory_space<vmem>> -> memref<1x112x64xi32, #tpu.memory_space<vmem>>
    %dma_wait3A_81 = tpu.memref_squeeze %dma_wait3A_80 : memref<1x112x64xi32, #tpu.memory_space<vmem>> -> memref<112x64xi32, #tpu.memory_space<vmem>>
    tpu.wait_dma2 semaphore(%arg8 : memref<!tpu.dma_semaphore, #tpu.memory_space<semaphore_mem>>) src(%dma_wait3A_81 : memref<112x64xi32, #tpu.memory_space<vmem>>) dst(%dma_wait3A_77 : memref<112x64xi32, #tpu.memory_space<hbm>>)
    return
  }
}

#map = affine_map<(d0, d1) -> (0, 0)>
#map1 = affine_map<(d0, d1) -> (0)>
module attributes {stable_mosaic.version = 14 : i64} {
  func.func @gather_kernel(%arg0: i32, %arg1: i32, %arg2: memref<50000x64xi32, #tpu.memory_space<hbm>>, %arg3: memref<351232xi32, #tpu.memory_space<hbm>>, %arg4: memref<175616x64xi32, #tpu.memory_space<hbm>>, %arg5: memref<5488xi32, #tpu.memory_space<vmem>>, %arg6: memref<6x112x64xi32, #tpu.memory_space<vmem>>, %arg7: memref<!tpu.dma_semaphore, #tpu.memory_space<semaphore_mem>>, %arg8: memref<!tpu.dma_semaphore, #tpu.memory_space<semaphore_mem>>) attributes {dimension_semantics = [#tpu.dimension_semantics<core_parallel>, #tpu.dimension_semantics<subcore_parallel>], iteration_bounds = array<i64: 2, 16>, scalar_prefetch = 0 : i64, scratch_operands = 4 : i64, tpu.core_type = #tpu.core_type<sc_vector_subcore>, window_params = [{transform_indices = #map}, {transform_indices = #map1}, {transform_indices = #map}]} {
    %mul3A = arith.constant 2 : i32
    %mul3A_0 = arith.muli %arg1, %mul3A : i32
    %add3A = arith.addi %mul3A_0, %arg0 : i32
    %mul3A_1 = arith.constant 5488 : i32
    %mul3A_2 = arith.muli %add3A, %mul3A_1 : i32
    %add3A_3 = arith.constant 175616 : i32
    %add3A_4 = arith.addi %add3A_3, %mul3A_2 : i32
    "tpu.region"() ({
      %run_scoped3A = tpu.sem_alloc : memref<!tpu.dma_semaphore, #tpu.memory_space<semaphore_mem>>
      %dma_start3A_82 = tpu.memref_slice %arg3[%add3A_4] : memref<351232xi32, #tpu.memory_space<hbm>> -> memref<5488xi32, #tpu.memory_space<hbm>>
      %dma_start3A_83 = tpu.memref_slice %arg3[%add3A_4] : memref<351232xi32, #tpu.memory_space<hbm>> -> memref<5488xi32, #tpu.memory_space<hbm>>
      tpu.enqueue_dma source(%dma_start3A_83 : memref<5488xi32, #tpu.memory_space<hbm>>) target(%arg5 : memref<5488xi32, #tpu.memory_space<vmem>>) target_semaphore(%run_scoped3A : memref<!tpu.dma_semaphore, #tpu.memory_space<semaphore_mem>>)
      %dma_wait3A_84 = tpu.memref_slice %arg3[%add3A_4] : memref<351232xi32, #tpu.memory_space<hbm>> -> memref<5488xi32, #tpu.memory_space<hbm>>
      %dma_wait3A_85 = tpu.memref_slice %arg3[%add3A_4] : memref<351232xi32, #tpu.memory_space<hbm>> -> memref<5488xi32, #tpu.memory_space<hbm>>
      tpu.wait_dma2 semaphore(%run_scoped3A : memref<!tpu.dma_semaphore, #tpu.memory_space<semaphore_mem>>) src(%dma_wait3A_85 : memref<5488xi32, #tpu.memory_space<hbm>>) dst(%arg5 : memref<5488xi32, #tpu.memory_space<vmem>>)
      tpu.yield
    }) : () -> ()
    %rem3A = arith.constant 0 : i32
    %rem3A_5 = arith.constant 6 : i32
    %rem3A_6 = arith.remsi %rem3A, %rem3A_5 : i32
    %dma_start3A = arith.constant 0 : i32
    %dma_start3A_7 = arith.constant 0 : i32
    %dma_start3A_8 = tpu.memref_slice %arg6[%rem3A_6, %dma_start3A, %dma_start3A_7] : memref<6x112x64xi32, #tpu.memory_space<vmem>> -> memref<1x112x64xi32, #tpu.memory_space<vmem>>
    %dma_start3A_9 = tpu.memref_squeeze %dma_start3A_8 : memref<1x112x64xi32, #tpu.memory_space<vmem>> -> memref<112x64xi32, #tpu.memory_space<vmem>>
    %dma_start3A_10 = arith.constant 0 : i32
    %dma_start3A_11 = tpu.memref_slice %arg5[%dma_start3A_10] : memref<5488xi32, #tpu.memory_space<vmem>> -> memref<112xi32, #tpu.memory_space<vmem>>
    %dma_start3A_12 = arith.constant 0 : i32
    %dma_start3A_13 = arith.constant 0 : i32
    %dma_start3A_14 = tpu.memref_slice %arg2[%dma_start3A_12, %dma_start3A_13] : memref<50000x64xi32, #tpu.memory_space<hbm>> -> memref<50000x64xi32, #tpu.memory_space<hbm>>
    tpu.enqueue_indirect_dma source(%dma_start3A_14 : memref<50000x64xi32, #tpu.memory_space<hbm>>) target(%dma_start3A_9 : memref<112x64xi32, #tpu.memory_space<vmem>>) offsets(%dma_start3A_11 : memref<112xi32, #tpu.memory_space<vmem>>) semaphore(%arg7 : memref<!tpu.dma_semaphore, #tpu.memory_space<semaphore_mem>>)
    %rem3A_15 = arith.constant 1 : i32
    %rem3A_16 = arith.constant 6 : i32
    %rem3A_17 = arith.remsi %rem3A_15, %rem3A_16 : i32
    %dma_start3A_18 = arith.constant 0 : i32
    %dma_start3A_19 = arith.constant 0 : i32
    %dma_start3A_20 = tpu.memref_slice %arg6[%rem3A_17, %dma_start3A_18, %dma_start3A_19] : memref<6x112x64xi32, #tpu.memory_space<vmem>> -> memref<1x112x64xi32, #tpu.memory_space<vmem>>
    %dma_start3A_21 = tpu.memref_squeeze %dma_start3A_20 : memref<1x112x64xi32, #tpu.memory_space<vmem>> -> memref<112x64xi32, #tpu.memory_space<vmem>>
    %dma_start3A_22 = arith.constant 112 : i32
    %dma_start3A_23 = tpu.memref_slice %arg5[%dma_start3A_22] : memref<5488xi32, #tpu.memory_space<vmem>> -> memref<112xi32, #tpu.memory_space<vmem>>
    %dma_start3A_24 = arith.constant 0 : i32
    %dma_start3A_25 = arith.constant 0 : i32
    %dma_start3A_26 = tpu.memref_slice %arg2[%dma_start3A_24, %dma_start3A_25] : memref<50000x64xi32, #tpu.memory_space<hbm>> -> memref<50000x64xi32, #tpu.memory_space<hbm>>
    tpu.enqueue_indirect_dma source(%dma_start3A_26 : memref<50000x64xi32, #tpu.memory_space<hbm>>) target(%dma_start3A_21 : memref<112x64xi32, #tpu.memory_space<vmem>>) offsets(%dma_start3A_23 : memref<112xi32, #tpu.memory_space<vmem>>) semaphore(%arg7 : memref<!tpu.dma_semaphore, #tpu.memory_space<semaphore_mem>>)
    %rem3A_27 = arith.constant 2 : i32
    %rem3A_28 = arith.constant 6 : i32
    %rem3A_29 = arith.remsi %rem3A_27, %rem3A_28 : i32
    %dma_start3A_30 = arith.constant 0 : i32
    %dma_start3A_31 = arith.constant 0 : i32
    %dma_start3A_32 = tpu.memref_slice %arg6[%rem3A_29, %dma_start3A_30, %dma_start3A_31] : memref<6x112x64xi32, #tpu.memory_space<vmem>> -> memref<1x112x64xi32, #tpu.memory_space<vmem>>
    %dma_start3A_33 = tpu.memref_squeeze %dma_start3A_32 : memref<1x112x64xi32, #tpu.memory_space<vmem>> -> memref<112x64xi32, #tpu.memory_space<vmem>>
    %dma_start3A_34 = arith.constant 224 : i32
    %dma_start3A_35 = tpu.memref_slice %arg5[%dma_start3A_34] : memref<5488xi32, #tpu.memory_space<vmem>> -> memref<112xi32, #tpu.memory_space<vmem>>
    %dma_start3A_36 = arith.constant 0 : i32
    %dma_start3A_37 = arith.constant 0 : i32
    %dma_start3A_38 = tpu.memref_slice %arg2[%dma_start3A_36, %dma_start3A_37] : memref<50000x64xi32, #tpu.memory_space<hbm>> -> memref<50000x64xi32, #tpu.memory_space<hbm>>
    tpu.enqueue_indirect_dma source(%dma_start3A_38 : memref<50000x64xi32, #tpu.memory_space<hbm>>) target(%dma_start3A_33 : memref<112x64xi32, #tpu.memory_space<vmem>>) offsets(%dma_start3A_35 : memref<112xi32, #tpu.memory_space<vmem>>) semaphore(%arg7 : memref<!tpu.dma_semaphore, #tpu.memory_space<semaphore_mem>>)
    %scan3A = arith.constant 0 : i32
    %scan3A_39 = arith.constant 0 : i32
    %scan3A_40 = arith.constant 49 : i32
    %scan3A_41 = arith.addi %scan3A_39, %scan3A_40 : i32
    %scan3A_42 = arith.constant 1 : i32
    scf.for %scan3A_82 = %scan3A_39 to %scan3A_41 step %scan3A_42  : i32 {
      %ge3A = arith.constant 3 : i32
      %ge3A_83 = arith.cmpi sge, %scan3A_82, %ge3A : i32
      %convert_element_type3A = arith.extui %ge3A_83 : i1 to i32
      %cond3A = arith.constant 0 : i32
      %cond3A_84 = arith.cmpi ne, %convert_element_type3A, %cond3A : i32
      scf.if %cond3A_84 {
        %dma_wait3A_118 = arith.constant 0 : i32
        %dma_wait3A_119 = arith.constant 0 : i32
        %dma_wait3A_120 = arith.constant 0 : i32
        %dma_wait3A_121 = tpu.memref_slice %arg6[%dma_wait3A_118, %dma_wait3A_119, %dma_wait3A_120] : memref<6x112x64xi32, #tpu.memory_space<vmem>> -> memref<1x112x64xi32, #tpu.memory_space<vmem>>
        %dma_wait3A_122 = tpu.memref_squeeze %dma_wait3A_121 : memref<1x112x64xi32, #tpu.memory_space<vmem>> -> memref<112x64xi32, #tpu.memory_space<vmem>>
        %dma_wait3A_123 = arith.constant 0 : i32
        %dma_wait3A_124 = tpu.memref_slice %arg4[%mul3A_2, %dma_wait3A_123] : memref<175616x64xi32, #tpu.memory_space<hbm>> -> memref<112x64xi32, #tpu.memory_space<hbm>>
        %dma_wait3A_125 = arith.constant 0 : i32
        %dma_wait3A_126 = tpu.memref_slice %arg4[%mul3A_2, %dma_wait3A_125] : memref<175616x64xi32, #tpu.memory_space<hbm>> -> memref<112x64xi32, #tpu.memory_space<hbm>>
        %dma_wait3A_127 = arith.constant 0 : i32
        %dma_wait3A_128 = arith.constant 0 : i32
        %dma_wait3A_129 = tpu.memref_slice %arg6[%dma_wait3A_118, %dma_wait3A_127, %dma_wait3A_128] : memref<6x112x64xi32, #tpu.memory_space<vmem>> -> memref<1x112x64xi32, #tpu.memory_space<vmem>>
        %dma_wait3A_130 = tpu.memref_squeeze %dma_wait3A_129 : memref<1x112x64xi32, #tpu.memory_space<vmem>> -> memref<112x64xi32, #tpu.memory_space<vmem>>
        tpu.wait_dma2 semaphore(%arg8 : memref<!tpu.dma_semaphore, #tpu.memory_space<semaphore_mem>>) src(%dma_wait3A_130 : memref<112x64xi32, #tpu.memory_space<vmem>>) dst(%dma_wait3A_126 : memref<112x64xi32, #tpu.memory_space<hbm>>)
      } else {
      }
      %add3A_85 = arith.constant 3 : i32
      %add3A_86 = arith.addi %scan3A_82, %add3A_85 : i32
      %lt3A = arith.constant 49 : i32
      %lt3A_87 = arith.cmpi slt, %add3A_86, %lt3A : i32
      %convert_element_type3A_88 = arith.extui %lt3A_87 : i1 to i32
      %cond3A_89 = arith.constant 0 : i32
      %cond3A_90 = arith.cmpi ne, %convert_element_type3A_88, %cond3A_89 : i32
      scf.if %cond3A_90 {
        %add3A_118 = arith.constant 3 : i32
        %add3A_119 = arith.addi %scan3A_82, %add3A_118 : i32
        %rem3A_120 = arith.constant 6 : i32
        %rem3A_121 = arith.remsi %add3A_119, %rem3A_120 : i32
        %mul3A_122 = arith.constant 112 : i32
        %mul3A_123 = arith.muli %add3A_119, %mul3A_122 : i32
        %dma_start3A_124 = arith.constant 0 : i32
        %dma_start3A_125 = arith.constant 0 : i32
        %dma_start3A_126 = tpu.memref_slice %arg6[%rem3A_121, %dma_start3A_124, %dma_start3A_125] : memref<6x112x64xi32, #tpu.memory_space<vmem>> -> memref<1x112x64xi32, #tpu.memory_space<vmem>>
        %dma_start3A_127 = tpu.memref_squeeze %dma_start3A_126 : memref<1x112x64xi32, #tpu.memory_space<vmem>> -> memref<112x64xi32, #tpu.memory_space<vmem>>
        %dma_start3A_128 = tpu.memref_slice %arg5[%mul3A_123] : memref<5488xi32, #tpu.memory_space<vmem>> -> memref<112xi32, #tpu.memory_space<vmem>>
        %dma_start3A_129 = arith.constant 0 : i32
        %dma_start3A_130 = arith.constant 0 : i32
        %dma_start3A_131 = tpu.memref_slice %arg2[%dma_start3A_129, %dma_start3A_130] : memref<50000x64xi32, #tpu.memory_space<hbm>> -> memref<50000x64xi32, #tpu.memory_space<hbm>>
        tpu.enqueue_indirect_dma source(%dma_start3A_131 : memref<50000x64xi32, #tpu.memory_space<hbm>>) target(%dma_start3A_127 : memref<112x64xi32, #tpu.memory_space<vmem>>) offsets(%dma_start3A_128 : memref<112xi32, #tpu.memory_space<vmem>>) semaphore(%arg7 : memref<!tpu.dma_semaphore, #tpu.memory_space<semaphore_mem>>)
      } else {
      }
      %dma_wait3A_91 = arith.constant 0 : i32
      %dma_wait3A_92 = arith.constant 0 : i32
      %dma_wait3A_93 = arith.constant 0 : i32
      %dma_wait3A_94 = tpu.memref_slice %arg6[%dma_wait3A_91, %dma_wait3A_92, %dma_wait3A_93] : memref<6x112x64xi32, #tpu.memory_space<vmem>> -> memref<1x112x64xi32, #tpu.memory_space<vmem>>
      %dma_wait3A_95 = tpu.memref_squeeze %dma_wait3A_94 : memref<1x112x64xi32, #tpu.memory_space<vmem>> -> memref<112x64xi32, #tpu.memory_space<vmem>>
      %dma_wait3A_96 = arith.constant 0 : i32
      %dma_wait3A_97 = tpu.memref_slice %arg5[%dma_wait3A_96] : memref<5488xi32, #tpu.memory_space<vmem>> -> memref<112xi32, #tpu.memory_space<vmem>>
      %dma_wait3A_98 = arith.constant 0 : i32
      %dma_wait3A_99 = arith.constant 0 : i32
      %dma_wait3A_100 = tpu.memref_slice %arg2[%dma_wait3A_98, %dma_wait3A_99] : memref<50000x64xi32, #tpu.memory_space<hbm>> -> memref<50000x64xi32, #tpu.memory_space<hbm>>
      tpu.wait_indirect_dma semaphore(%arg7 : memref<!tpu.dma_semaphore, #tpu.memory_space<semaphore_mem>>) src(%dma_wait3A_100 : memref<50000x64xi32, #tpu.memory_space<hbm>>) dst(%dma_wait3A_95 : memref<112x64xi32, #tpu.memory_space<vmem>>)
      %rem3A_101 = arith.constant 6 : i32
      %rem3A_102 = arith.remsi %scan3A_82, %rem3A_101 : i32
      %mul3A_103 = arith.constant 112 : i32
      %mul3A_104 = arith.muli %scan3A_82, %mul3A_103 : i32
      %add3A_105 = arith.addi %mul3A_2, %mul3A_104 : i32
      %dma_start3A_106 = arith.constant 0 : i32
      %dma_start3A_107 = arith.constant 0 : i32
      %dma_start3A_108 = tpu.memref_slice %arg6[%rem3A_102, %dma_start3A_106, %dma_start3A_107] : memref<6x112x64xi32, #tpu.memory_space<vmem>> -> memref<1x112x64xi32, #tpu.memory_space<vmem>>
      %dma_start3A_109 = tpu.memref_squeeze %dma_start3A_108 : memref<1x112x64xi32, #tpu.memory_space<vmem>> -> memref<112x64xi32, #tpu.memory_space<vmem>>
      %dma_start3A_110 = arith.constant 0 : i32
      %dma_start3A_111 = tpu.memref_slice %arg4[%add3A_105, %dma_start3A_110] : memref<175616x64xi32, #tpu.memory_space<hbm>> -> memref<112x64xi32, #tpu.memory_space<hbm>>
      %dma_start3A_112 = arith.constant 0 : i32
      %dma_start3A_113 = tpu.memref_slice %arg4[%add3A_105, %dma_start3A_112] : memref<175616x64xi32, #tpu.memory_space<hbm>> -> memref<112x64xi32, #tpu.memory_space<hbm>>
      %dma_start3A_114 = arith.constant 0 : i32
      %dma_start3A_115 = arith.constant 0 : i32
      %dma_start3A_116 = tpu.memref_slice %arg6[%rem3A_102, %dma_start3A_114, %dma_start3A_115] : memref<6x112x64xi32, #tpu.memory_space<vmem>> -> memref<1x112x64xi32, #tpu.memory_space<vmem>>
      %dma_start3A_117 = tpu.memref_squeeze %dma_start3A_116 : memref<1x112x64xi32, #tpu.memory_space<vmem>> -> memref<112x64xi32, #tpu.memory_space<vmem>>
      tpu.enqueue_dma source(%dma_start3A_117 : memref<112x64xi32, #tpu.memory_space<vmem>>) target(%dma_start3A_113 : memref<112x64xi32, #tpu.memory_space<hbm>>) target_semaphore(%arg8 : memref<!tpu.dma_semaphore, #tpu.memory_space<semaphore_mem>>)
    }
    %scan3A_43 = arith.constant 49 : i32
    %dma_wait3A = arith.constant 0 : i32
    %dma_wait3A_44 = arith.constant 0 : i32
    %dma_wait3A_45 = arith.constant 0 : i32
    %dma_wait3A_46 = tpu.memref_slice %arg6[%dma_wait3A, %dma_wait3A_44, %dma_wait3A_45] : memref<6x112x64xi32, #tpu.memory_space<vmem>> -> memref<1x112x64xi32, #tpu.memory_space<vmem>>
    %dma_wait3A_47 = tpu.memref_squeeze %dma_wait3A_46 : memref<1x112x64xi32, #tpu.memory_space<vmem>> -> memref<112x64xi32, #tpu.memory_space<vmem>>
    %dma_wait3A_48 = arith.constant 0 : i32
    %dma_wait3A_49 = tpu.memref_slice %arg4[%mul3A_2, %dma_wait3A_48] : memref<175616x64xi32, #tpu.memory_space<hbm>> -> memref<112x64xi32, #tpu.memory_space<hbm>>
    %dma_wait3A_50 = arith.constant 0 : i32
    %dma_wait3A_51 = tpu.memref_slice %arg4[%mul3A_2, %dma_wait3A_50] : memref<175616x64xi32, #tpu.memory_space<hbm>> -> memref<112x64xi32, #tpu.memory_space<hbm>>
    %dma_wait3A_52 = arith.constant 0 : i32
    %dma_wait3A_53 = arith.constant 0 : i32
    %dma_wait3A_54 = tpu.memref_slice %arg6[%dma_wait3A, %dma_wait3A_52, %dma_wait3A_53] : memref<6x112x64xi32, #tpu.memory_space<vmem>> -> memref<1x112x64xi32, #tpu.memory_space<vmem>>
    %dma_wait3A_55 = tpu.memref_squeeze %dma_wait3A_54 : memref<1x112x64xi32, #tpu.memory_space<vmem>> -> memref<112x64xi32, #tpu.memory_space<vmem>>
    tpu.wait_dma2 semaphore(%arg8 : memref<!tpu.dma_semaphore, #tpu.memory_space<semaphore_mem>>) src(%dma_wait3A_55 : memref<112x64xi32, #tpu.memory_space<vmem>>) dst(%dma_wait3A_51 : memref<112x64xi32, #tpu.memory_space<hbm>>)
    %dma_wait3A_56 = arith.constant 0 : i32
    %dma_wait3A_57 = arith.constant 0 : i32
    %dma_wait3A_58 = arith.constant 0 : i32
    %dma_wait3A_59 = tpu.memref_slice %arg6[%dma_wait3A_56, %dma_wait3A_57, %dma_wait3A_58] : memref<6x112x64xi32, #tpu.memory_space<vmem>> -> memref<1x112x64xi32, #tpu.memory_space<vmem>>
    %dma_wait3A_60 = tpu.memref_squeeze %dma_wait3A_59 : memref<1x112x64xi32, #tpu.memory_space<vmem>> -> memref<112x64xi32, #tpu.memory_space<vmem>>
    %dma_wait3A_61 = arith.constant 0 : i32
    %dma_wait3A_62 = tpu.memref_slice %arg4[%mul3A_2, %dma_wait3A_61] : memref<175616x64xi32, #tpu.memory_space<hbm>> -> memref<112x64xi32, #tpu.memory_space<hbm>>
    %dma_wait3A_63 = arith.constant 0 : i32
    %dma_wait3A_64 = tpu.memref_slice %arg4[%mul3A_2, %dma_wait3A_63] : memref<175616x64xi32, #tpu.memory_space<hbm>> -> memref<112x64xi32, #tpu.memory_space<hbm>>
    %dma_wait3A_65 = arith.constant 0 : i32
    %dma_wait3A_66 = arith.constant 0 : i32
    %dma_wait3A_67 = tpu.memref_slice %arg6[%dma_wait3A_56, %dma_wait3A_65, %dma_wait3A_66] : memref<6x112x64xi32, #tpu.memory_space<vmem>> -> memref<1x112x64xi32, #tpu.memory_space<vmem>>
    %dma_wait3A_68 = tpu.memref_squeeze %dma_wait3A_67 : memref<1x112x64xi32, #tpu.memory_space<vmem>> -> memref<112x64xi32, #tpu.memory_space<vmem>>
    tpu.wait_dma2 semaphore(%arg8 : memref<!tpu.dma_semaphore, #tpu.memory_space<semaphore_mem>>) src(%dma_wait3A_68 : memref<112x64xi32, #tpu.memory_space<vmem>>) dst(%dma_wait3A_64 : memref<112x64xi32, #tpu.memory_space<hbm>>)
    %dma_wait3A_69 = arith.constant 0 : i32
    %dma_wait3A_70 = arith.constant 0 : i32
    %dma_wait3A_71 = arith.constant 0 : i32
    %dma_wait3A_72 = tpu.memref_slice %arg6[%dma_wait3A_69, %dma_wait3A_70, %dma_wait3A_71] : memref<6x112x64xi32, #tpu.memory_space<vmem>> -> memref<1x112x64xi32, #tpu.memory_space<vmem>>
    %dma_wait3A_73 = tpu.memref_squeeze %dma_wait3A_72 : memref<1x112x64xi32, #tpu.memory_space<vmem>> -> memref<112x64xi32, #tpu.memory_space<vmem>>
    %dma_wait3A_74 = arith.constant 0 : i32
    %dma_wait3A_75 = tpu.memref_slice %arg4[%mul3A_2, %dma_wait3A_74] : memref<175616x64xi32, #tpu.memory_space<hbm>> -> memref<112x64xi32, #tpu.memory_space<hbm>>
    %dma_wait3A_76 = arith.constant 0 : i32
    %dma_wait3A_77 = tpu.memref_slice %arg4[%mul3A_2, %dma_wait3A_76] : memref<175616x64xi32, #tpu.memory_space<hbm>> -> memref<112x64xi32, #tpu.memory_space<hbm>>
    %dma_wait3A_78 = arith.constant 0 : i32
    %dma_wait3A_79 = arith.constant 0 : i32
    %dma_wait3A_80 = tpu.memref_slice %arg6[%dma_wait3A_69, %dma_wait3A_78, %dma_wait3A_79] : memref<6x112x64xi32, #tpu.memory_space<vmem>> -> memref<1x112x64xi32, #tpu.memory_space<vmem>>
    %dma_wait3A_81 = tpu.memref_squeeze %dma_wait3A_80 : memref<1x112x64xi32, #tpu.memory_space<vmem>> -> memref<112x64xi32, #tpu.memory_space<vmem>>
    tpu.wait_dma2 semaphore(%arg8 : memref<!tpu.dma_semaphore, #tpu.memory_space<semaphore_mem>>) src(%dma_wait3A_81 : memref<112x64xi32, #tpu.memory_space<vmem>>) dst(%dma_wait3A_77 : memref<112x64xi32, #tpu.memory_space<hbm>>)
    return
  }
}

#map = affine_map<(d0, d1) -> (0, 0)>
#map1 = affine_map<(d0, d1) -> (0)>
module attributes {stable_mosaic.version = 14 : i64} {
  func.func @gather_kernel(%arg0: i32, %arg1: i32, %arg2: memref<50000x64xi32, #tpu.memory_space<hbm>>, %arg3: memref<351232xi32, #tpu.memory_space<hbm>>, %arg4: memref<175616x64xi32, #tpu.memory_space<hbm>>, %arg5: memref<5488xi32, #tpu.memory_space<vmem>>, %arg6: memref<6x112x64xi32, #tpu.memory_space<vmem>>, %arg7: memref<!tpu.dma_semaphore, #tpu.memory_space<semaphore_mem>>, %arg8: memref<!tpu.dma_semaphore, #tpu.memory_space<semaphore_mem>>) attributes {dimension_semantics = [#tpu.dimension_semantics<core_parallel>, #tpu.dimension_semantics<subcore_parallel>], iteration_bounds = array<i64: 2, 16>, scalar_prefetch = 0 : i64, scratch_operands = 4 : i64, tpu.core_type = #tpu.core_type<sc_vector_subcore>, window_params = [{transform_indices = #map}, {transform_indices = #map1}, {transform_indices = #map}]} {
    %mul3A = arith.constant 2 : i32
    %mul3A_0 = arith.muli %arg1, %mul3A : i32
    %add3A = arith.addi %mul3A_0, %arg0 : i32
    %mul3A_1 = arith.constant 5488 : i32
    %mul3A_2 = arith.muli %add3A, %mul3A_1 : i32
    %add3A_3 = arith.constant 0 : i32
    %add3A_4 = arith.addi %add3A_3, %mul3A_2 : i32
    "tpu.region"() ({
      %run_scoped3A = tpu.sem_alloc : memref<!tpu.dma_semaphore, #tpu.memory_space<semaphore_mem>>
      %dma_start3A_82 = tpu.memref_slice %arg3[%add3A_4] : memref<351232xi32, #tpu.memory_space<hbm>> -> memref<5488xi32, #tpu.memory_space<hbm>>
      %dma_start3A_83 = tpu.memref_slice %arg3[%add3A_4] : memref<351232xi32, #tpu.memory_space<hbm>> -> memref<5488xi32, #tpu.memory_space<hbm>>
      tpu.enqueue_dma source(%dma_start3A_83 : memref<5488xi32, #tpu.memory_space<hbm>>) target(%arg5 : memref<5488xi32, #tpu.memory_space<vmem>>) target_semaphore(%run_scoped3A : memref<!tpu.dma_semaphore, #tpu.memory_space<semaphore_mem>>)
      %dma_wait3A_84 = tpu.memref_slice %arg3[%add3A_4] : memref<351232xi32, #tpu.memory_space<hbm>> -> memref<5488xi32, #tpu.memory_space<hbm>>
      %dma_wait3A_85 = tpu.memref_slice %arg3[%add3A_4] : memref<351232xi32, #tpu.memory_space<hbm>> -> memref<5488xi32, #tpu.memory_space<hbm>>
      tpu.wait_dma2 semaphore(%run_scoped3A : memref<!tpu.dma_semaphore, #tpu.memory_space<semaphore_mem>>) src(%dma_wait3A_85 : memref<5488xi32, #tpu.memory_space<hbm>>) dst(%arg5 : memref<5488xi32, #tpu.memory_space<vmem>>)
      tpu.yield
    }) : () -> ()
    %rem3A = arith.constant 0 : i32
    %rem3A_5 = arith.constant 6 : i32
    %rem3A_6 = arith.remsi %rem3A, %rem3A_5 : i32
    %dma_start3A = arith.constant 0 : i32
    %dma_start3A_7 = arith.constant 0 : i32
    %dma_start3A_8 = tpu.memref_slice %arg6[%rem3A_6, %dma_start3A, %dma_start3A_7] : memref<6x112x64xi32, #tpu.memory_space<vmem>> -> memref<1x112x64xi32, #tpu.memory_space<vmem>>
    %dma_start3A_9 = tpu.memref_squeeze %dma_start3A_8 : memref<1x112x64xi32, #tpu.memory_space<vmem>> -> memref<112x64xi32, #tpu.memory_space<vmem>>
    %dma_start3A_10 = arith.constant 0 : i32
    %dma_start3A_11 = tpu.memref_slice %arg5[%dma_start3A_10] : memref<5488xi32, #tpu.memory_space<vmem>> -> memref<112xi32, #tpu.memory_space<vmem>>
    %dma_start3A_12 = arith.constant 0 : i32
    %dma_start3A_13 = arith.constant 0 : i32
    %dma_start3A_14 = tpu.memref_slice %arg2[%dma_start3A_12, %dma_start3A_13] : memref<50000x64xi32, #tpu.memory_space<hbm>> -> memref<50000x64xi32, #tpu.memory_space<hbm>>
    tpu.enqueue_indirect_dma source(%dma_start3A_14 : memref<50000x64xi32, #tpu.memory_space<hbm>>) target(%dma_start3A_9 : memref<112x64xi32, #tpu.memory_space<vmem>>) offsets(%dma_start3A_11 : memref<112xi32, #tpu.memory_space<vmem>>) semaphore(%arg7 : memref<!tpu.dma_semaphore, #tpu.memory_space<semaphore_mem>>)
    %rem3A_15 = arith.constant 1 : i32
    %rem3A_16 = arith.constant 6 : i32
    %rem3A_17 = arith.remsi %rem3A_15, %rem3A_16 : i32
    %dma_start3A_18 = arith.constant 0 : i32
    %dma_start3A_19 = arith.constant 0 : i32
    %dma_start3A_20 = tpu.memref_slice %arg6[%rem3A_17, %dma_start3A_18, %dma_start3A_19] : memref<6x112x64xi32, #tpu.memory_space<vmem>> -> memref<1x112x64xi32, #tpu.memory_space<vmem>>
    %dma_start3A_21 = tpu.memref_squeeze %dma_start3A_20 : memref<1x112x64xi32, #tpu.memory_space<vmem>> -> memref<112x64xi32, #tpu.memory_space<vmem>>
    %dma_start3A_22 = arith.constant 112 : i32
    %dma_start3A_23 = tpu.memref_slice %arg5[%dma_start3A_22] : memref<5488xi32, #tpu.memory_space<vmem>> -> memref<112xi32, #tpu.memory_space<vmem>>
    %dma_start3A_24 = arith.constant 0 : i32
    %dma_start3A_25 = arith.constant 0 : i32
    %dma_start3A_26 = tpu.memref_slice %arg2[%dma_start3A_24, %dma_start3A_25] : memref<50000x64xi32, #tpu.memory_space<hbm>> -> memref<50000x64xi32, #tpu.memory_space<hbm>>
    tpu.enqueue_indirect_dma source(%dma_start3A_26 : memref<50000x64xi32, #tpu.memory_space<hbm>>) target(%dma_start3A_21 : memref<112x64xi32, #tpu.memory_space<vmem>>) offsets(%dma_start3A_23 : memref<112xi32, #tpu.memory_space<vmem>>) semaphore(%arg7 : memref<!tpu.dma_semaphore, #tpu.memory_space<semaphore_mem>>)
    %rem3A_27 = arith.constant 2 : i32
    %rem3A_28 = arith.constant 6 : i32
    %rem3A_29 = arith.remsi %rem3A_27, %rem3A_28 : i32
    %dma_start3A_30 = arith.constant 0 : i32
    %dma_start3A_31 = arith.constant 0 : i32
    %dma_start3A_32 = tpu.memref_slice %arg6[%rem3A_29, %dma_start3A_30, %dma_start3A_31] : memref<6x112x64xi32, #tpu.memory_space<vmem>> -> memref<1x112x64xi32, #tpu.memory_space<vmem>>
    %dma_start3A_33 = tpu.memref_squeeze %dma_start3A_32 : memref<1x112x64xi32, #tpu.memory_space<vmem>> -> memref<112x64xi32, #tpu.memory_space<vmem>>
    %dma_start3A_34 = arith.constant 224 : i32
    %dma_start3A_35 = tpu.memref_slice %arg5[%dma_start3A_34] : memref<5488xi32, #tpu.memory_space<vmem>> -> memref<112xi32, #tpu.memory_space<vmem>>
    %dma_start3A_36 = arith.constant 0 : i32
    %dma_start3A_37 = arith.constant 0 : i32
    %dma_start3A_38 = tpu.memref_slice %arg2[%dma_start3A_36, %dma_start3A_37] : memref<50000x64xi32, #tpu.memory_space<hbm>> -> memref<50000x64xi32, #tpu.memory_space<hbm>>
    tpu.enqueue_indirect_dma source(%dma_start3A_38 : memref<50000x64xi32, #tpu.memory_space<hbm>>) target(%dma_start3A_33 : memref<112x64xi32, #tpu.memory_space<vmem>>) offsets(%dma_start3A_35 : memref<112xi32, #tpu.memory_space<vmem>>) semaphore(%arg7 : memref<!tpu.dma_semaphore, #tpu.memory_space<semaphore_mem>>)
    %scan3A = arith.constant 0 : i32
    %scan3A_39 = arith.constant 0 : i32
    %scan3A_40 = arith.constant 49 : i32
    %scan3A_41 = arith.addi %scan3A_39, %scan3A_40 : i32
    %scan3A_42 = arith.constant 1 : i32
    scf.for %scan3A_82 = %scan3A_39 to %scan3A_41 step %scan3A_42  : i32 {
      %ge3A = arith.constant 3 : i32
      %ge3A_83 = arith.cmpi sge, %scan3A_82, %ge3A : i32
      %convert_element_type3A = arith.extui %ge3A_83 : i1 to i32
      %cond3A = arith.constant 0 : i32
      %cond3A_84 = arith.cmpi ne, %convert_element_type3A, %cond3A : i32
      scf.if %cond3A_84 {
        %dma_wait3A_118 = arith.constant 0 : i32
        %dma_wait3A_119 = arith.constant 0 : i32
        %dma_wait3A_120 = arith.constant 0 : i32
        %dma_wait3A_121 = tpu.memref_slice %arg6[%dma_wait3A_118, %dma_wait3A_119, %dma_wait3A_120] : memref<6x112x64xi32, #tpu.memory_space<vmem>> -> memref<1x112x64xi32, #tpu.memory_space<vmem>>
        %dma_wait3A_122 = tpu.memref_squeeze %dma_wait3A_121 : memref<1x112x64xi32, #tpu.memory_space<vmem>> -> memref<112x64xi32, #tpu.memory_space<vmem>>
        %dma_wait3A_123 = arith.constant 0 : i32
        %dma_wait3A_124 = tpu.memref_slice %arg4[%mul3A_2, %dma_wait3A_123] : memref<175616x64xi32, #tpu.memory_space<hbm>> -> memref<112x64xi32, #tpu.memory_space<hbm>>
        %dma_wait3A_125 = arith.constant 0 : i32
        %dma_wait3A_126 = tpu.memref_slice %arg4[%mul3A_2, %dma_wait3A_125] : memref<175616x64xi32, #tpu.memory_space<hbm>> -> memref<112x64xi32, #tpu.memory_space<hbm>>
        %dma_wait3A_127 = arith.constant 0 : i32
        %dma_wait3A_128 = arith.constant 0 : i32
        %dma_wait3A_129 = tpu.memref_slice %arg6[%dma_wait3A_118, %dma_wait3A_127, %dma_wait3A_128] : memref<6x112x64xi32, #tpu.memory_space<vmem>> -> memref<1x112x64xi32, #tpu.memory_space<vmem>>
        %dma_wait3A_130 = tpu.memref_squeeze %dma_wait3A_129 : memref<1x112x64xi32, #tpu.memory_space<vmem>> -> memref<112x64xi32, #tpu.memory_space<vmem>>
        tpu.wait_dma2 semaphore(%arg8 : memref<!tpu.dma_semaphore, #tpu.memory_space<semaphore_mem>>) src(%dma_wait3A_130 : memref<112x64xi32, #tpu.memory_space<vmem>>) dst(%dma_wait3A_126 : memref<112x64xi32, #tpu.memory_space<hbm>>)
      } else {
      }
      %add3A_85 = arith.constant 3 : i32
      %add3A_86 = arith.addi %scan3A_82, %add3A_85 : i32
      %lt3A = arith.constant 49 : i32
      %lt3A_87 = arith.cmpi slt, %add3A_86, %lt3A : i32
      %convert_element_type3A_88 = arith.extui %lt3A_87 : i1 to i32
      %cond3A_89 = arith.constant 0 : i32
      %cond3A_90 = arith.cmpi ne, %convert_element_type3A_88, %cond3A_89 : i32
      scf.if %cond3A_90 {
        %add3A_118 = arith.constant 3 : i32
        %add3A_119 = arith.addi %scan3A_82, %add3A_118 : i32
        %rem3A_120 = arith.constant 6 : i32
        %rem3A_121 = arith.remsi %add3A_119, %rem3A_120 : i32
        %mul3A_122 = arith.constant 112 : i32
        %mul3A_123 = arith.muli %add3A_119, %mul3A_122 : i32
        %dma_start3A_124 = arith.constant 0 : i32
        %dma_start3A_125 = arith.constant 0 : i32
        %dma_start3A_126 = tpu.memref_slice %arg6[%rem3A_121, %dma_start3A_124, %dma_start3A_125] : memref<6x112x64xi32, #tpu.memory_space<vmem>> -> memref<1x112x64xi32, #tpu.memory_space<vmem>>
        %dma_start3A_127 = tpu.memref_squeeze %dma_start3A_126 : memref<1x112x64xi32, #tpu.memory_space<vmem>> -> memref<112x64xi32, #tpu.memory_space<vmem>>
        %dma_start3A_128 = tpu.memref_slice %arg5[%mul3A_123] : memref<5488xi32, #tpu.memory_space<vmem>> -> memref<112xi32, #tpu.memory_space<vmem>>
        %dma_start3A_129 = arith.constant 0 : i32
        %dma_start3A_130 = arith.constant 0 : i32
        %dma_start3A_131 = tpu.memref_slice %arg2[%dma_start3A_129, %dma_start3A_130] : memref<50000x64xi32, #tpu.memory_space<hbm>> -> memref<50000x64xi32, #tpu.memory_space<hbm>>
        tpu.enqueue_indirect_dma source(%dma_start3A_131 : memref<50000x64xi32, #tpu.memory_space<hbm>>) target(%dma_start3A_127 : memref<112x64xi32, #tpu.memory_space<vmem>>) offsets(%dma_start3A_128 : memref<112xi32, #tpu.memory_space<vmem>>) semaphore(%arg7 : memref<!tpu.dma_semaphore, #tpu.memory_space<semaphore_mem>>)
      } else {
      }
      %dma_wait3A_91 = arith.constant 0 : i32
      %dma_wait3A_92 = arith.constant 0 : i32
      %dma_wait3A_93 = arith.constant 0 : i32
      %dma_wait3A_94 = tpu.memref_slice %arg6[%dma_wait3A_91, %dma_wait3A_92, %dma_wait3A_93] : memref<6x112x64xi32, #tpu.memory_space<vmem>> -> memref<1x112x64xi32, #tpu.memory_space<vmem>>
      %dma_wait3A_95 = tpu.memref_squeeze %dma_wait3A_94 : memref<1x112x64xi32, #tpu.memory_space<vmem>> -> memref<112x64xi32, #tpu.memory_space<vmem>>
      %dma_wait3A_96 = arith.constant 0 : i32
      %dma_wait3A_97 = tpu.memref_slice %arg5[%dma_wait3A_96] : memref<5488xi32, #tpu.memory_space<vmem>> -> memref<112xi32, #tpu.memory_space<vmem>>
      %dma_wait3A_98 = arith.constant 0 : i32
      %dma_wait3A_99 = arith.constant 0 : i32
      %dma_wait3A_100 = tpu.memref_slice %arg2[%dma_wait3A_98, %dma_wait3A_99] : memref<50000x64xi32, #tpu.memory_space<hbm>> -> memref<50000x64xi32, #tpu.memory_space<hbm>>
      tpu.wait_indirect_dma semaphore(%arg7 : memref<!tpu.dma_semaphore, #tpu.memory_space<semaphore_mem>>) src(%dma_wait3A_100 : memref<50000x64xi32, #tpu.memory_space<hbm>>) dst(%dma_wait3A_95 : memref<112x64xi32, #tpu.memory_space<vmem>>)
      %rem3A_101 = arith.constant 6 : i32
      %rem3A_102 = arith.remsi %scan3A_82, %rem3A_101 : i32
      %mul3A_103 = arith.constant 112 : i32
      %mul3A_104 = arith.muli %scan3A_82, %mul3A_103 : i32
      %add3A_105 = arith.addi %mul3A_2, %mul3A_104 : i32
      %dma_start3A_106 = arith.constant 0 : i32
      %dma_start3A_107 = arith.constant 0 : i32
      %dma_start3A_108 = tpu.memref_slice %arg6[%rem3A_102, %dma_start3A_106, %dma_start3A_107] : memref<6x112x64xi32, #tpu.memory_space<vmem>> -> memref<1x112x64xi32, #tpu.memory_space<vmem>>
      %dma_start3A_109 = tpu.memref_squeeze %dma_start3A_108 : memref<1x112x64xi32, #tpu.memory_space<vmem>> -> memref<112x64xi32, #tpu.memory_space<vmem>>
      %dma_start3A_110 = arith.constant 0 : i32
      %dma_start3A_111 = tpu.memref_slice %arg4[%add3A_105, %dma_start3A_110] : memref<175616x64xi32, #tpu.memory_space<hbm>> -> memref<112x64xi32, #tpu.memory_space<hbm>>
      %dma_start3A_112 = arith.constant 0 : i32
      %dma_start3A_113 = tpu.memref_slice %arg4[%add3A_105, %dma_start3A_112] : memref<175616x64xi32, #tpu.memory_space<hbm>> -> memref<112x64xi32, #tpu.memory_space<hbm>>
      %dma_start3A_114 = arith.constant 0 : i32
      %dma_start3A_115 = arith.constant 0 : i32
      %dma_start3A_116 = tpu.memref_slice %arg6[%rem3A_102, %dma_start3A_114, %dma_start3A_115] : memref<6x112x64xi32, #tpu.memory_space<vmem>> -> memref<1x112x64xi32, #tpu.memory_space<vmem>>
      %dma_start3A_117 = tpu.memref_squeeze %dma_start3A_116 : memref<1x112x64xi32, #tpu.memory_space<vmem>> -> memref<112x64xi32, #tpu.memory_space<vmem>>
      tpu.enqueue_dma source(%dma_start3A_117 : memref<112x64xi32, #tpu.memory_space<vmem>>) target(%dma_start3A_113 : memref<112x64xi32, #tpu.memory_space<hbm>>) target_semaphore(%arg8 : memref<!tpu.dma_semaphore, #tpu.memory_space<semaphore_mem>>)
    }
    %scan3A_43 = arith.constant 49 : i32
    %dma_wait3A = arith.constant 0 : i32
    %dma_wait3A_44 = arith.constant 0 : i32
    %dma_wait3A_45 = arith.constant 0 : i32
    %dma_wait3A_46 = tpu.memref_slice %arg6[%dma_wait3A, %dma_wait3A_44, %dma_wait3A_45] : memref<6x112x64xi32, #tpu.memory_space<vmem>> -> memref<1x112x64xi32, #tpu.memory_space<vmem>>
    %dma_wait3A_47 = tpu.memref_squeeze %dma_wait3A_46 : memref<1x112x64xi32, #tpu.memory_space<vmem>> -> memref<112x64xi32, #tpu.memory_space<vmem>>
    %dma_wait3A_48 = arith.constant 0 : i32
    %dma_wait3A_49 = tpu.memref_slice %arg4[%mul3A_2, %dma_wait3A_48] : memref<175616x64xi32, #tpu.memory_space<hbm>> -> memref<112x64xi32, #tpu.memory_space<hbm>>
    %dma_wait3A_50 = arith.constant 0 : i32
    %dma_wait3A_51 = tpu.memref_slice %arg4[%mul3A_2, %dma_wait3A_50] : memref<175616x64xi32, #tpu.memory_space<hbm>> -> memref<112x64xi32, #tpu.memory_space<hbm>>
    %dma_wait3A_52 = arith.constant 0 : i32
    %dma_wait3A_53 = arith.constant 0 : i32
    %dma_wait3A_54 = tpu.memref_slice %arg6[%dma_wait3A, %dma_wait3A_52, %dma_wait3A_53] : memref<6x112x64xi32, #tpu.memory_space<vmem>> -> memref<1x112x64xi32, #tpu.memory_space<vmem>>
    %dma_wait3A_55 = tpu.memref_squeeze %dma_wait3A_54 : memref<1x112x64xi32, #tpu.memory_space<vmem>> -> memref<112x64xi32, #tpu.memory_space<vmem>>
    tpu.wait_dma2 semaphore(%arg8 : memref<!tpu.dma_semaphore, #tpu.memory_space<semaphore_mem>>) src(%dma_wait3A_55 : memref<112x64xi32, #tpu.memory_space<vmem>>) dst(%dma_wait3A_51 : memref<112x64xi32, #tpu.memory_space<hbm>>)
    %dma_wait3A_56 = arith.constant 0 : i32
    %dma_wait3A_57 = arith.constant 0 : i32
    %dma_wait3A_58 = arith.constant 0 : i32
    %dma_wait3A_59 = tpu.memref_slice %arg6[%dma_wait3A_56, %dma_wait3A_57, %dma_wait3A_58] : memref<6x112x64xi32, #tpu.memory_space<vmem>> -> memref<1x112x64xi32, #tpu.memory_space<vmem>>
    %dma_wait3A_60 = tpu.memref_squeeze %dma_wait3A_59 : memref<1x112x64xi32, #tpu.memory_space<vmem>> -> memref<112x64xi32, #tpu.memory_space<vmem>>
    %dma_wait3A_61 = arith.constant 0 : i32
    %dma_wait3A_62 = tpu.memref_slice %arg4[%mul3A_2, %dma_wait3A_61] : memref<175616x64xi32, #tpu.memory_space<hbm>> -> memref<112x64xi32, #tpu.memory_space<hbm>>
    %dma_wait3A_63 = arith.constant 0 : i32
    %dma_wait3A_64 = tpu.memref_slice %arg4[%mul3A_2, %dma_wait3A_63] : memref<175616x64xi32, #tpu.memory_space<hbm>> -> memref<112x64xi32, #tpu.memory_space<hbm>>
    %dma_wait3A_65 = arith.constant 0 : i32
    %dma_wait3A_66 = arith.constant 0 : i32
    %dma_wait3A_67 = tpu.memref_slice %arg6[%dma_wait3A_56, %dma_wait3A_65, %dma_wait3A_66] : memref<6x112x64xi32, #tpu.memory_space<vmem>> -> memref<1x112x64xi32, #tpu.memory_space<vmem>>
    %dma_wait3A_68 = tpu.memref_squeeze %dma_wait3A_67 : memref<1x112x64xi32, #tpu.memory_space<vmem>> -> memref<112x64xi32, #tpu.memory_space<vmem>>
    tpu.wait_dma2 semaphore(%arg8 : memref<!tpu.dma_semaphore, #tpu.memory_space<semaphore_mem>>) src(%dma_wait3A_68 : memref<112x64xi32, #tpu.memory_space<vmem>>) dst(%dma_wait3A_64 : memref<112x64xi32, #tpu.memory_space<hbm>>)
    %dma_wait3A_69 = arith.constant 0 : i32
    %dma_wait3A_70 = arith.constant 0 : i32
    %dma_wait3A_71 = arith.constant 0 : i32
    %dma_wait3A_72 = tpu.memref_slice %arg6[%dma_wait3A_69, %dma_wait3A_70, %dma_wait3A_71] : memref<6x112x64xi32, #tpu.memory_space<vmem>> -> memref<1x112x64xi32, #tpu.memory_space<vmem>>
    %dma_wait3A_73 = tpu.memref_squeeze %dma_wait3A_72 : memref<1x112x64xi32, #tpu.memory_space<vmem>> -> memref<112x64xi32, #tpu.memory_space<vmem>>
    %dma_wait3A_74 = arith.constant 0 : i32
    %dma_wait3A_75 = tpu.memref_slice %arg4[%mul3A_2, %dma_wait3A_74] : memref<175616x64xi32, #tpu.memory_space<hbm>> -> memref<112x64xi32, #tpu.memory_space<hbm>>
    %dma_wait3A_76 = arith.constant 0 : i32
    %dma_wait3A_77 = tpu.memref_slice %arg4[%mul3A_2, %dma_wait3A_76] : memref<175616x64xi32, #tpu.memory_space<hbm>> -> memref<112x64xi32, #tpu.memory_space<hbm>>
    %dma_wait3A_78 = arith.constant 0 : i32
    %dma_wait3A_79 = arith.constant 0 : i32
    %dma_wait3A_80 = tpu.memref_slice %arg6[%dma_wait3A_69, %dma_wait3A_78, %dma_wait3A_79] : memref<6x112x64xi32, #tpu.memory_space<vmem>> -> memref<1x112x64xi32, #tpu.memory_space<vmem>>
    %dma_wait3A_81 = tpu.memref_squeeze %dma_wait3A_80 : memref<1x112x64xi32, #tpu.memory_space<vmem>> -> memref<112x64xi32, #tpu.memory_space<vmem>>
    tpu.wait_dma2 semaphore(%arg8 : memref<!tpu.dma_semaphore, #tpu.memory_space<semaphore_mem>>) src(%dma_wait3A_81 : memref<112x64xi32, #tpu.memory_space<vmem>>) dst(%dma_wait3A_77 : memref<112x64xi32, #tpu.memory_space<hbm>>)
    return
  }
}

module attributes {stable_mosaic.version = 14 : i64} {
  func.func @_pack_x_body(%arg0: i32, %arg1: memref<10000x128xf32, #tpu.memory_space<vmem>>, %arg2: memref<10000x64xi32, #tpu.memory_space<vmem>>) attributes {dimension_semantics = [#tpu.dimension_semantics<arbitrary>], iteration_bounds = array<i64: 5>, scalar_prefetch = 0 : i64, scratch_operands = 0 : i64, tpu.core_type = #tpu.core_type<tc>, window_params = [{transform_indices = @transform_0, window_bounds = array<i64: 10000, 128>}, {transform_indices = @transform_1, window_bounds = array<i64: 10000, 64>}]} {
    %get3A = arith.constant 0 : index
    %get3A_0 = arith.constant 0 : index
    %get3A_1 = vector.load %arg1[%get3A, %get3A_0] : memref<10000x128xf32, #tpu.memory_space<vmem>>, vector<10000x64xf32>
    %get3A_2 = arith.constant 0 : index
    %get3A_3 = arith.constant 64 : index
    %get3A_4 = vector.load %arg1[%get3A_2, %get3A_3] : memref<10000x128xf32, #tpu.memory_space<vmem>>, vector<10000x64xf32>
    %convert_element_type3A = arith.truncf %get3A_1 : vector<10000x64xf32> to vector<10000x64xbf16>
    %convert_element_type3A_5 = arith.extf %convert_element_type3A : vector<10000x64xbf16> to vector<10000x64xf32>
    %convert_element_type3A_6 = arith.truncf %get3A_4 : vector<10000x64xf32> to vector<10000x64xbf16>
    %convert_element_type3A_7 = arith.extf %convert_element_type3A_6 : vector<10000x64xbf16> to vector<10000x64xf32>
    %bitcast_convert_type3A = tpu.bitcast %convert_element_type3A_5 : vector<10000x64xf32> -> vector<10000x64xi32>
    %shift_right_logical3A = arith.constant 16 : i32
    %shift_right_logical3A_8 = vector.broadcast %shift_right_logical3A : i32 to vector<10000x64xi32>
    %shift_right_logical3A_9 = arith.shrui %bitcast_convert_type3A, %shift_right_logical3A_8 : vector<10000x64xi32>
    %bitcast_convert_type3A_10 = tpu.bitcast %convert_element_type3A_7 : vector<10000x64xf32> -> vector<10000x64xi32>
    %and3A = arith.constant -65536 : i32
    %and3A_11 = vector.broadcast %and3A : i32 to vector<10000x64xi32>
    %and3A_12 = arith.andi %bitcast_convert_type3A_10, %and3A_11 : vector<10000x64xi32>
    %or3A = arith.ori %shift_right_logical3A_9, %and3A_12 : vector<10000x64xi32>
    %swap3A = arith.constant 0 : index
    %swap3A_13 = arith.constant 0 : index
    %swap3A_14 = vector.load %arg2[%swap3A, %swap3A_13] : memref<10000x64xi32, #tpu.memory_space<vmem>>, vector<10000x64xi32>
    tpu.vector_store %arg2[%swap3A, %swap3A_13], %or3A {strides = array<i32>} : memref<10000x64xi32, #tpu.memory_space<vmem>>, vector<10000x64xi32>,
    return
  }
  func.func @transform_0(%arg0: i32) -> (i32, i32) {
    %c0_i32 = arith.constant 0 : i32
    %c0_i32_0 = arith.constant 0 : i32
    return %arg0, %c0_i32 : i32, i32
  }
  func.func @transform_1(%arg0: i32) -> (i32, i32) {
    %c0_i32 = arith.constant 0 : i32
    %c0_i32_0 = arith.constant 0 : i32
    return %arg0, %c0_i32 : i32, i32
  }
}

module attributes {stable_mosaic.version = 14 : i64} {
  func.func @_mm_body(%arg0: i32, %arg1: memref<3584x448xi32, #tpu.memory_space<vmem>>, %arg2: memref<448x128xbf16, #tpu.memory_space<vmem>>, %arg3: memref<448x128xbf16, #tpu.memory_space<vmem>>, %arg4: memref<1x128xf32, #tpu.memory_space<vmem>>, %arg5: memref<1x448xf32, #tpu.memory_space<vmem>>, %arg6: memref<1x448xf32, #tpu.memory_space<vmem>>, %arg7: memref<1x448xf32, #tpu.memory_space<vmem>>, %arg8: memref<1x448xf32, #tpu.memory_space<vmem>>, %arg9: memref<3584x64xi32, #tpu.memory_space<vmem>>, %arg10: memref<1x128xf32, #tpu.memory_space<vmem>>, %arg11: memref<1x128xf32, #tpu.memory_space<vmem>>) attributes {dimension_semantics = [#tpu.dimension_semantics<arbitrary>], iteration_bounds = array<i64: 7>, scalar_prefetch = 0 : i64, scratch_operands = 0 : i64, tpu.core_type = #tpu.core_type<tc>, window_params = [{transform_indices = @transform_0, window_bounds = array<i64: 3584, 448>}, {pipeline_mode = #tpu.pipeline_mode<synchronous>, transform_indices = @transform_1, window_bounds = array<i64: 448, 128>}, {pipeline_mode = #tpu.pipeline_mode<synchronous>, transform_indices = @transform_2, window_bounds = array<i64: 448, 128>}, {pipeline_mode = #tpu.pipeline_mode<synchronous>, transform_indices = @transform_3, window_bounds = array<i64: 1, 128>}, {pipeline_mode = #tpu.pipeline_mode<synchronous>, transform_indices = @transform_4, window_bounds = array<i64: 1, 448>}, {pipeline_mode = #tpu.pipeline_mode<synchronous>, transform_indices = @transform_5, window_bounds = array<i64: 1, 448>}, {pipeline_mode = #tpu.pipeline_mode<synchronous>, transform_indices = @transform_6, window_bounds = array<i64: 1, 448>}, {pipeline_mode = #tpu.pipeline_mode<synchronous>, transform_indices = @transform_7, window_bounds = array<i64: 1, 448>}, {transform_indices = @transform_8, window_bounds = array<i64: 3584, 64>}, {pipeline_mode = #tpu.pipeline_mode<synchronous>, transform_indices = @transform_9, window_bounds = array<i64: 1, 128>}, {pipeline_mode = #tpu.pipeline_mode<synchronous>, transform_indices = @transform_10, window_bounds = array<i64: 1, 128>}]} {
    %get3A = arith.constant 0 : index
    %get3A_0 = arith.constant 0 : index
    %get3A_1 = vector.load %arg1[%get3A, %get3A_0] : memref<3584x448xi32, #tpu.memory_space<vmem>>, vector<3584x448xi32>
    %shift_left3A = arith.constant 16 : i32
    %shift_left3A_2 = vector.broadcast %shift_left3A : i32 to vector<3584x448xi32>
    %shift_left3A_3 = arith.shli %get3A_1, %shift_left3A_2 : vector<3584x448xi32>
    %bitcast_convert_type3A = tpu.bitcast %shift_left3A_3 : vector<3584x448xi32> -> vector<3584x448xf32>
    %and3A = arith.constant -65536 : i32
    %and3A_4 = vector.broadcast %and3A : i32 to vector<3584x448xi32>
    %and3A_5 = arith.andi %get3A_1, %and3A_4 : vector<3584x448xi32>
    %bitcast_convert_type3A_6 = tpu.bitcast %and3A_5 : vector<3584x448xi32> -> vector<3584x448xf32>
    %convert_element_type3A = arith.truncf %bitcast_convert_type3A : vector<3584x448xf32> to vector<3584x448xbf16>
    %get3A_7 = arith.constant 0 : index
    %get3A_8 = arith.constant 0 : index
    %get3A_9 = vector.load %arg2[%get3A_7, %get3A_8] : memref<448x128xbf16, #tpu.memory_space<vmem>>, vector<448x128xbf16>
    %dot_general3A = arith.constant dense<0.000000e+00> : vector<3584x128xf32>
    %dot_general3A_10 = tpu.matmul %convert_element_type3A, %get3A_9, %dot_general3A {dimension_numbers = #tpu.dot_dimension_numbers<[1], [0], [0], [1], [0, 0, 1, 1], [], []>, transpose_lhs_hint = false} : vector<3584x448xbf16>, vector<448x128xbf16>, vector<3584x128xf32> -> vector<3584x128xf32>
    %convert_element_type3A_11 = arith.truncf %bitcast_convert_type3A_6 : vector<3584x448xf32> to vector<3584x448xbf16>
    %get3A_12 = arith.constant 0 : index
    %get3A_13 = arith.constant 0 : index
    %get3A_14 = vector.load %arg3[%get3A_12, %get3A_13] : memref<448x128xbf16, #tpu.memory_space<vmem>>, vector<448x128xbf16>
    %dot_general3A_15 = arith.constant dense<0.000000e+00> : vector<3584x128xf32>
    %dot_general3A_16 = tpu.matmul %convert_element_type3A_11, %get3A_14, %dot_general3A_15 {dimension_numbers = #tpu.dot_dimension_numbers<[1], [0], [0], [1], [0, 0, 1, 1], [], []>, transpose_lhs_hint = false} : vector<3584x448xbf16>, vector<448x128xbf16>, vector<3584x128xf32> -> vector<3584x128xf32>
    %add3A = arith.addf %dot_general3A_10, %dot_general3A_16 : vector<3584x128xf32>
    %get3A_17 = arith.constant 0 : index
    %get3A_18 = arith.constant 0 : index
    %get3A_19 = vector.load %arg4[%get3A_17, %get3A_18] : memref<1x128xf32, #tpu.memory_space<vmem>>, vector<1x128xf32>
    %add3A_20 = vector.broadcast %get3A_19 : vector<1x128xf32> to vector<3584x128xf32>
    %add3A_21 = arith.addf %add3A, %add3A_20 : vector<3584x128xf32>
    %slice3A = vector.extract_strided_slice %add3A_21 {offsets = [0, 0], sizes = [3584, 64], strides = [1, 1]} : vector<3584x128xf32> to vector<3584x64xf32>
    %slice3A_22 = vector.extract_strided_slice %add3A_21 {offsets = [0, 64], sizes = [3584, 64], strides = [1, 1]} : vector<3584x128xf32> to vector<3584x64xf32>
    %convert_element_type3A_23 = arith.truncf %slice3A : vector<3584x64xf32> to vector<3584x64xbf16>
    %convert_element_type3A_24 = arith.extf %convert_element_type3A_23 : vector<3584x64xbf16> to vector<3584x64xf32>
    %convert_element_type3A_25 = arith.truncf %slice3A_22 : vector<3584x64xf32> to vector<3584x64xbf16>
    %convert_element_type3A_26 = arith.extf %convert_element_type3A_25 : vector<3584x64xbf16> to vector<3584x64xf32>
    %bitcast_convert_type3A_27 = tpu.bitcast %convert_element_type3A_24 : vector<3584x64xf32> -> vector<3584x64xi32>
    %shift_right_logical3A = arith.constant 16 : i32
    %shift_right_logical3A_28 = vector.broadcast %shift_right_logical3A : i32 to vector<3584x64xi32>
    %shift_right_logical3A_29 = arith.shrui %bitcast_convert_type3A_27, %shift_right_logical3A_28 : vector<3584x64xi32>
    %bitcast_convert_type3A_30 = tpu.bitcast %convert_element_type3A_26 : vector<3584x64xf32> -> vector<3584x64xi32>
    %and3A_31 = arith.constant -65536 : i32
    %and3A_32 = vector.broadcast %and3A_31 : i32 to vector<3584x64xi32>
    %and3A_33 = arith.andi %bitcast_convert_type3A_30, %and3A_32 : vector<3584x64xi32>
    %or3A = arith.ori %shift_right_logical3A_29, %and3A_33 : vector<3584x64xi32>
    %swap3A = arith.constant 0 : index
    %swap3A_34 = arith.constant 0 : index
    %swap3A_35 = vector.load %arg9[%swap3A, %swap3A_34] : memref<3584x64xi32, #tpu.memory_space<vmem>>, vector<3584x64xi32>
    tpu.vector_store %arg9[%swap3A, %swap3A_34], %or3A {strides = array<i32>} : memref<3584x64xi32, #tpu.memory_space<vmem>>, vector<3584x64xi32>,
    %add3A_36 = arith.constant 0 : i32
    %add3A_37 = arith.addi %arg0, %add3A_36 : i32
    %mul3A = arith.constant 3584 : i32
    %mul3A_38 = arith.muli %add3A_37, %mul3A : i32
    %iota3A = tpu.iota {dimensions = array<i32: 0>} : vector<3584x1xi32>
    %add3A_39 = vector.broadcast %mul3A_38 : i32 to vector<3584x1xi32>
    %add3A_40 = arith.addi %add3A_39, %iota3A : vector<3584x1xi32>
    %lt3A = arith.constant 50000 : i32
    %lt3A_41 = vector.broadcast %lt3A : i32 to vector<3584x1xi32>
    %lt3A_42 = arith.cmpi slt, %add3A_40, %lt3A_41 : vector<3584x1xi32>
    %jit3A = arith.constant 0.000000e+00 : f32
    %broadcast_in_dim3A = vector.shape_cast %lt3A_42 : vector<3584x1xi1> to vector<3584x1xi1>
    %broadcast_in_dim3A_43 = vector.broadcast %broadcast_in_dim3A : vector<3584x1xi1> to vector<3584x128xi1>
    %broadcast_in_dim3A_44 = vector.broadcast %jit3A : f32 to vector<3584x128xf32>
    %select_n3A = arith.select %broadcast_in_dim3A_43, %add3A_21, %broadcast_in_dim3A_44 : vector<3584x128xi1>, vector<3584x128xf32>
    %reduce_sum3A = arith.constant dense<0.000000e+00> : vector<128xf32>
    %reduce_sum3A_45 = vector.multi_reduction <add>, %select_n3A, %reduce_sum3A [0] : vector<3584x128xf32> to vector<128xf32>
    %broadcast_in_dim3A_46 = vector.shape_cast %reduce_sum3A_45 : vector<128xf32> to vector<1x128xf32>
    %mul3A_47 = arith.mulf %select_n3A, %select_n3A : vector<3584x128xf32>
    %reduce_sum3A_48 = arith.constant dense<0.000000e+00> : vector<128xf32>
    %reduce_sum3A_49 = vector.multi_reduction <add>, %mul3A_47, %reduce_sum3A_48 [0] : vector<3584x128xf32> to vector<128xf32>
    %broadcast_in_dim3A_50 = vector.shape_cast %reduce_sum3A_49 : vector<128xf32> to vector<1x128xf32>
    %eq3A = arith.constant 0 : i32
    %eq3A_51 = arith.cmpi eq, %arg0, %eq3A : i32
    %convert_element_type3A_52 = arith.extui %eq3A_51 : i1 to i32
    %cond3A = arith.constant 0 : i32
    %cond3A_53 = arith.cmpi ne, %convert_element_type3A_52, %cond3A : i32
    scf.if %cond3A_53 {
      %swap3A_58 = arith.constant 0 : index
      %swap3A_59 = arith.constant 0 : index
      %swap3A_60 = vector.load %arg10[%swap3A_58, %swap3A_59] : memref<1x128xf32, #tpu.memory_space<vmem>>, vector<1x128xf32>
      tpu.vector_store %arg10[%swap3A_58, %swap3A_59], %broadcast_in_dim3A_46 {strides = array<i32>} : memref<1x128xf32, #tpu.memory_space<vmem>>, vector<1x128xf32>,
      %swap3A_61 = arith.constant 0 : index
      %swap3A_62 = arith.constant 0 : index
      %swap3A_63 = vector.load %arg11[%swap3A_61, %swap3A_62] : memref<1x128xf32, #tpu.memory_space<vmem>>, vector<1x128xf32>
      tpu.vector_store %arg11[%swap3A_61, %swap3A_62], %broadcast_in_dim3A_50 {strides = array<i32>} : memref<1x128xf32, #tpu.memory_space<vmem>>, vector<1x128xf32>,
    } else {
    }
    %gt3A = arith.constant 0 : i32
    %gt3A_54 = arith.cmpi sgt, %arg0, %gt3A : i32
    %convert_element_type3A_55 = arith.extui %gt3A_54 : i1 to i32
    %cond3A_56 = arith.constant 0 : i32
    %cond3A_57 = arith.cmpi ne, %convert_element_type3A_55, %cond3A_56 : i32
    scf.if %cond3A_57 {
      %get3A_58 = arith.constant 0 : index
      %get3A_59 = arith.constant 0 : index
      %get3A_60 = vector.load %arg10[%get3A_58, %get3A_59] : memref<1x128xf32, #tpu.memory_space<vmem>>, vector<1x128xf32>
      %add3A_61 = arith.addf %get3A_60, %broadcast_in_dim3A_46 : vector<1x128xf32>
      %swap3A_62 = arith.constant 0 : index
      %swap3A_63 = arith.constant 0 : index
      %swap3A_64 = vector.load %arg10[%swap3A_62, %swap3A_63] : memref<1x128xf32, #tpu.memory_space<vmem>>, vector<1x128xf32>
      tpu.vector_store %arg10[%swap3A_62, %swap3A_63], %add3A_61 {strides = array<i32>} : memref<1x128xf32, #tpu.memory_space<vmem>>, vector<1x128xf32>,
      %get3A_65 = arith.constant 0 : index
      %get3A_66 = arith.constant 0 : index
      %get3A_67 = vector.load %arg11[%get3A_65, %get3A_66] : memref<1x128xf32, #tpu.memory_space<vmem>>, vector<1x128xf32>
      %add3A_68 = arith.addf %get3A_67, %broadcast_in_dim3A_50 : vector<1x128xf32>
      %swap3A_69 = arith.constant 0 : index
      %swap3A_70 = arith.constant 0 : index
      %swap3A_71 = vector.load %arg11[%swap3A_69, %swap3A_70] : memref<1x128xf32, #tpu.memory_space<vmem>>, vector<1x128xf32>
      tpu.vector_store %arg11[%swap3A_69, %swap3A_70], %add3A_68 {strides = array<i32>} : memref<1x128xf32, #tpu.memory_space<vmem>>, vector<1x128xf32>,
    } else {
    }
    return
  }
  func.func @transform_0(%arg0: i32) -> (i32, i32) {
    %c0_i32 = arith.constant 0 : i32
    %c0_i32_0 = arith.constant 0 : i32
    return %arg0, %c0_i32 : i32, i32
  }
  func.func @transform_1(%arg0: i32) -> (i32, i32) {
    %c0_i32 = arith.constant 0 : i32
    %c0_i32_0 = arith.constant 0 : i32
    %c0_i32_1 = arith.constant 0 : i32
    return %c0_i32, %c0_i32_0 : i32, i32
  }
  func.func @transform_2(%arg0: i32) -> (i32, i32) {
    %c0_i32 = arith.constant 0 : i32
    %c0_i32_0 = arith.constant 0 : i32
    %c0_i32_1 = arith.constant 0 : i32
    return %c0_i32, %c0_i32_0 : i32, i32
  }
  func.func @transform_3(%arg0: i32) -> (i32, i32) {
    %c0_i32 = arith.constant 0 : i32
    %c0_i32_0 = arith.constant 0 : i32
    %c0_i32_1 = arith.constant 0 : i32
    return %c0_i32, %c0_i32_0 : i32, i32
  }
  func.func @transform_4(%arg0: i32) -> (i32, i32) {
    %c0_i32 = arith.constant 0 : i32
    %c0_i32_0 = arith.constant 0 : i32
    %c0_i32_1 = arith.constant 0 : i32
    return %c0_i32, %c0_i32_0 : i32, i32
  }
  func.func @transform_5(%arg0: i32) -> (i32, i32) {
    %c0_i32 = arith.constant 0 : i32
    %c0_i32_0 = arith.constant 0 : i32
    %c0_i32_1 = arith.constant 0 : i32
    return %c0_i32, %c0_i32_0 : i32, i32
  }
  func.func @transform_6(%arg0: i32) -> (i32, i32) {
    %c0_i32 = arith.constant 0 : i32
    %c0_i32_0 = arith.constant 0 : i32
    %c0_i32_1 = arith.constant 0 : i32
    return %c0_i32, %c0_i32_0 : i32, i32
  }
  func.func @transform_7(%arg0: i32) -> (i32, i32) {
    %c0_i32 = arith.constant 0 : i32
    %c0_i32_0 = arith.constant 0 : i32
    %c0_i32_1 = arith.constant 0 : i32
    return %c0_i32, %c0_i32_0 : i32, i32
  }
  func.func @transform_8(%arg0: i32) -> (i32, i32) {
    %c0_i32 = arith.constant 0 : i32
    %c0_i32_0 = arith.constant 0 : i32
    return %arg0, %c0_i32 : i32, i32
  }
  func.func @transform_9(%arg0: i32) -> (i32, i32) {
    %c0_i32 = arith.constant 0 : i32
    %c0_i32_0 = arith.constant 0 : i32
    %c0_i32_1 = arith.constant 0 : i32
    return %c0_i32, %c0_i32_0 : i32, i32
  }
  func.func @transform_10(%arg0: i32) -> (i32, i32) {
    %c0_i32 = arith.constant 0 : i32
    %c0_i32_0 = arith.constant 0 : i32
    %c0_i32_1 = arith.constant 0 : i32
    return %c0_i32, %c0_i32_0 : i32, i32
  }
}

module attributes {stable_mosaic.version = 14 : i64} {
  func.func @ignore_alias(%arg0: i32, %arg1: memref<3584x448xi32, #tpu.memory_space<vmem>>, %arg2: memref<448x128xbf16, #tpu.memory_space<vmem>>, %arg3: memref<448x128xbf16, #tpu.memory_space<vmem>>, %arg4: memref<1x128xf32, #tpu.memory_space<vmem>>, %arg5: memref<1x448xf32, #tpu.memory_space<vmem>>, %arg6: memref<1x448xf32, #tpu.memory_space<vmem>>, %arg7: memref<1x448xf32, #tpu.memory_space<vmem>>, %arg8: memref<1x448xf32, #tpu.memory_space<vmem>>, %arg9: memref<50176x64xi32, #tpu.memory_space<any>>, %arg10: memref<3584x64xi32, #tpu.memory_space<vmem>>, %arg11: memref<1x128xf32, #tpu.memory_space<vmem>>, %arg12: memref<1x128xf32, #tpu.memory_space<vmem>>) attributes {dimension_semantics = [#tpu.dimension_semantics<arbitrary>], iteration_bounds = array<i64: 7>, scalar_prefetch = 0 : i64, scratch_operands = 0 : i64, tpu.core_type = #tpu.core_type<tc>, window_params = [{transform_indices = @transform_0, window_bounds = array<i64: 3584, 448>}, {pipeline_mode = #tpu.pipeline_mode<synchronous>, transform_indices = @transform_1, window_bounds = array<i64: 448, 128>}, {pipeline_mode = #tpu.pipeline_mode<synchronous>, transform_indices = @transform_2, window_bounds = array<i64: 448, 128>}, {pipeline_mode = #tpu.pipeline_mode<synchronous>, transform_indices = @transform_3, window_bounds = array<i64: 1, 128>}, {pipeline_mode = #tpu.pipeline_mode<synchronous>, transform_indices = @transform_4, window_bounds = array<i64: 1, 448>}, {pipeline_mode = #tpu.pipeline_mode<synchronous>, transform_indices = @transform_5, window_bounds = array<i64: 1, 448>}, {pipeline_mode = #tpu.pipeline_mode<synchronous>, transform_indices = @transform_6, window_bounds = array<i64: 1, 448>}, {pipeline_mode = #tpu.pipeline_mode<synchronous>, transform_indices = @transform_7, window_bounds = array<i64: 1, 448>}, {}, {transform_indices = @transform_9, window_bounds = array<i64: 3584, 64>}, {pipeline_mode = #tpu.pipeline_mode<synchronous>, transform_indices = @transform_10, window_bounds = array<i64: 1, 128>}, {pipeline_mode = #tpu.pipeline_mode<synchronous>, transform_indices = @transform_11, window_bounds = array<i64: 1, 128>}]} {
    %get3A = arith.constant 0 : index
    %get3A_0 = arith.constant 0 : index
    %get3A_1 = vector.load %arg1[%get3A, %get3A_0] : memref<3584x448xi32, #tpu.memory_space<vmem>>, vector<3584x448xi32>
    %shift_left3A = arith.constant 16 : i32
    %shift_left3A_2 = vector.broadcast %shift_left3A : i32 to vector<3584x448xi32>
    %shift_left3A_3 = arith.shli %get3A_1, %shift_left3A_2 : vector<3584x448xi32>
    %bitcast_convert_type3A = tpu.bitcast %shift_left3A_3 : vector<3584x448xi32> -> vector<3584x448xf32>
    %and3A = arith.constant -65536 : i32
    %and3A_4 = vector.broadcast %and3A : i32 to vector<3584x448xi32>
    %and3A_5 = arith.andi %get3A_1, %and3A_4 : vector<3584x448xi32>
    %bitcast_convert_type3A_6 = tpu.bitcast %and3A_5 : vector<3584x448xi32> -> vector<3584x448xf32>
    %convert_element_type3A = arith.truncf %bitcast_convert_type3A : vector<3584x448xf32> to vector<3584x448xbf16>
    %get3A_7 = arith.constant 0 : index
    %get3A_8 = arith.constant 0 : index
    %get3A_9 = vector.load %arg2[%get3A_7, %get3A_8] : memref<448x128xbf16, #tpu.memory_space<vmem>>, vector<448x128xbf16>
    %dot_general3A = arith.constant dense<0.000000e+00> : vector<3584x128xf32>
    %dot_general3A_10 = tpu.matmul %convert_element_type3A, %get3A_9, %dot_general3A {dimension_numbers = #tpu.dot_dimension_numbers<[1], [0], [0], [1], [0, 0, 1, 1], [], []>, transpose_lhs_hint = false} : vector<3584x448xbf16>, vector<448x128xbf16>, vector<3584x128xf32> -> vector<3584x128xf32>
    %convert_element_type3A_11 = arith.truncf %bitcast_convert_type3A_6 : vector<3584x448xf32> to vector<3584x448xbf16>
    %get3A_12 = arith.constant 0 : index
    %get3A_13 = arith.constant 0 : index
    %get3A_14 = vector.load %arg3[%get3A_12, %get3A_13] : memref<448x128xbf16, #tpu.memory_space<vmem>>, vector<448x128xbf16>
    %dot_general3A_15 = arith.constant dense<0.000000e+00> : vector<3584x128xf32>
    %dot_general3A_16 = tpu.matmul %convert_element_type3A_11, %get3A_14, %dot_general3A_15 {dimension_numbers = #tpu.dot_dimension_numbers<[1], [0], [0], [1], [0, 0, 1, 1], [], []>, transpose_lhs_hint = false} : vector<3584x448xbf16>, vector<448x128xbf16>, vector<3584x128xf32> -> vector<3584x128xf32>
    %add3A = arith.addf %dot_general3A_10, %dot_general3A_16 : vector<3584x128xf32>
    %get3A_17 = arith.constant 0 : index
    %get3A_18 = arith.constant 0 : index
    %get3A_19 = vector.load %arg4[%get3A_17, %get3A_18] : memref<1x128xf32, #tpu.memory_space<vmem>>, vector<1x128xf32>
    %add3A_20 = vector.broadcast %get3A_19 : vector<1x128xf32> to vector<3584x128xf32>
    %add3A_21 = arith.addf %add3A, %add3A_20 : vector<3584x128xf32>
    %slice3A = vector.extract_strided_slice %add3A_21 {offsets = [0, 0], sizes = [3584, 64], strides = [1, 1]} : vector<3584x128xf32> to vector<3584x64xf32>
    %slice3A_22 = vector.extract_strided_slice %add3A_21 {offsets = [0, 64], sizes = [3584, 64], strides = [1, 1]} : vector<3584x128xf32> to vector<3584x64xf32>
    %convert_element_type3A_23 = arith.truncf %slice3A : vector<3584x64xf32> to vector<3584x64xbf16>
    %convert_element_type3A_24 = arith.extf %convert_element_type3A_23 : vector<3584x64xbf16> to vector<3584x64xf32>
    %convert_element_type3A_25 = arith.truncf %slice3A_22 : vector<3584x64xf32> to vector<3584x64xbf16>
    %convert_element_type3A_26 = arith.extf %convert_element_type3A_25 : vector<3584x64xbf16> to vector<3584x64xf32>
    %bitcast_convert_type3A_27 = tpu.bitcast %convert_element_type3A_24 : vector<3584x64xf32> -> vector<3584x64xi32>
    %shift_right_logical3A = arith.constant 16 : i32
    %shift_right_logical3A_28 = vector.broadcast %shift_right_logical3A : i32 to vector<3584x64xi32>
    %shift_right_logical3A_29 = arith.shrui %bitcast_convert_type3A_27, %shift_right_logical3A_28 : vector<3584x64xi32>
    %bitcast_convert_type3A_30 = tpu.bitcast %convert_element_type3A_26 : vector<3584x64xf32> -> vector<3584x64xi32>
    %and3A_31 = arith.constant -65536 : i32
    %and3A_32 = vector.broadcast %and3A_31 : i32 to vector<3584x64xi32>
    %and3A_33 = arith.andi %bitcast_convert_type3A_30, %and3A_32 : vector<3584x64xi32>
    %or3A = arith.ori %shift_right_logical3A_29, %and3A_33 : vector<3584x64xi32>
    %swap3A = arith.constant 0 : index
    %swap3A_34 = arith.constant 0 : index
    %swap3A_35 = vector.load %arg10[%swap3A, %swap3A_34] : memref<3584x64xi32, #tpu.memory_space<vmem>>, vector<3584x64xi32>
    tpu.vector_store %arg10[%swap3A, %swap3A_34], %or3A {strides = array<i32>} : memref<3584x64xi32, #tpu.memory_space<vmem>>, vector<3584x64xi32>,
    %add3A_36 = arith.constant 7 : i32
    %add3A_37 = arith.addi %arg0, %add3A_36 : i32
    %mul3A = arith.constant 3584 : i32
    %mul3A_38 = arith.muli %add3A_37, %mul3A : i32
    %iota3A = tpu.iota {dimensions = array<i32: 0>} : vector<3584x1xi32>
    %add3A_39 = vector.broadcast %mul3A_38 : i32 to vector<3584x1xi32>
    %add3A_40 = arith.addi %add3A_39, %iota3A : vector<3584x1xi32>
    %lt3A = arith.constant 50000 : i32
    %lt3A_41 = vector.broadcast %lt3A : i32 to vector<3584x1xi32>
    %lt3A_42 = arith.cmpi slt, %add3A_40, %lt3A_41 : vector<3584x1xi32>
    %jit3A = arith.constant 0.000000e+00 : f32
    %broadcast_in_dim3A = vector.shape_cast %lt3A_42 : vector<3584x1xi1> to vector<3584x1xi1>
    %broadcast_in_dim3A_43 = vector.broadcast %broadcast_in_dim3A : vector<3584x1xi1> to vector<3584x128xi1>
    %broadcast_in_dim3A_44 = vector.broadcast %jit3A : f32 to vector<3584x128xf32>
    %select_n3A = arith.select %broadcast_in_dim3A_43, %add3A_21, %broadcast_in_dim3A_44 : vector<3584x128xi1>, vector<3584x128xf32>
    %reduce_sum3A = arith.constant dense<0.000000e+00> : vector<128xf32>
    %reduce_sum3A_45 = vector.multi_reduction <add>, %select_n3A, %reduce_sum3A [0] : vector<3584x128xf32> to vector<128xf32>
    %broadcast_in_dim3A_46 = vector.shape_cast %reduce_sum3A_45 : vector<128xf32> to vector<1x128xf32>
    %mul3A_47 = arith.mulf %select_n3A, %select_n3A : vector<3584x128xf32>
    %reduce_sum3A_48 = arith.constant dense<0.000000e+00> : vector<128xf32>
    %reduce_sum3A_49 = vector.multi_reduction <add>, %mul3A_47, %reduce_sum3A_48 [0] : vector<3584x128xf32> to vector<128xf32>
    %broadcast_in_dim3A_50 = vector.shape_cast %reduce_sum3A_49 : vector<128xf32> to vector<1x128xf32>
    %eq3A = arith.constant 0 : i32
    %eq3A_51 = arith.cmpi eq, %arg0, %eq3A : i32
    %convert_element_type3A_52 = arith.extui %eq3A_51 : i1 to i32
    %cond3A = arith.constant 0 : i32
    %cond3A_53 = arith.cmpi ne, %convert_element_type3A_52, %cond3A : i32
    scf.if %cond3A_53 {
      %swap3A_58 = arith.constant 0 : index
      %swap3A_59 = arith.constant 0 : index
      %swap3A_60 = vector.load %arg11[%swap3A_58, %swap3A_59] : memref<1x128xf32, #tpu.memory_space<vmem>>, vector<1x128xf32>
      tpu.vector_store %arg11[%swap3A_58, %swap3A_59], %broadcast_in_dim3A_46 {strides = array<i32>} : memref<1x128xf32, #tpu.memory_space<vmem>>, vector<1x128xf32>,
      %swap3A_61 = arith.constant 0 : index
      %swap3A_62 = arith.constant 0 : index
      %swap3A_63 = vector.load %arg12[%swap3A_61, %swap3A_62] : memref<1x128xf32, #tpu.memory_space<vmem>>, vector<1x128xf32>
      tpu.vector_store %arg12[%swap3A_61, %swap3A_62], %broadcast_in_dim3A_50 {strides = array<i32>} : memref<1x128xf32, #tpu.memory_space<vmem>>, vector<1x128xf32>,
    } else {
    }
    %gt3A = arith.constant 0 : i32
    %gt3A_54 = arith.cmpi sgt, %arg0, %gt3A : i32
    %convert_element_type3A_55 = arith.extui %gt3A_54 : i1 to i32
    %cond3A_56 = arith.constant 0 : i32
    %cond3A_57 = arith.cmpi ne, %convert_element_type3A_55, %cond3A_56 : i32
    scf.if %cond3A_57 {
      %get3A_58 = arith.constant 0 : index
      %get3A_59 = arith.constant 0 : index
      %get3A_60 = vector.load %arg11[%get3A_58, %get3A_59] : memref<1x128xf32, #tpu.memory_space<vmem>>, vector<1x128xf32>
      %add3A_61 = arith.addf %get3A_60, %broadcast_in_dim3A_46 : vector<1x128xf32>
      %swap3A_62 = arith.constant 0 : index
      %swap3A_63 = arith.constant 0 : index
      %swap3A_64 = vector.load %arg11[%swap3A_62, %swap3A_63] : memref<1x128xf32, #tpu.memory_space<vmem>>, vector<1x128xf32>
      tpu.vector_store %arg11[%swap3A_62, %swap3A_63], %add3A_61 {strides = array<i32>} : memref<1x128xf32, #tpu.memory_space<vmem>>, vector<1x128xf32>,
      %get3A_65 = arith.constant 0 : index
      %get3A_66 = arith.constant 0 : index
      %get3A_67 = vector.load %arg12[%get3A_65, %get3A_66] : memref<1x128xf32, #tpu.memory_space<vmem>>, vector<1x128xf32>
      %add3A_68 = arith.addf %get3A_67, %broadcast_in_dim3A_50 : vector<1x128xf32>
      %swap3A_69 = arith.constant 0 : index
      %swap3A_70 = arith.constant 0 : index
      %swap3A_71 = vector.load %arg12[%swap3A_69, %swap3A_70] : memref<1x128xf32, #tpu.memory_space<vmem>>, vector<1x128xf32>
      tpu.vector_store %arg12[%swap3A_69, %swap3A_70], %add3A_68 {strides = array<i32>} : memref<1x128xf32, #tpu.memory_space<vmem>>, vector<1x128xf32>,
    } else {
    }
    return
  }
  func.func @transform_0(%arg0: i32) -> (i32, i32) {
    %c0_i32 = arith.constant 0 : i32
    %c0_i32_0 = arith.constant 0 : i32
    return %arg0, %c0_i32 : i32, i32
  }
  func.func @transform_1(%arg0: i32) -> (i32, i32) {
    %c0_i32 = arith.constant 0 : i32
    %c0_i32_0 = arith.constant 0 : i32
    %c0_i32_1 = arith.constant 0 : i32
    return %c0_i32, %c0_i32_0 : i32, i32
  }
  func.func @transform_2(%arg0: i32) -> (i32, i32) {
    %c0_i32 = arith.constant 0 : i32
    %c0_i32_0 = arith.constant 0 : i32
    %c0_i32_1 = arith.constant 0 : i32
    return %c0_i32, %c0_i32_0 : i32, i32
  }
  func.func @transform_3(%arg0: i32) -> (i32, i32) {
    %c0_i32 = arith.constant 0 : i32
    %c0_i32_0 = arith.constant 0 : i32
    %c0_i32_1 = arith.constant 0 : i32
    return %c0_i32, %c0_i32_0 : i32, i32
  }
  func.func @transform_4(%arg0: i32) -> (i32, i32) {
    %c0_i32 = arith.constant 0 : i32
    %c0_i32_0 = arith.constant 0 : i32
    %c0_i32_1 = arith.constant 0 : i32
    return %c0_i32, %c0_i32_0 : i32, i32
  }
  func.func @transform_5(%arg0: i32) -> (i32, i32) {
    %c0_i32 = arith.constant 0 : i32
    %c0_i32_0 = arith.constant 0 : i32
    %c0_i32_1 = arith.constant 0 : i32
    return %c0_i32, %c0_i32_0 : i32, i32
  }
  func.func @transform_6(%arg0: i32) -> (i32, i32) {
    %c0_i32 = arith.constant 0 : i32
    %c0_i32_0 = arith.constant 0 : i32
    %c0_i32_1 = arith.constant 0 : i32
    return %c0_i32, %c0_i32_0 : i32, i32
  }
  func.func @transform_7(%arg0: i32) -> (i32, i32) {
    %c0_i32 = arith.constant 0 : i32
    %c0_i32_0 = arith.constant 0 : i32
    %c0_i32_1 = arith.constant 0 : i32
    return %c0_i32, %c0_i32_0 : i32, i32
  }
  func.func @transform_9(%arg0: i32) -> (i32, i32) {
    %add3A = arith.constant 7 : i32
    %add3A_0 = arith.addi %arg0, %add3A : i32
    %c0_i32 = arith.constant 0 : i32
    %c0_i32_1 = arith.constant 0 : i32
    return %add3A_0, %c0_i32 : i32, i32
  }
  func.func @transform_10(%arg0: i32) -> (i32, i32) {
    %c0_i32 = arith.constant 0 : i32
    %c0_i32_0 = arith.constant 0 : i32
    %c0_i32_1 = arith.constant 0 : i32
    return %c0_i32, %c0_i32_0 : i32, i32
  }
  func.func @transform_11(%arg0: i32) -> (i32, i32) {
    %c0_i32 = arith.constant 0 : i32
    %c0_i32_0 = arith.constant 0 : i32
    %c0_i32_1 = arith.constant 0 : i32
    return %c0_i32, %c0_i32_0 : i32, i32
  }
}

module attributes {stable_mosaic.version = 14 : i64} {
  func.func @_mm_body(%arg0: i32, %arg1: memref<3584x448xi32, #tpu.memory_space<vmem>>, %arg2: memref<448x128xbf16, #tpu.memory_space<vmem>>, %arg3: memref<448x128xbf16, #tpu.memory_space<vmem>>, %arg4: memref<1x128xf32, #tpu.memory_space<vmem>>, %arg5: memref<1x448xf32, #tpu.memory_space<vmem>>, %arg6: memref<1x448xf32, #tpu.memory_space<vmem>>, %arg7: memref<1x448xf32, #tpu.memory_space<vmem>>, %arg8: memref<1x448xf32, #tpu.memory_space<vmem>>, %arg9: memref<3584x64xi32, #tpu.memory_space<vmem>>, %arg10: memref<1x128xf32, #tpu.memory_space<vmem>>, %arg11: memref<1x128xf32, #tpu.memory_space<vmem>>) attributes {dimension_semantics = [#tpu.dimension_semantics<arbitrary>], iteration_bounds = array<i64: 7>, scalar_prefetch = 0 : i64, scratch_operands = 0 : i64, tpu.core_type = #tpu.core_type<tc>, window_params = [{transform_indices = @transform_0, window_bounds = array<i64: 3584, 448>}, {pipeline_mode = #tpu.pipeline_mode<synchronous>, transform_indices = @transform_1, window_bounds = array<i64: 448, 128>}, {pipeline_mode = #tpu.pipeline_mode<synchronous>, transform_indices = @transform_2, window_bounds = array<i64: 448, 128>}, {pipeline_mode = #tpu.pipeline_mode<synchronous>, transform_indices = @transform_3, window_bounds = array<i64: 1, 128>}, {pipeline_mode = #tpu.pipeline_mode<synchronous>, transform_indices = @transform_4, window_bounds = array<i64: 1, 448>}, {pipeline_mode = #tpu.pipeline_mode<synchronous>, transform_indices = @transform_5, window_bounds = array<i64: 1, 448>}, {pipeline_mode = #tpu.pipeline_mode<synchronous>, transform_indices = @transform_6, window_bounds = array<i64: 1, 448>}, {pipeline_mode = #tpu.pipeline_mode<synchronous>, transform_indices = @transform_7, window_bounds = array<i64: 1, 448>}, {transform_indices = @transform_8, window_bounds = array<i64: 3584, 64>}, {pipeline_mode = #tpu.pipeline_mode<synchronous>, transform_indices = @transform_9, window_bounds = array<i64: 1, 128>}, {pipeline_mode = #tpu.pipeline_mode<synchronous>, transform_indices = @transform_10, window_bounds = array<i64: 1, 128>}]} {
    %get3A = arith.constant 0 : index
    %get3A_0 = arith.constant 0 : index
    %get3A_1 = vector.load %arg1[%get3A, %get3A_0] : memref<3584x448xi32, #tpu.memory_space<vmem>>, vector<3584x448xi32>
    %shift_left3A = arith.constant 16 : i32
    %shift_left3A_2 = vector.broadcast %shift_left3A : i32 to vector<3584x448xi32>
    %shift_left3A_3 = arith.shli %get3A_1, %shift_left3A_2 : vector<3584x448xi32>
    %bitcast_convert_type3A = tpu.bitcast %shift_left3A_3 : vector<3584x448xi32> -> vector<3584x448xf32>
    %and3A = arith.constant -65536 : i32
    %and3A_4 = vector.broadcast %and3A : i32 to vector<3584x448xi32>
    %and3A_5 = arith.andi %get3A_1, %and3A_4 : vector<3584x448xi32>
    %bitcast_convert_type3A_6 = tpu.bitcast %and3A_5 : vector<3584x448xi32> -> vector<3584x448xf32>
    %get3A_7 = arith.constant 0 : index
    %get3A_8 = arith.constant 0 : index
    %get3A_9 = vector.load %arg5[%get3A_7, %get3A_8] : memref<1x448xf32, #tpu.memory_space<vmem>>, vector<1x448xf32>
    %mul3A = vector.broadcast %get3A_9 : vector<1x448xf32> to vector<3584x448xf32>
    %mul3A_10 = arith.mulf %bitcast_convert_type3A, %mul3A : vector<3584x448xf32>
    %get3A_11 = arith.constant 0 : index
    %get3A_12 = arith.constant 0 : index
    %get3A_13 = vector.load %arg7[%get3A_11, %get3A_12] : memref<1x448xf32, #tpu.memory_space<vmem>>, vector<1x448xf32>
    %add3A = vector.broadcast %get3A_13 : vector<1x448xf32> to vector<3584x448xf32>
    %add3A_14 = arith.addf %mul3A_10, %add3A : vector<3584x448xf32>
    %gt3A = arith.constant 0.000000e+00 : f32
    %gt3A_15 = vector.broadcast %gt3A : f32 to vector<3584x448xf32>
    %gt3A_16 = arith.cmpf ogt, %add3A_14, %gt3A_15 : vector<3584x448xf32>
    %mul3A_17 = arith.constant 2.000000e-01 : f32
    %mul3A_18 = vector.broadcast %mul3A_17 : f32 to vector<3584x448xf32>
    %mul3A_19 = arith.mulf %mul3A_18, %add3A_14 : vector<3584x448xf32>
    %select_n3A = arith.select %gt3A_16, %add3A_14, %mul3A_19 : vector<3584x448xi1>, vector<3584x448xf32>
    %get3A_20 = arith.constant 0 : index
    %get3A_21 = arith.constant 0 : index
    %get3A_22 = vector.load %arg6[%get3A_20, %get3A_21] : memref<1x448xf32, #tpu.memory_space<vmem>>, vector<1x448xf32>
    %mul3A_23 = vector.broadcast %get3A_22 : vector<1x448xf32> to vector<3584x448xf32>
    %mul3A_24 = arith.mulf %bitcast_convert_type3A_6, %mul3A_23 : vector<3584x448xf32>
    %get3A_25 = arith.constant 0 : index
    %get3A_26 = arith.constant 0 : index
    %get3A_27 = vector.load %arg8[%get3A_25, %get3A_26] : memref<1x448xf32, #tpu.memory_space<vmem>>, vector<1x448xf32>
    %add3A_28 = vector.broadcast %get3A_27 : vector<1x448xf32> to vector<3584x448xf32>
    %add3A_29 = arith.addf %mul3A_24, %add3A_28 : vector<3584x448xf32>
    %gt3A_30 = arith.constant 0.000000e+00 : f32
    %gt3A_31 = vector.broadcast %gt3A_30 : f32 to vector<3584x448xf32>
    %gt3A_32 = arith.cmpf ogt, %add3A_29, %gt3A_31 : vector<3584x448xf32>
    %mul3A_33 = arith.constant 2.000000e-01 : f32
    %mul3A_34 = vector.broadcast %mul3A_33 : f32 to vector<3584x448xf32>
    %mul3A_35 = arith.mulf %mul3A_34, %add3A_29 : vector<3584x448xf32>
    %select_n3A_36 = arith.select %gt3A_32, %add3A_29, %mul3A_35 : vector<3584x448xi1>, vector<3584x448xf32>
    %convert_element_type3A = arith.truncf %select_n3A : vector<3584x448xf32> to vector<3584x448xbf16>
    %get3A_37 = arith.constant 0 : index
    %get3A_38 = arith.constant 0 : index
    %get3A_39 = vector.load %arg2[%get3A_37, %get3A_38] : memref<448x128xbf16, #tpu.memory_space<vmem>>, vector<448x128xbf16>
    %dot_general3A = arith.constant dense<0.000000e+00> : vector<3584x128xf32>
    %dot_general3A_40 = tpu.matmul %convert_element_type3A, %get3A_39, %dot_general3A {dimension_numbers = #tpu.dot_dimension_numbers<[1], [0], [0], [1], [0, 0, 1, 1], [], []>, transpose_lhs_hint = false} : vector<3584x448xbf16>, vector<448x128xbf16>, vector<3584x128xf32> -> vector<3584x128xf32>
    %convert_element_type3A_41 = arith.truncf %select_n3A_36 : vector<3584x448xf32> to vector<3584x448xbf16>
    %get3A_42 = arith.constant 0 : index
    %get3A_43 = arith.constant 0 : index
    %get3A_44 = vector.load %arg3[%get3A_42, %get3A_43] : memref<448x128xbf16, #tpu.memory_space<vmem>>, vector<448x128xbf16>
    %dot_general3A_45 = arith.constant dense<0.000000e+00> : vector<3584x128xf32>
    %dot_general3A_46 = tpu.matmul %convert_element_type3A_41, %get3A_44, %dot_general3A_45 {dimension_numbers = #tpu.dot_dimension_numbers<[1], [0], [0], [1], [0, 0, 1, 1], [], []>, transpose_lhs_hint = false} : vector<3584x448xbf16>, vector<448x128xbf16>, vector<3584x128xf32> -> vector<3584x128xf32>
    %add3A_47 = arith.addf %dot_general3A_40, %dot_general3A_46 : vector<3584x128xf32>
    %get3A_48 = arith.constant 0 : index
    %get3A_49 = arith.constant 0 : index
    %get3A_50 = vector.load %arg4[%get3A_48, %get3A_49] : memref<1x128xf32, #tpu.memory_space<vmem>>, vector<1x128xf32>
    %add3A_51 = vector.broadcast %get3A_50 : vector<1x128xf32> to vector<3584x128xf32>
    %add3A_52 = arith.addf %add3A_47, %add3A_51 : vector<3584x128xf32>
    %slice3A = vector.extract_strided_slice %add3A_52 {offsets = [0, 0], sizes = [3584, 64], strides = [1, 1]} : vector<3584x128xf32> to vector<3584x64xf32>
    %slice3A_53 = vector.extract_strided_slice %add3A_52 {offsets = [0, 64], sizes = [3584, 64], strides = [1, 1]} : vector<3584x128xf32> to vector<3584x64xf32>
    %convert_element_type3A_54 = arith.truncf %slice3A : vector<3584x64xf32> to vector<3584x64xbf16>
    %convert_element_type3A_55 = arith.extf %convert_element_type3A_54 : vector<3584x64xbf16> to vector<3584x64xf32>
    %convert_element_type3A_56 = arith.truncf %slice3A_53 : vector<3584x64xf32> to vector<3584x64xbf16>
    %convert_element_type3A_57 = arith.extf %convert_element_type3A_56 : vector<3584x64xbf16> to vector<3584x64xf32>
    %bitcast_convert_type3A_58 = tpu.bitcast %convert_element_type3A_55 : vector<3584x64xf32> -> vector<3584x64xi32>
    %shift_right_logical3A = arith.constant 16 : i32
    %shift_right_logical3A_59 = vector.broadcast %shift_right_logical3A : i32 to vector<3584x64xi32>
    %shift_right_logical3A_60 = arith.shrui %bitcast_convert_type3A_58, %shift_right_logical3A_59 : vector<3584x64xi32>
    %bitcast_convert_type3A_61 = tpu.bitcast %convert_element_type3A_57 : vector<3584x64xf32> -> vector<3584x64xi32>
    %and3A_62 = arith.constant -65536 : i32
    %and3A_63 = vector.broadcast %and3A_62 : i32 to vector<3584x64xi32>
    %and3A_64 = arith.andi %bitcast_convert_type3A_61, %and3A_63 : vector<3584x64xi32>
    %or3A = arith.ori %shift_right_logical3A_60, %and3A_64 : vector<3584x64xi32>
    %swap3A = arith.constant 0 : index
    %swap3A_65 = arith.constant 0 : index
    %swap3A_66 = vector.load %arg9[%swap3A, %swap3A_65] : memref<3584x64xi32, #tpu.memory_space<vmem>>, vector<3584x64xi32>
    tpu.vector_store %arg9[%swap3A, %swap3A_65], %or3A {strides = array<i32>} : memref<3584x64xi32, #tpu.memory_space<vmem>>, vector<3584x64xi32>,
    %add3A_67 = arith.constant 0 : i32
    %add3A_68 = arith.addi %arg0, %add3A_67 : i32
    %mul3A_69 = arith.constant 3584 : i32
    %mul3A_70 = arith.muli %add3A_68, %mul3A_69 : i32
    %iota3A = tpu.iota {dimensions = array<i32: 0>} : vector<3584x1xi32>
    %add3A_71 = vector.broadcast %mul3A_70 : i32 to vector<3584x1xi32>
    %add3A_72 = arith.addi %add3A_71, %iota3A : vector<3584x1xi32>
    %lt3A = arith.constant 50000 : i32
    %lt3A_73 = vector.broadcast %lt3A : i32 to vector<3584x1xi32>
    %lt3A_74 = arith.cmpi slt, %add3A_72, %lt3A_73 : vector<3584x1xi32>
    %jit3A = arith.constant 0.000000e+00 : f32
    %broadcast_in_dim3A = vector.shape_cast %lt3A_74 : vector<3584x1xi1> to vector<3584x1xi1>
    %broadcast_in_dim3A_75 = vector.broadcast %broadcast_in_dim3A : vector<3584x1xi1> to vector<3584x128xi1>
    %broadcast_in_dim3A_76 = vector.broadcast %jit3A : f32 to vector<3584x128xf32>
    %select_n3A_77 = arith.select %broadcast_in_dim3A_75, %add3A_52, %broadcast_in_dim3A_76 : vector<3584x128xi1>, vector<3584x128xf32>
    %reduce_sum3A = arith.constant dense<0.000000e+00> : vector<128xf32>
    %reduce_sum3A_78 = vector.multi_reduction <add>, %select_n3A_77, %reduce_sum3A [0] : vector<3584x128xf32> to vector<128xf32>
    %broadcast_in_dim3A_79 = vector.shape_cast %reduce_sum3A_78 : vector<128xf32> to vector<1x128xf32>
    %mul3A_80 = arith.mulf %select_n3A_77, %select_n3A_77 : vector<3584x128xf32>
    %reduce_sum3A_81 = arith.constant dense<0.000000e+00> : vector<128xf32>
    %reduce_sum3A_82 = vector.multi_reduction <add>, %mul3A_80, %reduce_sum3A_81 [0] : vector<3584x128xf32> to vector<128xf32>
    %broadcast_in_dim3A_83 = vector.shape_cast %reduce_sum3A_82 : vector<128xf32> to vector<1x128xf32>
    %eq3A = arith.constant 0 : i32
    %eq3A_84 = arith.cmpi eq, %arg0, %eq3A : i32
    %convert_element_type3A_85 = arith.extui %eq3A_84 : i1 to i32
    %cond3A = arith.constant 0 : i32
    %cond3A_86 = arith.cmpi ne, %convert_element_type3A_85, %cond3A : i32
    scf.if %cond3A_86 {
      %swap3A_92 = arith.constant 0 : index
      %swap3A_93 = arith.constant 0 : index
      %swap3A_94 = vector.load %arg10[%swap3A_92, %swap3A_93] : memref<1x128xf32, #tpu.memory_space<vmem>>, vector<1x128xf32>
      tpu.vector_store %arg10[%swap3A_92, %swap3A_93], %broadcast_in_dim3A_79 {strides = array<i32>} : memref<1x128xf32, #tpu.memory_space<vmem>>, vector<1x128xf32>,
      %swap3A_95 = arith.constant 0 : index
      %swap3A_96 = arith.constant 0 : index
      %swap3A_97 = vector.load %arg11[%swap3A_95, %swap3A_96] : memref<1x128xf32, #tpu.memory_space<vmem>>, vector<1x128xf32>
      tpu.vector_store %arg11[%swap3A_95, %swap3A_96], %broadcast_in_dim3A_83 {strides = array<i32>} : memref<1x128xf32, #tpu.memory_space<vmem>>, vector<1x128xf32>,
    } else {
    }
    %gt3A_87 = arith.constant 0 : i32
    %gt3A_88 = arith.cmpi sgt, %arg0, %gt3A_87 : i32
    %convert_element_type3A_89 = arith.extui %gt3A_88 : i1 to i32
    %cond3A_90 = arith.constant 0 : i32
    %cond3A_91 = arith.cmpi ne, %convert_element_type3A_89, %cond3A_90 : i32
    scf.if %cond3A_91 {
      %get3A_92 = arith.constant 0 : index
      %get3A_93 = arith.constant 0 : index
      %get3A_94 = vector.load %arg10[%get3A_92, %get3A_93] : memref<1x128xf32, #tpu.memory_space<vmem>>, vector<1x128xf32>
      %add3A_95 = arith.addf %get3A_94, %broadcast_in_dim3A_79 : vector<1x128xf32>
      %swap3A_96 = arith.constant 0 : index
      %swap3A_97 = arith.constant 0 : index
      %swap3A_98 = vector.load %arg10[%swap3A_96, %swap3A_97] : memref<1x128xf32, #tpu.memory_space<vmem>>, vector<1x128xf32>
      tpu.vector_store %arg10[%swap3A_96, %swap3A_97], %add3A_95 {strides = array<i32>} : memref<1x128xf32, #tpu.memory_space<vmem>>, vector<1x128xf32>,
      %get3A_99 = arith.constant 0 : index
      %get3A_100 = arith.constant 0 : index
      %get3A_101 = vector.load %arg11[%get3A_99, %get3A_100] : memref<1x128xf32, #tpu.memory_space<vmem>>, vector<1x128xf32>
      %add3A_102 = arith.addf %get3A_101, %broadcast_in_dim3A_83 : vector<1x128xf32>
      %swap3A_103 = arith.constant 0 : index
      %swap3A_104 = arith.constant 0 : index
      %swap3A_105 = vector.load %arg11[%swap3A_103, %swap3A_104] : memref<1x128xf32, #tpu.memory_space<vmem>>, vector<1x128xf32>
      tpu.vector_store %arg11[%swap3A_103, %swap3A_104], %add3A_102 {strides = array<i32>} : memref<1x128xf32, #tpu.memory_space<vmem>>, vector<1x128xf32>,
    } else {
    }
    return
  }
  func.func @transform_0(%arg0: i32) -> (i32, i32) {
    %c0_i32 = arith.constant 0 : i32
    %c0_i32_0 = arith.constant 0 : i32
    return %arg0, %c0_i32 : i32, i32
  }
  func.func @transform_1(%arg0: i32) -> (i32, i32) {
    %c0_i32 = arith.constant 0 : i32
    %c0_i32_0 = arith.constant 0 : i32
    %c0_i32_1 = arith.constant 0 : i32
    return %c0_i32, %c0_i32_0 : i32, i32
  }
  func.func @transform_2(%arg0: i32) -> (i32, i32) {
    %c0_i32 = arith.constant 0 : i32
    %c0_i32_0 = arith.constant 0 : i32
    %c0_i32_1 = arith.constant 0 : i32
    return %c0_i32, %c0_i32_0 : i32, i32
  }
  func.func @transform_3(%arg0: i32) -> (i32, i32) {
    %c0_i32 = arith.constant 0 : i32
    %c0_i32_0 = arith.constant 0 : i32
    %c0_i32_1 = arith.constant 0 : i32
    return %c0_i32, %c0_i32_0 : i32, i32
  }
  func.func @transform_4(%arg0: i32) -> (i32, i32) {
    %c0_i32 = arith.constant 0 : i32
    %c0_i32_0 = arith.constant 0 : i32
    %c0_i32_1 = arith.constant 0 : i32
    return %c0_i32, %c0_i32_0 : i32, i32
  }
  func.func @transform_5(%arg0: i32) -> (i32, i32) {
    %c0_i32 = arith.constant 0 : i32
    %c0_i32_0 = arith.constant 0 : i32
    %c0_i32_1 = arith.constant 0 : i32
    return %c0_i32, %c0_i32_0 : i32, i32
  }
  func.func @transform_6(%arg0: i32) -> (i32, i32) {
    %c0_i32 = arith.constant 0 : i32
    %c0_i32_0 = arith.constant 0 : i32
    %c0_i32_1 = arith.constant 0 : i32
    return %c0_i32, %c0_i32_0 : i32, i32
  }
  func.func @transform_7(%arg0: i32) -> (i32, i32) {
    %c0_i32 = arith.constant 0 : i32
    %c0_i32_0 = arith.constant 0 : i32
    %c0_i32_1 = arith.constant 0 : i32
    return %c0_i32, %c0_i32_0 : i32, i32
  }
  func.func @transform_8(%arg0: i32) -> (i32, i32) {
    %c0_i32 = arith.constant 0 : i32
    %c0_i32_0 = arith.constant 0 : i32
    return %arg0, %c0_i32 : i32, i32
  }
  func.func @transform_9(%arg0: i32) -> (i32, i32) {
    %c0_i32 = arith.constant 0 : i32
    %c0_i32_0 = arith.constant 0 : i32
    %c0_i32_1 = arith.constant 0 : i32
    return %c0_i32, %c0_i32_0 : i32, i32
  }
  func.func @transform_10(%arg0: i32) -> (i32, i32) {
    %c0_i32 = arith.constant 0 : i32
    %c0_i32_0 = arith.constant 0 : i32
    %c0_i32_1 = arith.constant 0 : i32
    return %c0_i32, %c0_i32_0 : i32, i32
  }
}

module attributes {stable_mosaic.version = 14 : i64} {
  func.func @ignore_alias(%arg0: i32, %arg1: memref<3584x448xi32, #tpu.memory_space<vmem>>, %arg2: memref<448x128xbf16, #tpu.memory_space<vmem>>, %arg3: memref<448x128xbf16, #tpu.memory_space<vmem>>, %arg4: memref<1x128xf32, #tpu.memory_space<vmem>>, %arg5: memref<1x448xf32, #tpu.memory_space<vmem>>, %arg6: memref<1x448xf32, #tpu.memory_space<vmem>>, %arg7: memref<1x448xf32, #tpu.memory_space<vmem>>, %arg8: memref<1x448xf32, #tpu.memory_space<vmem>>, %arg9: memref<50176x64xi32, #tpu.memory_space<any>>, %arg10: memref<3584x64xi32, #tpu.memory_space<vmem>>, %arg11: memref<1x128xf32, #tpu.memory_space<vmem>>, %arg12: memref<1x128xf32, #tpu.memory_space<vmem>>) attributes {dimension_semantics = [#tpu.dimension_semantics<arbitrary>], iteration_bounds = array<i64: 7>, scalar_prefetch = 0 : i64, scratch_operands = 0 : i64, tpu.core_type = #tpu.core_type<tc>, window_params = [{transform_indices = @transform_0, window_bounds = array<i64: 3584, 448>}, {pipeline_mode = #tpu.pipeline_mode<synchronous>, transform_indices = @transform_1, window_bounds = array<i64: 448, 128>}, {pipeline_mode = #tpu.pipeline_mode<synchronous>, transform_indices = @transform_2, window_bounds = array<i64: 448, 128>}, {pipeline_mode = #tpu.pipeline_mode<synchronous>, transform_indices = @transform_3, window_bounds = array<i64: 1, 128>}, {pipeline_mode = #tpu.pipeline_mode<synchronous>, transform_indices = @transform_4, window_bounds = array<i64: 1, 448>}, {pipeline_mode = #tpu.pipeline_mode<synchronous>, transform_indices = @transform_5, window_bounds = array<i64: 1, 448>}, {pipeline_mode = #tpu.pipeline_mode<synchronous>, transform_indices = @transform_6, window_bounds = array<i64: 1, 448>}, {pipeline_mode = #tpu.pipeline_mode<synchronous>, transform_indices = @transform_7, window_bounds = array<i64: 1, 448>}, {}, {transform_indices = @transform_9, window_bounds = array<i64: 3584, 64>}, {pipeline_mode = #tpu.pipeline_mode<synchronous>, transform_indices = @transform_10, window_bounds = array<i64: 1, 128>}, {pipeline_mode = #tpu.pipeline_mode<synchronous>, transform_indices = @transform_11, window_bounds = array<i64: 1, 128>}]} {
    %get3A = arith.constant 0 : index
    %get3A_0 = arith.constant 0 : index
    %get3A_1 = vector.load %arg1[%get3A, %get3A_0] : memref<3584x448xi32, #tpu.memory_space<vmem>>, vector<3584x448xi32>
    %shift_left3A = arith.constant 16 : i32
    %shift_left3A_2 = vector.broadcast %shift_left3A : i32 to vector<3584x448xi32>
    %shift_left3A_3 = arith.shli %get3A_1, %shift_left3A_2 : vector<3584x448xi32>
    %bitcast_convert_type3A = tpu.bitcast %shift_left3A_3 : vector<3584x448xi32> -> vector<3584x448xf32>
    %and3A = arith.constant -65536 : i32
    %and3A_4 = vector.broadcast %and3A : i32 to vector<3584x448xi32>
    %and3A_5 = arith.andi %get3A_1, %and3A_4 : vector<3584x448xi32>
    %bitcast_convert_type3A_6 = tpu.bitcast %and3A_5 : vector<3584x448xi32> -> vector<3584x448xf32>
    %get3A_7 = arith.constant 0 : index
    %get3A_8 = arith.constant 0 : index
    %get3A_9 = vector.load %arg5[%get3A_7, %get3A_8] : memref<1x448xf32, #tpu.memory_space<vmem>>, vector<1x448xf32>
    %mul3A = vector.broadcast %get3A_9 : vector<1x448xf32> to vector<3584x448xf32>
    %mul3A_10 = arith.mulf %bitcast_convert_type3A, %mul3A : vector<3584x448xf32>
    %get3A_11 = arith.constant 0 : index
    %get3A_12 = arith.constant 0 : index
    %get3A_13 = vector.load %arg7[%get3A_11, %get3A_12] : memref<1x448xf32, #tpu.memory_space<vmem>>, vector<1x448xf32>
    %add3A = vector.broadcast %get3A_13 : vector<1x448xf32> to vector<3584x448xf32>
    %add3A_14 = arith.addf %mul3A_10, %add3A : vector<3584x448xf32>
    %gt3A = arith.constant 0.000000e+00 : f32
    %gt3A_15 = vector.broadcast %gt3A : f32 to vector<3584x448xf32>
    %gt3A_16 = arith.cmpf ogt, %add3A_14, %gt3A_15 : vector<3584x448xf32>
    %mul3A_17 = arith.constant 2.000000e-01 : f32
    %mul3A_18 = vector.broadcast %mul3A_17 : f32 to vector<3584x448xf32>
    %mul3A_19 = arith.mulf %mul3A_18, %add3A_14 : vector<3584x448xf32>
    %select_n3A = arith.select %gt3A_16, %add3A_14, %mul3A_19 : vector<3584x448xi1>, vector<3584x448xf32>
    %get3A_20 = arith.constant 0 : index
    %get3A_21 = arith.constant 0 : index
    %get3A_22 = vector.load %arg6[%get3A_20, %get3A_21] : memref<1x448xf32, #tpu.memory_space<vmem>>, vector<1x448xf32>
    %mul3A_23 = vector.broadcast %get3A_22 : vector<1x448xf32> to vector<3584x448xf32>
    %mul3A_24 = arith.mulf %bitcast_convert_type3A_6, %mul3A_23 : vector<3584x448xf32>
    %get3A_25 = arith.constant 0 : index
    %get3A_26 = arith.constant 0 : index
    %get3A_27 = vector.load %arg8[%get3A_25, %get3A_26] : memref<1x448xf32, #tpu.memory_space<vmem>>, vector<1x448xf32>
    %add3A_28 = vector.broadcast %get3A_27 : vector<1x448xf32> to vector<3584x448xf32>
    %add3A_29 = arith.addf %mul3A_24, %add3A_28 : vector<3584x448xf32>
    %gt3A_30 = arith.constant 0.000000e+00 : f32
    %gt3A_31 = vector.broadcast %gt3A_30 : f32 to vector<3584x448xf32>
    %gt3A_32 = arith.cmpf ogt, %add3A_29, %gt3A_31 : vector<3584x448xf32>
    %mul3A_33 = arith.constant 2.000000e-01 : f32
    %mul3A_34 = vector.broadcast %mul3A_33 : f32 to vector<3584x448xf32>
    %mul3A_35 = arith.mulf %mul3A_34, %add3A_29 : vector<3584x448xf32>
    %select_n3A_36 = arith.select %gt3A_32, %add3A_29, %mul3A_35 : vector<3584x448xi1>, vector<3584x448xf32>
    %convert_element_type3A = arith.truncf %select_n3A : vector<3584x448xf32> to vector<3584x448xbf16>
    %get3A_37 = arith.constant 0 : index
    %get3A_38 = arith.constant 0 : index
    %get3A_39 = vector.load %arg2[%get3A_37, %get3A_38] : memref<448x128xbf16, #tpu.memory_space<vmem>>, vector<448x128xbf16>
    %dot_general3A = arith.constant dense<0.000000e+00> : vector<3584x128xf32>
    %dot_general3A_40 = tpu.matmul %convert_element_type3A, %get3A_39, %dot_general3A {dimension_numbers = #tpu.dot_dimension_numbers<[1], [0], [0], [1], [0, 0, 1, 1], [], []>, transpose_lhs_hint = false} : vector<3584x448xbf16>, vector<448x128xbf16>, vector<3584x128xf32> -> vector<3584x128xf32>
    %convert_element_type3A_41 = arith.truncf %select_n3A_36 : vector<3584x448xf32> to vector<3584x448xbf16>
    %get3A_42 = arith.constant 0 : index
    %get3A_43 = arith.constant 0 : index
    %get3A_44 = vector.load %arg3[%get3A_42, %get3A_43] : memref<448x128xbf16, #tpu.memory_space<vmem>>, vector<448x128xbf16>
    %dot_general3A_45 = arith.constant dense<0.000000e+00> : vector<3584x128xf32>
    %dot_general3A_46 = tpu.matmul %convert_element_type3A_41, %get3A_44, %dot_general3A_45 {dimension_numbers = #tpu.dot_dimension_numbers<[1], [0], [0], [1], [0, 0, 1, 1], [], []>, transpose_lhs_hint = false} : vector<3584x448xbf16>, vector<448x128xbf16>, vector<3584x128xf32> -> vector<3584x128xf32>
    %add3A_47 = arith.addf %dot_general3A_40, %dot_general3A_46 : vector<3584x128xf32>
    %get3A_48 = arith.constant 0 : index
    %get3A_49 = arith.constant 0 : index
    %get3A_50 = vector.load %arg4[%get3A_48, %get3A_49] : memref<1x128xf32, #tpu.memory_space<vmem>>, vector<1x128xf32>
    %add3A_51 = vector.broadcast %get3A_50 : vector<1x128xf32> to vector<3584x128xf32>
    %add3A_52 = arith.addf %add3A_47, %add3A_51 : vector<3584x128xf32>
    %slice3A = vector.extract_strided_slice %add3A_52 {offsets = [0, 0], sizes = [3584, 64], strides = [1, 1]} : vector<3584x128xf32> to vector<3584x64xf32>
    %slice3A_53 = vector.extract_strided_slice %add3A_52 {offsets = [0, 64], sizes = [3584, 64], strides = [1, 1]} : vector<3584x128xf32> to vector<3584x64xf32>
    %convert_element_type3A_54 = arith.truncf %slice3A : vector<3584x64xf32> to vector<3584x64xbf16>
    %convert_element_type3A_55 = arith.extf %convert_element_type3A_54 : vector<3584x64xbf16> to vector<3584x64xf32>
    %convert_element_type3A_56 = arith.truncf %slice3A_53 : vector<3584x64xf32> to vector<3584x64xbf16>
    %convert_element_type3A_57 = arith.extf %convert_element_type3A_56 : vector<3584x64xbf16> to vector<3584x64xf32>
    %bitcast_convert_type3A_58 = tpu.bitcast %convert_element_type3A_55 : vector<3584x64xf32> -> vector<3584x64xi32>
    %shift_right_logical3A = arith.constant 16 : i32
    %shift_right_logical3A_59 = vector.broadcast %shift_right_logical3A : i32 to vector<3584x64xi32>
    %shift_right_logical3A_60 = arith.shrui %bitcast_convert_type3A_58, %shift_right_logical3A_59 : vector<3584x64xi32>
    %bitcast_convert_type3A_61 = tpu.bitcast %convert_element_type3A_57 : vector<3584x64xf32> -> vector<3584x64xi32>
    %and3A_62 = arith.constant -65536 : i32
    %and3A_63 = vector.broadcast %and3A_62 : i32 to vector<3584x64xi32>
    %and3A_64 = arith.andi %bitcast_convert_type3A_61, %and3A_63 : vector<3584x64xi32>
    %or3A = arith.ori %shift_right_logical3A_60, %and3A_64 : vector<3584x64xi32>
    %swap3A = arith.constant 0 : index
    %swap3A_65 = arith.constant 0 : index
    %swap3A_66 = vector.load %arg10[%swap3A, %swap3A_65] : memref<3584x64xi32, #tpu.memory_space<vmem>>, vector<3584x64xi32>
    tpu.vector_store %arg10[%swap3A, %swap3A_65], %or3A {strides = array<i32>} : memref<3584x64xi32, #tpu.memory_space<vmem>>, vector<3584x64xi32>,
    %add3A_67 = arith.constant 7 : i32
    %add3A_68 = arith.addi %arg0, %add3A_67 : i32
    %mul3A_69 = arith.constant 3584 : i32
    %mul3A_70 = arith.muli %add3A_68, %mul3A_69 : i32
    %iota3A = tpu.iota {dimensions = array<i32: 0>} : vector<3584x1xi32>
    %add3A_71 = vector.broadcast %mul3A_70 : i32 to vector<3584x1xi32>
    %add3A_72 = arith.addi %add3A_71, %iota3A : vector<3584x1xi32>
    %lt3A = arith.constant 50000 : i32
    %lt3A_73 = vector.broadcast %lt3A : i32 to vector<3584x1xi32>
    %lt3A_74 = arith.cmpi slt, %add3A_72, %lt3A_73 : vector<3584x1xi32>
    %jit3A = arith.constant 0.000000e+00 : f32
    %broadcast_in_dim3A = vector.shape_cast %lt3A_74 : vector<3584x1xi1> to vector<3584x1xi1>
    %broadcast_in_dim3A_75 = vector.broadcast %broadcast_in_dim3A : vector<3584x1xi1> to vector<3584x128xi1>
    %broadcast_in_dim3A_76 = vector.broadcast %jit3A : f32 to vector<3584x128xf32>
    %select_n3A_77 = arith.select %broadcast_in_dim3A_75, %add3A_52, %broadcast_in_dim3A_76 : vector<3584x128xi1>, vector<3584x128xf32>
    %reduce_sum3A = arith.constant dense<0.000000e+00> : vector<128xf32>
    %reduce_sum3A_78 = vector.multi_reduction <add>, %select_n3A_77, %reduce_sum3A [0] : vector<3584x128xf32> to vector<128xf32>
    %broadcast_in_dim3A_79 = vector.shape_cast %reduce_sum3A_78 : vector<128xf32> to vector<1x128xf32>
    %mul3A_80 = arith.mulf %select_n3A_77, %select_n3A_77 : vector<3584x128xf32>
    %reduce_sum3A_81 = arith.constant dense<0.000000e+00> : vector<128xf32>
    %reduce_sum3A_82 = vector.multi_reduction <add>, %mul3A_80, %reduce_sum3A_81 [0] : vector<3584x128xf32> to vector<128xf32>
    %broadcast_in_dim3A_83 = vector.shape_cast %reduce_sum3A_82 : vector<128xf32> to vector<1x128xf32>
    %eq3A = arith.constant 0 : i32
    %eq3A_84 = arith.cmpi eq, %arg0, %eq3A : i32
    %convert_element_type3A_85 = arith.extui %eq3A_84 : i1 to i32
    %cond3A = arith.constant 0 : i32
    %cond3A_86 = arith.cmpi ne, %convert_element_type3A_85, %cond3A : i32
    scf.if %cond3A_86 {
      %swap3A_92 = arith.constant 0 : index
      %swap3A_93 = arith.constant 0 : index
      %swap3A_94 = vector.load %arg11[%swap3A_92, %swap3A_93] : memref<1x128xf32, #tpu.memory_space<vmem>>, vector<1x128xf32>
      tpu.vector_store %arg11[%swap3A_92, %swap3A_93], %broadcast_in_dim3A_79 {strides = array<i32>} : memref<1x128xf32, #tpu.memory_space<vmem>>, vector<1x128xf32>,
      %swap3A_95 = arith.constant 0 : index
      %swap3A_96 = arith.constant 0 : index
      %swap3A_97 = vector.load %arg12[%swap3A_95, %swap3A_96] : memref<1x128xf32, #tpu.memory_space<vmem>>, vector<1x128xf32>
      tpu.vector_store %arg12[%swap3A_95, %swap3A_96], %broadcast_in_dim3A_83 {strides = array<i32>} : memref<1x128xf32, #tpu.memory_space<vmem>>, vector<1x128xf32>,
    } else {
    }
    %gt3A_87 = arith.constant 0 : i32
    %gt3A_88 = arith.cmpi sgt, %arg0, %gt3A_87 : i32
    %convert_element_type3A_89 = arith.extui %gt3A_88 : i1 to i32
    %cond3A_90 = arith.constant 0 : i32
    %cond3A_91 = arith.cmpi ne, %convert_element_type3A_89, %cond3A_90 : i32
    scf.if %cond3A_91 {
      %get3A_92 = arith.constant 0 : index
      %get3A_93 = arith.constant 0 : index
      %get3A_94 = vector.load %arg11[%get3A_92, %get3A_93] : memref<1x128xf32, #tpu.memory_space<vmem>>, vector<1x128xf32>
      %add3A_95 = arith.addf %get3A_94, %broadcast_in_dim3A_79 : vector<1x128xf32>
      %swap3A_96 = arith.constant 0 : index
      %swap3A_97 = arith.constant 0 : index
      %swap3A_98 = vector.load %arg11[%swap3A_96, %swap3A_97] : memref<1x128xf32, #tpu.memory_space<vmem>>, vector<1x128xf32>
      tpu.vector_store %arg11[%swap3A_96, %swap3A_97], %add3A_95 {strides = array<i32>} : memref<1x128xf32, #tpu.memory_space<vmem>>, vector<1x128xf32>,
      %get3A_99 = arith.constant 0 : index
      %get3A_100 = arith.constant 0 : index
      %get3A_101 = vector.load %arg12[%get3A_99, %get3A_100] : memref<1x128xf32, #tpu.memory_space<vmem>>, vector<1x128xf32>
      %add3A_102 = arith.addf %get3A_101, %broadcast_in_dim3A_83 : vector<1x128xf32>
      %swap3A_103 = arith.constant 0 : index
      %swap3A_104 = arith.constant 0 : index
      %swap3A_105 = vector.load %arg12[%swap3A_103, %swap3A_104] : memref<1x128xf32, #tpu.memory_space<vmem>>, vector<1x128xf32>
      tpu.vector_store %arg12[%swap3A_103, %swap3A_104], %add3A_102 {strides = array<i32>} : memref<1x128xf32, #tpu.memory_space<vmem>>, vector<1x128xf32>,
    } else {
    }
    return
  }
  func.func @transform_0(%arg0: i32) -> (i32, i32) {
    %c0_i32 = arith.constant 0 : i32
    %c0_i32_0 = arith.constant 0 : i32
    return %arg0, %c0_i32 : i32, i32
  }
  func.func @transform_1(%arg0: i32) -> (i32, i32) {
    %c0_i32 = arith.constant 0 : i32
    %c0_i32_0 = arith.constant 0 : i32
    %c0_i32_1 = arith.constant 0 : i32
    return %c0_i32, %c0_i32_0 : i32, i32
  }
  func.func @transform_2(%arg0: i32) -> (i32, i32) {
    %c0_i32 = arith.constant 0 : i32
    %c0_i32_0 = arith.constant 0 : i32
    %c0_i32_1 = arith.constant 0 : i32
    return %c0_i32, %c0_i32_0 : i32, i32
  }
  func.func @transform_3(%arg0: i32) -> (i32, i32) {
    %c0_i32 = arith.constant 0 : i32
    %c0_i32_0 = arith.constant 0 : i32
    %c0_i32_1 = arith.constant 0 : i32
    return %c0_i32, %c0_i32_0 : i32, i32
  }
  func.func @transform_4(%arg0: i32) -> (i32, i32) {
    %c0_i32 = arith.constant 0 : i32
    %c0_i32_0 = arith.constant 0 : i32
    %c0_i32_1 = arith.constant 0 : i32
    return %c0_i32, %c0_i32_0 : i32, i32
  }
  func.func @transform_5(%arg0: i32) -> (i32, i32) {
    %c0_i32 = arith.constant 0 : i32
    %c0_i32_0 = arith.constant 0 : i32
    %c0_i32_1 = arith.constant 0 : i32
    return %c0_i32, %c0_i32_0 : i32, i32
  }
  func.func @transform_6(%arg0: i32) -> (i32, i32) {
    %c0_i32 = arith.constant 0 : i32
    %c0_i32_0 = arith.constant 0 : i32
    %c0_i32_1 = arith.constant 0 : i32
    return %c0_i32, %c0_i32_0 : i32, i32
  }
  func.func @transform_7(%arg0: i32) -> (i32, i32) {
    %c0_i32 = arith.constant 0 : i32
    %c0_i32_0 = arith.constant 0 : i32
    %c0_i32_1 = arith.constant 0 : i32
    return %c0_i32, %c0_i32_0 : i32, i32
  }
  func.func @transform_9(%arg0: i32) -> (i32, i32) {
    %add3A = arith.constant 7 : i32
    %add3A_0 = arith.addi %arg0, %add3A : i32
    %c0_i32 = arith.constant 0 : i32
    %c0_i32_1 = arith.constant 0 : i32
    return %add3A_0, %c0_i32 : i32, i32
  }
  func.func @transform_10(%arg0: i32) -> (i32, i32) {
    %c0_i32 = arith.constant 0 : i32
    %c0_i32_0 = arith.constant 0 : i32
    %c0_i32_1 = arith.constant 0 : i32
    return %c0_i32, %c0_i32_0 : i32, i32
  }
  func.func @transform_11(%arg0: i32) -> (i32, i32) {
    %c0_i32 = arith.constant 0 : i32
    %c0_i32_0 = arith.constant 0 : i32
    %c0_i32_1 = arith.constant 0 : i32
    return %c0_i32, %c0_i32_0 : i32, i32
  }
}

module attributes {stable_mosaic.version = 14 : i64} {
  func.func @_fin_body(%arg0: i32, %arg1: memref<10000x64xi32, #tpu.memory_space<vmem>>, %arg2: memref<10000x128xf32, #tpu.memory_space<vmem>>, %arg3: memref<1x128xf32, #tpu.memory_space<vmem>>, %arg4: memref<1x128xf32, #tpu.memory_space<vmem>>, %arg5: memref<10000x128xf32, #tpu.memory_space<vmem>>) attributes {dimension_semantics = [#tpu.dimension_semantics<arbitrary>], iteration_bounds = array<i64: 5>, scalar_prefetch = 0 : i64, scratch_operands = 0 : i64, tpu.core_type = #tpu.core_type<tc>, window_params = [{transform_indices = @transform_0, window_bounds = array<i64: 10000, 64>}, {transform_indices = @transform_1, window_bounds = array<i64: 10000, 128>}, {pipeline_mode = #tpu.pipeline_mode<synchronous>, transform_indices = @transform_2, window_bounds = array<i64: 1, 128>}, {pipeline_mode = #tpu.pipeline_mode<synchronous>, transform_indices = @transform_3, window_bounds = array<i64: 1, 128>}, {transform_indices = @transform_4, window_bounds = array<i64: 10000, 128>}]} {
    %get3A = arith.constant 0 : index
    %get3A_0 = arith.constant 0 : index
    %get3A_1 = vector.load %arg1[%get3A, %get3A_0] : memref<10000x64xi32, #tpu.memory_space<vmem>>, vector<10000x64xi32>
    %shift_left3A = arith.constant 16 : i32
    %shift_left3A_2 = vector.broadcast %shift_left3A : i32 to vector<10000x64xi32>
    %shift_left3A_3 = arith.shli %get3A_1, %shift_left3A_2 : vector<10000x64xi32>
    %bitcast_convert_type3A = tpu.bitcast %shift_left3A_3 : vector<10000x64xi32> -> vector<10000x64xf32>
    %and3A = arith.constant -65536 : i32
    %and3A_4 = vector.broadcast %and3A : i32 to vector<10000x64xi32>
    %and3A_5 = arith.andi %get3A_1, %and3A_4 : vector<10000x64xi32>
    %bitcast_convert_type3A_6 = tpu.bitcast %and3A_5 : vector<10000x64xi32> -> vector<10000x64xf32>
    %concatenate3A = tpu.concatenate %bitcast_convert_type3A, %bitcast_convert_type3A_6 in 1 : vector<10000x64xf32>, vector<10000x64xf32> -> vector<10000x128xf32>
    %get3A_7 = arith.constant 0 : index
    %get3A_8 = arith.constant 0 : index
    %get3A_9 = vector.load %arg3[%get3A_7, %get3A_8] : memref<1x128xf32, #tpu.memory_space<vmem>>, vector<1x128xf32>
    %mul3A = vector.broadcast %get3A_9 : vector<1x128xf32> to vector<10000x128xf32>
    %mul3A_10 = arith.mulf %concatenate3A, %mul3A : vector<10000x128xf32>
    %get3A_11 = arith.constant 0 : index
    %get3A_12 = arith.constant 0 : index
    %get3A_13 = vector.load %arg4[%get3A_11, %get3A_12] : memref<1x128xf32, #tpu.memory_space<vmem>>, vector<1x128xf32>
    %add3A = vector.broadcast %get3A_13 : vector<1x128xf32> to vector<10000x128xf32>
    %add3A_14 = arith.addf %mul3A_10, %add3A : vector<10000x128xf32>
    %get3A_15 = arith.constant 0 : index
    %get3A_16 = arith.constant 0 : index
    %get3A_17 = vector.load %arg2[%get3A_15, %get3A_16] : memref<10000x128xf32, #tpu.memory_space<vmem>>, vector<10000x128xf32>
    %add3A_18 = arith.addf %add3A_14, %get3A_17 : vector<10000x128xf32>
    %gt3A = arith.constant 0.000000e+00 : f32
    %gt3A_19 = vector.broadcast %gt3A : f32 to vector<10000x128xf32>
    %gt3A_20 = arith.cmpf ogt, %add3A_18, %gt3A_19 : vector<10000x128xf32>
    %mul3A_21 = arith.constant 2.000000e-01 : f32
    %mul3A_22 = vector.broadcast %mul3A_21 : f32 to vector<10000x128xf32>
    %mul3A_23 = arith.mulf %mul3A_22, %add3A_18 : vector<10000x128xf32>
    %select_n3A = arith.select %gt3A_20, %add3A_18, %mul3A_23 : vector<10000x128xi1>, vector<10000x128xf32>
    %swap3A = arith.constant 0 : index
    %swap3A_24 = arith.constant 0 : index
    %swap3A_25 = vector.load %arg5[%swap3A, %swap3A_24] : memref<10000x128xf32, #tpu.memory_space<vmem>>, vector<10000x128xf32>
    tpu.vector_store %arg5[%swap3A, %swap3A_24], %select_n3A {strides = array<i32>} : memref<10000x128xf32, #tpu.memory_space<vmem>>, vector<10000x128xf32>,
    return
  }
  func.func @transform_0(%arg0: i32) -> (i32, i32) {
    %c0_i32 = arith.constant 0 : i32
    %c0_i32_0 = arith.constant 0 : i32
    return %arg0, %c0_i32 : i32, i32
  }
  func.func @transform_1(%arg0: i32) -> (i32, i32) {
    %c0_i32 = arith.constant 0 : i32
    %c0_i32_0 = arith.constant 0 : i32
    return %arg0, %c0_i32 : i32, i32
  }
  func.func @transform_2(%arg0: i32) -> (i32, i32) {
    %c0_i32 = arith.constant 0 : i32
    %c0_i32_0 = arith.constant 0 : i32
    %c0_i32_1 = arith.constant 0 : i32
    return %c0_i32, %c0_i32_0 : i32, i32
  }
  func.func @transform_3(%arg0: i32) -> (i32, i32) {
    %c0_i32 = arith.constant 0 : i32
    %c0_i32_0 = arith.constant 0 : i32
    %c0_i32_1 = arith.constant 0 : i32
    return %c0_i32, %c0_i32_0 : i32, i32
  }
  func.func @transform_4(%arg0: i32) -> (i32, i32) {
    %c0_i32 = arith.constant 0 : i32
    %c0_i32_0 = arith.constant 0 : i32
    return %arg0, %c0_i32 : i32, i32
  }
}

</mosaic_0001>

<sc_bundles>
// kernel: kernel.12.cloned.1.call-start
scs
__scs_entry_jumppad:
0x0: {  	(pc) =	sbr.rel $0x88, $3  }
0x1: {  	(tag) =	ssettag $0x0;
	lr =	simm.s32 $0x1  }
0x2: {  	[smem:$0x3F97] =	sst lr;
	_ =	strace $0xD0000000  }
0x3: {  	_ = 	snop  }
0x4: {  	_ = 	snop  }
0x5: {  	_ = 	snop  }
0x6: {  	_ = 	snop  }
0x7: {  	_ = 	snop  }
__scs_overlays_trampoline_lowered:
0x8: {  	[smem:$0x3FA6] =	sst s0  }
0x9: {  	[smem:$0x3FA7] =	sst s1  }
0xa: {  	[smem:$0x3FA8] =	sst s2  }
0xb: {  	[smem:$0x3FA9] =	sst s3  }
0xc: {  	[smem:$0x3FAA] =	sst s4  }
0xd: {  	[smem:$0x3FAB] =	sst s5  }
0xe: {  	[smem:$0x3FAC] =	sst s6  }
0xf: {  	[smem:$0x3FAD] =	sst s7  }
0x10: {  	[smem:$0x3FAE] =	sst s8  }
0x11: {  	[smem:$0x3FAF] =	sst s9;
	s0 =	simm.s32 @!p0 $0x0  }
0x12: {  	s1 =	sld [smem:$0x3F95];
	s0 =	simm.s32 @p0 $0x1  }
0x13: {  	[smem:$0x3FB0] =	sst s0;
	s0 =	simm.s32 @!p1 $0x0  }
0x14: {  	s2 =	sld [smem:$0x3F94];
	s0 =	simm.s32 @p1 $0x1  }
0x15: {  	[smem:$0x3FB1] =	sst s0;
	s0 =	simm.s32 @!p2 $0x0  }
0x16: {  	s3 =	sld [smem:$0x3FDB];
	s0 =	simm.s32 @p2 $0x1  }
0x17: {  	s4 =	simm.s32 $0x1BF5;
	[smem:$0x3FB3] =	sst s0  }
0x18: {  	s0 =	sld [smem:$0x3F96];
	_ =	swait.ge [sflag:s4], $0x0  }
0x19: {  	s7 =	sld [smem:$0x3F97]  }
0x1a: {  	s8 =	sadd.s32 $0xFFFFE003, lr  }
0x1b: {  	s9 =	sadd.s32 $0xFFFFFEF7, lr;
	s5 =	simm.s32 $0xFFFFFFFF;
	p2 =	slt.u32 s8, $0xFFFFF086  }
0x1c: {  	p1 =	slt.u32 s9, $0xF7A;
	s5 =	simm.s32 @!p2 $0x0  }
0x1d: {  	s5 =	simm.s32 @p1 $0x1;
	p0 =	seq.s32 s7, s2  }
0x1e: {  	s7 =	smul.u32 @!p0 $0xF7A, s2;
	p2 =	seq.s32 @!p0 s5, $0x0  }
0x1f: {  	s9 =	smul.u32 $0xF7A, s1;
	s8 =	simm.s32 @!p0 $0x1BF5;
	p2 =	por !p2, p0  }
0x20: {  	[sflag:s8] =	ssyncset.s32 @!p0 $0xFFFFF086;
	s6 =	sadd.s32 @!p0 s3, s7;
	s7 =	simm.s32 @!p0 $0x108  }
0x21: {  	s3 =	sadd.s32 s3, s9;
	s6 =	sadd.s32 @!p0 $0x88, s6;
	s7 =	simm.s32 @p2 $0x1082  }
0x22: {  	[simem:s7], [sflag:s8] =	dma.local @!p0 [hbm:s6], $0xF7A  }
0x23: {  	s9 =	sor.u32 $0xD0000000, s2;
	s6 =	simm.s32 $0x108;
	_ =	swait.ge @!p0 [sflag:s8], $0x0  }
0x24: {  	s3 =	sadd.s32 $0x88, s3;
	s6 =	simm.s32 @!p1 $0x1082;
	[sflag:s4] =	ssyncset.s32 $0xFFFFF086  }
0x25: {  	[simem:s6], [sflag:s4] =	dma.local [hbm:s3], $0xF7A  }
0x26: {  	[smem:$0x3F97] =	sst s1;
	(tag) =	ssettag s2;
	_ =	strace s9  }
0x27: {  	s1 =	sld [smem:$0x3FA7]  }
0x28: {  	s2 =	sld [smem:$0x3FA8]  }
0x29: {  	s4 =	sld [smem:$0x3FAA]  }
0x2a: {  	p0 =	seq.s32 s5, $0x0;
	s5 =	sld [smem:$0x3FAB]  }
0x2b: {  	s6 =	sld [smem:$0x3FAC]  }
0x2c: {  	s7 =	sld [smem:$0x3FAD]  }
0x2d: {  	s3 =	simm.s32 $0x108;
	s8 =	sld [smem:$0x3FAE]  }
0x2e: {  	s3 =	simm.s32 @!p0 $0x1082;
	s9 =	sld [smem:$0x3FAF]  }
0x2f: {  	lr =	sadd.s32 s0, s3;
	s0 =	sld [smem:$0x3FA6]  }
0x30: {  	s3 =	sld [smem:$0x3FA9]  }
0x31: {  	[smem:$0x3FB2] =	sst s10  }
0x32: {  	s10 =	sld [smem:$0x3FB0];
	_ =	sdelay $0x3  }
0x33: {  	p0 =	seq.s32 s10, $0x1;
	s10 =	sld [smem:$0x3FB2];
	_ =	sdelay $0x3  }
0x34: {  	[smem:$0x3FB2] =	sst s10  }
0x35: {  	s10 =	sld [smem:$0x3FB1];
	_ =	sdelay $0x3  }
0x36: {  	p1 =	seq.s32 s10, $0x1;
	s10 =	sld [smem:$0x3FB2];
	_ =	sdelay $0x3  }
0x37: {  	[smem:$0x3FB2] =	sst s10  }
0x38: {  	s10 =	sld [smem:$0x3FB3]  }
0x39: {  	_ = 	snop;
	(pc) =	sbr.ind lr, $3  }
0x3a: {  	_ = 	snop  }
0x3b: {  	_ = 	snop  }
0x3c: {  	p2 =	seq.s32 s10, $0x1;
	s10 =	sld [smem:$0x3FB2]  }
0x3d: {  	_ =	shalt  }
0x3e: {  	_ =	shalt  }
0x3f: {  	_ =	shalt  }
0x40: {  	_ =	shalt  }
0x41: {  	_ =	shalt  }
0x42: {  	_ =	shalt  }
0x43: {  	_ =	shalt  }
0x44: {  	_ =	shalt  }
0x45: {  	_ =	shalt  }
0x46: {  	_ =	shalt  }
0x47: {  	_ =	shalt  }
0x48: {  	_ =	shalt  }
0x49: {  	_ =	shalt  }
0x4a: {  	_ =	shalt  }
0x4b: {  	_ =	shalt  }
0x4c: {  	_ =	shalt  }
0x4d: {  	_ =	shalt  }
0x4e: {  	_ =	shalt  }
0x4f: {  	_ =	shalt  }
0x50: {  	_ =	shalt  }
0x51: {  	_ =	shalt  }
0x52: {  	_ =	shalt  }
0x53: {  	_ =	shalt  }
0x54: {  	_ =	shalt  }
0x55: {  	_ =	shalt  }
0x56: {  	_ =	shalt  }
0x57: {  	_ =	shalt  }
0x58: {  	_ =	shalt  }
0x59: {  	_ =	shalt  }
0x5a: {  	_ =	shalt  }
0x5b: {  	_ =	shalt  }
0x5c: {  	_ =	shalt  }
0x5d: {  	_ =	shalt  }
0x5e: {  	_ =	shalt  }
0x5f: {  	_ =	shalt  }
0x60: {  	_ =	shalt  }
0x61: {  	_ =	shalt  }
0x62: {  	_ =	shalt  }
0x63: {  	_ =	shalt  }
0x64: {  	_ =	shalt  }
0x65: {  	_ =	shalt  }
0x66: {  	_ =	shalt  }
0x67: {  	_ =	shalt  }
0x68: {  	_ =	shalt  }
0x69: {  	_ =	shalt  }
0x6a: {  	_ =	shalt  }
0x6b: {  	_ =	shalt  }
0x6c: {  	_ =	shalt  }
0x6d: {  	_ =	shalt  }
0x6e: {  	_ =	shalt  }
0x6f: {  	_ =	shalt  }
0x70: {  	_ =	shalt  }
0x71: {  	_ =	shalt  }
0x72: {  	_ =	shalt  }
0x73: {  	_ =	shalt  }
0x74: {  	_ =	shalt  }
0x75: {  	_ =	shalt  }
0x76: {  	_ =	shalt  }
0x77: {  	_ =	shalt  }
0x78: {  	_ =	shalt  }
0x79: {  	_ =	shalt  }
0x7a: {  	_ =	shalt  }
0x7b: {  	_ =	shalt  }
0x7c: {  	_ =	shalt  }
0x7d: {  	_ =	shalt  }
0x7e: {  	_ =	shalt  }
0x7f: {  	_ =	shalt  }
0x80: {  	_ =	shalt  }
0x81: {  	_ =	shalt  }
0x82: {  	_ =	shalt  }
0x83: {  	_ =	shalt  }
0x84: {  	_ =	shalt  }
0x85: {  	_ =	shalt  }
0x86: {  	_ =	shalt  }
0x87: {  	_ =	shalt  }
.Lfunc_end0:
.L_simem_size_0:
called_computation_lowered:
.L_overlay_start_0:
0x88: {  	s2 =	sld [smem:$0x3FD9]  }
0x89: {  	s3 =	sld [smem:$0x3FFE];
	_ =	sdelay $0x1  }
0x8a: {  	s1 =	srdreg.scid  }
0x8b: {  	s0 =	sand.u32 $0x1, s1  }
0x8c: {  	s16 =	sshll.u32 s0, $0xA;
	s2 =	sadd.s32 s3, s2  }
0x8d: {  	s2 =	sadd.s32 s2, s16  }
0x8e: {  	[smem:$0x3FBE] =	sst s2  }
0x8f: {  	_ = 	snop  }
0x90: {  	(tm) =	ssettm $0x1  }
0x91: {  	s17 =	sld [smem:$0x3FFB];
	_ =	sdelay $0x3  }
0x92: {  	_ =	strace s17  }
0x93: {  	s2 =	sld [smem:$0x3FFC];
	_ =	sdelay $0x3  }
0x94: {  	_ =	strace s2  }
0x95: {  	s2 =	sld [smem:$0x3FFD];
	_ =	sdelay $0x3  }
0x96: {  	_ =	strace s2  }
0x97: {  	_ =	strace $0x8FFFFFFF  }
0x98: {  	s18 =	sld [smem:$0x3FDB];
	_ =	sdelay $0x1  }
0x99: {  	s19 =	simm.s32 $_scs_section_size  }
0x9a: {  	s4 =	simm.s32 $_size__tile_overlayer_lowered;
	s5 =	simm.s32 $_tile_overlayer_lowered  }
0x9b: {  	s22 =	simm.s32 $0x1BFF;
	s21 =	sshll.u32 s5, $0x1;
	s2 =	sadd.s32 s19, s18  }
0x9c: {  	s6 =	simm.s32 $0x0;
	s20 =	sshll.u32 s4, $0x1;
	s4 =	sadd.s32 s21, s2  }
0x9d: {  	[timem:s6], [sflag:s22] =	dma.local [hbm:s4], s20  }
0x9e: {  	_ =	swait.ge [sflag:s22], s20  }
0x9f: {  	s3 =	ssub.s32 $0x0, s20;
	[sflag:s22] =	ssyncset.done $0x0  }
0xa0: {  	[sflag:s22] =	ssyncadd.s32 s3;
	_ =	sdelay $0x1  }
0xa1: {  	s23 =	simm.s32 $0x1B8B  }
0xa2: {  	_ =	swait.ge [sflag:s23], $0x1  }
0xa3: {  	[sflag:s23] =	ssyncset.done $0x0  }
0xa4: {  	s25 =	simm.s32 $0x1B8E;
	s24 =	sld [smem:$0x3FFE];
	[sflag:s23] =	ssyncadd.s32 $0xFFFFFFFF  }
0xa5: {  	s26 =	simm.s32 $execute0_lowered;
	[smem:$0x3FD2] =	sst s25  }
0xa6: {  	s4 =	sshll.u32 s26, $0x1;
	_ =	strace $0x80000046;
	[dreg:$0x1] =	wrdreg $0xFFFFFFFF  }
0xa7: {  	s28 =	simm.s32 $_size_execute0_lowered;
	s2 =	sadd.s32 s2, s4;
	[dreg:$0x0] =	wrdreg $0x0  }
0xa8: {  	s4 =	sshll.u32 s28, $0x1;
	[dreg:$0x2] =	wrdreg s2  }
0xa9: {  	[dreg:$0x3] =	wrdreg s4  }
0xaa: {  	[dreg:$0x4] =	wrdreg $0xC0  }
0xab: {  	_ =	task [dreg:s6], $0x5FFFF  }
0xac: {  	[dreg:$0x1] =	wrdreg $0xFFFFFFFF  }
0xad: {  	[dreg:$0x0] =	wrdreg $0x60  }
0xae: {  	[dreg:$0x2] =	wrdreg s24  }
0xaf: {  	[dreg:$0x3] =	wrdreg $0x9  }
0xb0: {  	_ =	task.clear_ibuf [dreg:s6], $0x4FFFF;
	_ =	strace $0x90000046  }
0xb1: {  	s29 =	simm.s32 $0x9;
	_ =	strace $0x80000048  }
0xb2: {  	_ =	swait.ge [sflag:s29], $0x1  }
0xb3: {  	[sflag:s29] =	ssyncadd.s32 $0xFFFFFFFF  }
0xb4: {  	_ =	strace $0x90000048  }
0xb5: {  	_ =	sfence  }
0xb6: {  	s30 =	sld [smem:$0x0];
	_ =	sdelay $0x2  }
0xb7: {  	s31 =	sshll.u32 s1, $0xD;
	s1 =	sshrl.u32 s1, $0x2  }
0xb8: {  	s3 =	sand.u32 $0x4000, s31;
	s1 =	sadd.s32 s1, s30  }
0xb9: {  	s0 =	sor.u32 s3, s0;
	s1 =	sshll.u32 s1, $0x11  }
0xba: {  	s0 =	sor.u32 s1, s0  }
0xbb: {  	s0 =	sadd.s32 $0x8F2B, s0  }
0xbc: {  	[sflag:s0] =	ssyncadd.remote.s32 $0x1  }
0xbd: {  	_ =	sfence.sel $0xFFFF  }
0xbe: {  	[dreg:$0x0] =	wrdreg $0xFFFFFFFF;
	(pc) =	sbr.abs _section_cstart, $3  }
0xbf: {  	[dreg:$0x1] =	wrdreg $0xFFFFFFFF  }
0xc0: {  	_ =	task.clear_ibuf [dreg:s6], $0x2FFFF;
	_ =	strace $0x9FFFFFFF  }
0xc1: {  	(tm) =	ssettm $0x7FFFFFFF  }
tec
execute0_lowered:
.L_overlay_start_1:
0x0: {  	(tag) =	ssettag $0x1  }
0x1: {  	s1 =	srdreg.scid  }
0x2: {  	s0 =	stileid.u32;
	s4 =	rddreg [dreg:$0x0]  }
0x3: {  	s2 =	simm.s32 $0x0;
	s10 =	simm.s32 $0x3170;
	s11 =	simm.s32 $0xE0  }
0x4: {  	s12 =	simm.s32 $0x4D70;
	s13 =	simm.s32 $0x1;
	s14 =	simm.s32 $0x2  }
0x5: {  	s15 =	simm.s32 $0x0;
	s5 =	sand.u32 $0x1, s1;
	s1 =	rddreg [dreg:$0x1]  }
0x6: {  	s3 =	sshll.u32 s0, $0x1;
	[smem:$0x7FF] =	sst s2;
	s7 =	smul.u32 $0x15700, s0  }
0x7: {  	s3 =	sor.u32 s5, s3;
	s8 =	ssub.s32 $0x2, s5;
	s5 =	smul.u32 $0xAB80, s5  }
0x8: {  	_ =	strace $0x80000047;
	s6 =	smul.u32 $0x1570, s3;
	s9 =	sshrl.u32 s8, $0x1  }
0x9: {  	s3 =	sadd.s32 $0x3C00, s4;
	s7 =	sadd.s32 s7, s4;
	s31 =	ssub.s32 s8, s9  }
0xa: {  	s7 =	sadd.s32 s5, s7;
	s8 =	simm.s32 $0x70;
	s6 =	sshrl.u32 s6, $0x3  }
0xb: {  	s9 =	simm.s32 $0x1570;
	s5 =	smax.u32 s31, $0x1;
	s4 =	sadd.s32 s6, s4  }
0xc: {  	s6 =	sadd.s32 $0x70400, s7;
	s7 =	simm.s32 $0x3;
	s4 =	sadd.s32 $0x65800, s4  }
.LBB2_1:
0xd: {  	[tilespmem:s2], [sflag:$0x3] =	stream.linear.gather [hbm4b:s4+s2], $0x1570, $0x38;
	[tilespmem:$0xBD70] =	vst v63  }
0xe: {  	_ =	swait.ge [sflag:s7], $0x1570  }
0xf: {  	[sflag:s7] =	ssyncset.done $0x0  }
0x10: {  	[sflag:s7] =	ssyncadd.s32 $0xFFFFEA90  }
0x11: {  	[tilespmem:s9], [sflag:$0x1] =	stream.indirect.gather [hbm4b:s3+s8], $0x40, s2, s8, $0xb8;
	[tilespmem:$0xBD70] =	vst v63  }
0x12: {  	_ = 	snop  }
0x13: {  	[tilespmem:s10], [sflag:$0x1] =	stream.indirect.gather [hbm4b:s3+s8], $0x40, s8, s8, $0xb8;
	[tilespmem:$0xBD70] =	vst v63  }
0x14: {  	s16 =	simm.s32 $0x150;
	s17 =	smov.u32 s6;
	s18 =	simm.s32 $0x0  }
0x15: {  	[tilespmem:s12], [sflag:$0x1] =	stream.indirect.gather [hbm4b:s3+s8], $0x40, s11, s8, $0xb8;
	[tilespmem:$0xBD70] =	vst v63  }
.LBB2_2:
0x16: {  	p0 =	slt.u32 s18, $0x3  }
0x17: {  	s19 =	simm.s32 @!p0 $0x2  }
0x18: {  	p1 =	sgt.u32 @!p0 s18, $0x2D;
	_ =	swait.ge @!p0 [sflag:s19], $0x1C00  }
0x19: {  	p1 =	por p0, !p1;
	[sflag:s19] =	ssyncset.done @!p0 $0x0  }
0x1a: {  	[sflag:s19] =	ssyncadd.s32 @!p0 $0xFFFFE400;
	s19 =	sadd.s32 @p1 $0x3, s18  }
0x1b: {  	s20 =	smul.u32 @p1 $0xAB, s19;
	_ =	sdelay $0x1  }
0x1c: {  	s20 =	sshrl.u32 @p1 s20, $0xA  }
0x1d: {  	s20 =	sand.u32 @p1 $0x3F, s20  }
0x1e: {  	s20 =	smul.u32 @p1 $0x6, s20;
	_ =	sdelay $0x1  }
0x1f: {  	s19 =	ssub.s32 @p1 s19, s20  }
0x20: {  	s19 =	sand.u32 @p1 $0xFF, s19  }
0x21: {  	s19 =	smul.u32 @p1 $0x7000, s19;
	_ =	sdelay $0x1  }
0x22: {  	s19 =	sshrl.u32 @p1 s19, $0x2  }
0x23: {  	s31 =	smul.u32 $0xAB, s18;
	s19 =	sadd.s32 @p1 $0x1570, s19  }
0x24: {  	[tilespmem:s19], [sflag:$0x1] =	stream.indirect.gather @p1 [hbm4b:s3+s8], $0x40, s16, s8, $0xb8;
	[tilespmem:$0xBD70] =	vst v63  }
0x25: {  	s19 =	sshrl.u32 s31, $0xA  }
0x26: {  	s19 =	sand.u32 $0x3F, s19  }
0x27: {  	s19 =	smul.u32 $0x6, s19;
	_ =	sdelay $0x1  }
0x28: {  	s19 =	ssub.s32 s18, s19  }
0x29: {  	s18 =	sadd.s32 $0x1, s18;
	s19 =	sand.u32 $0xFF, s19  }
0x2a: {  	p0 =	sne.s32 s18, $0x31;
	s19 =	smul.u32 $0x7000, s19  }
.Ltmp0:
0x2b: {  	_ =	swait.ge [sflag:s13], $0x1C00;
	(pc) =	sbr.rel @p0 .LBB2_2-.Ltmp0, $4  }
0x2c: {  	[sflag:s13] =	ssyncset.done $0x0;
	s19 =	sshrl.u32 s19, $0x2  }
0x2d: {  	[sflag:s13] =	ssyncadd.s32 $0xFFFFE400;
	s19 =	sadd.s32 $0x1570, s19  }
0x2e: {  	[hbm4b:s17+s2] =	stream.linear.scatter [tilespmem:s19], [sflag:$0x2], $0x1C00, $0x38;
	[tilespmem:$0xBD70] =	vst v63  }
0x2f: {  	s16 =	sadd.s32 $0x70, s16;
	s17 =	sadd.s32 $0x380, s17  }
0x30: {  	_ =	swait.ge [sflag:s14], $0x1C00  }
0x31: {  	[sflag:s14] =	ssyncset.done $0x0  }
0x32: {  	s15 =	sadd.s32 $0x1, s15;
	[sflag:s14] =	ssyncadd.s32 $0xFFFFE400  }
0x33: {  	p0 =	sne.s32 s15, s5;
	_ =	swait.ge [sflag:s14], $0x1C00  }
.Ltmp1:
0x34: {  	[sflag:s14] =	ssyncset.done $0x0;
	(pc) =	sbr.rel @p0 .LBB2_1-.Ltmp1, $4  }
0x35: {  	[sflag:s14] =	ssyncadd.s32 $0xFFFFE400  }
0x36: {  	_ =	swait.ge [sflag:s14], $0x1C00  }
0x37: {  	[sflag:s14] =	ssyncset.done $0x0  }
0x38: {  	[sflag:s14] =	ssyncadd.s32 $0xFFFFE400  }
0x39: {  	_ =	sfence.sel $0x180000  }
0x3a: {  	[bflag:$0x0] =	sbarrier.arrive $0xFFFF  }
0x3b: {  	p0 =	sne.s32 s0, $0x0;
	_ =	strace $0x90000047  }
0x3c: {  	s0 =	sadd.s32 @!p0 $0x100000, s1;
	[bflag:$0x2] =	sbarrier.arrive $0xFFFF  }
0x3d: {  	[sflag:s0] =	ssyncadd.tile.s32 @!p0 $0x1;
	_ =	shalt  }
.Lfunc_end2:
_tile_overlayer_lowered:
.L_overlay_start_2:
0x3e: {  	(tag) =	ssettag $0x2  }
0x3f: {  	s0 =	rddreg [dreg:$0x0];
	s2 =	stileid.u32  }
0x40: {  	s1 =	rddreg [dreg:$0x1];
	p0 =	sne.s32 s2, $0x0  }
0x41: {  	s3 =	rddreg [dreg:$0x2];
	[bflag:$0x3] =	sbarrier.arrive $0xFFFF;
	s2 =	simm.s32 @!p0 $0x1C03  }
0x42: {  	[timem:s3], [sflag:s2] =	dma.local @!p0 [hbm:s0], s1  }
0x43: {  	s0 =	simm.s32 @!p0 $0x3  }
0x44: {  	_ =	swait.ge @!p0 [sflag:s0], s1  }
0x45: {  	s1 =	ssub.s32 @!p0 $0x0, s1;
	[sflag:s0] =	ssyncset.done @!p0 $0x0  }
0x46: {  	[sflag:s0] =	ssyncadd.s32 @!p0 s1  }
0x47: {  	[bflag:$0x3] =	sbarrier.arrive $0xFFFF  }
0x48: {  	_ =	shalt  }

// kernel: kernel.15.cloned.1.call-start
scs
__scs_entry_jumppad:
0x0: {  	(pc) =	sbr.rel $0x88, $3  }
0x1: {  	(tag) =	ssettag $0x0;
	lr =	simm.s32 $0x1  }
0x2: {  	[smem:$0x3F97] =	sst lr;
	_ =	strace $0xD0000000  }
0x3: {  	_ = 	snop  }
0x4: {  	_ = 	snop  }
0x5: {  	_ = 	snop  }
0x6: {  	_ = 	snop  }
0x7: {  	_ = 	snop  }
__scs_overlays_trampoline_lowered:
0x8: {  	[smem:$0x3FA6] =	sst s0  }
0x9: {  	[smem:$0x3FA7] =	sst s1  }
0xa: {  	[smem:$0x3FA8] =	sst s2  }
0xb: {  	[smem:$0x3FA9] =	sst s3  }
0xc: {  	[smem:$0x3FAA] =	sst s4  }
0xd: {  	[smem:$0x3FAB] =	sst s5  }
0xe: {  	[smem:$0x3FAC] =	sst s6  }
0xf: {  	[smem:$0x3FAD] =	sst s7  }
0x10: {  	[smem:$0x3FAE] =	sst s8  }
0x11: {  	[smem:$0x3FAF] =	sst s9;
	s0 =	simm.s32 @!p0 $0x0  }
0x12: {  	s1 =	sld [smem:$0x3F95];
	s0 =	simm.s32 @p0 $0x1  }
0x13: {  	[smem:$0x3FB0] =	sst s0;
	s0 =	simm.s32 @!p1 $0x0  }
0x14: {  	s2 =	sld [smem:$0x3F94];
	s0 =	simm.s32 @p1 $0x1  }
0x15: {  	[smem:$0x3FB1] =	sst s0;
	s0 =	simm.s32 @!p2 $0x0  }
0x16: {  	s3 =	sld [smem:$0x3FDB];
	s0 =	simm.s32 @p2 $0x1  }
0x17: {  	s4 =	simm.s32 $0x1BF5;
	[smem:$0x3FB3] =	sst s0  }
0x18: {  	s0 =	sld [smem:$0x3F96];
	_ =	swait.ge [sflag:s4], $0x0  }
0x19: {  	s7 =	sld [smem:$0x3F97]  }
0x1a: {  	s8 =	sadd.s32 $0xFFFFE003, lr  }
0x1b: {  	s9 =	sadd.s32 $0xFFFFFEF7, lr;
	s5 =	simm.s32 $0xFFFFFFFF;
	p2 =	slt.u32 s8, $0xFFFFF086  }
0x1c: {  	p1 =	slt.u32 s9, $0xF7A;
	s5 =	simm.s32 @!p2 $0x0  }
0x1d: {  	s5 =	simm.s32 @p1 $0x1;
	p0 =	seq.s32 s7, s2  }
0x1e: {  	s7 =	smul.u32 @!p0 $0xF7A, s2;
	p2 =	seq.s32 @!p0 s5, $0x0  }
0x1f: {  	s9 =	smul.u32 $0xF7A, s1;
	s8 =	simm.s32 @!p0 $0x1BF5;
	p2 =	por !p2, p0  }
0x20: {  	[sflag:s8] =	ssyncset.s32 @!p0 $0xFFFFF086;
	s6 =	sadd.s32 @!p0 s3, s7;
	s7 =	simm.s32 @!p0 $0x108  }
0x21: {  	s3 =	sadd.s32 s3, s9;
	s6 =	sadd.s32 @!p0 $0x88, s6;
	s7 =	simm.s32 @p2 $0x1082  }
0x22: {  	[simem:s7], [sflag:s8] =	dma.local @!p0 [hbm:s6], $0xF7A  }
0x23: {  	s9 =	sor.u32 $0xD0000000, s2;
	s6 =	simm.s32 $0x108;
	_ =	swait.ge @!p0 [sflag:s8], $0x0  }
0x24: {  	s3 =	sadd.s32 $0x88, s3;
	s6 =	simm.s32 @!p1 $0x1082;
	[sflag:s4] =	ssyncset.s32 $0xFFFFF086  }
0x25: {  	[simem:s6], [sflag:s4] =	dma.local [hbm:s3], $0xF7A  }
0x26: {  	[smem:$0x3F97] =	sst s1;
	(tag) =	ssettag s2;
	_ =	strace s9  }
0x27: {  	s1 =	sld [smem:$0x3FA7]  }
0x28: {  	s2 =	sld [smem:$0x3FA8]  }
0x29: {  	s4 =	sld [smem:$0x3FAA]  }
0x2a: {  	p0 =	seq.s32 s5, $0x0;
	s5 =	sld [smem:$0x3FAB]  }
0x2b: {  	s6 =	sld [smem:$0x3FAC]  }
0x2c: {  	s7 =	sld [smem:$0x3FAD]  }
0x2d: {  	s3 =	simm.s32 $0x108;
	s8 =	sld [smem:$0x3FAE]  }
0x2e: {  	s3 =	simm.s32 @!p0 $0x1082;
	s9 =	sld [smem:$0x3FAF]  }
0x2f: {  	lr =	sadd.s32 s0, s3;
	s0 =	sld [smem:$0x3FA6]  }
0x30: {  	s3 =	sld [smem:$0x3FA9]  }
0x31: {  	[smem:$0x3FB2] =	sst s10  }
0x32: {  	s10 =	sld [smem:$0x3FB0];
	_ =	sdelay $0x3  }
0x33: {  	p0 =	seq.s32 s10, $0x1;
	s10 =	sld [smem:$0x3FB2];
	_ =	sdelay $0x3  }
0x34: {  	[smem:$0x3FB2] =	sst s10  }
0x35: {  	s10 =	sld [smem:$0x3FB1];
	_ =	sdelay $0x3  }
0x36: {  	p1 =	seq.s32 s10, $0x1;
	s10 =	sld [smem:$0x3FB2];
	_ =	sdelay $0x3  }
0x37: {  	[smem:$0x3FB2] =	sst s10  }
0x38: {  	s10 =	sld [smem:$0x3FB3]  }
0x39: {  	_ = 	snop;
	(pc) =	sbr.ind lr, $3  }
0x3a: {  	_ = 	snop  }
0x3b: {  	_ = 	snop  }
0x3c: {  	p2 =	seq.s32 s10, $0x1;
	s10 =	sld [smem:$0x3FB2]  }
0x3d: {  	_ =	shalt  }
0x3e: {  	_ =	shalt  }
0x3f: {  	_ =	shalt  }
0x40: {  	_ =	shalt  }
0x41: {  	_ =	shalt  }
0x42: {  	_ =	shalt  }
0x43: {  	_ =	shalt  }
0x44: {  	_ =	shalt  }
0x45: {  	_ =	shalt  }
0x46: {  	_ =	shalt  }
0x47: {  	_ =	shalt  }
0x48: {  	_ =	shalt  }
0x49: {  	_ =	shalt  }
0x4a: {  	_ =	shalt  }
0x4b: {  	_ =	shalt  }
0x4c: {  	_ =	shalt  }
0x4d: {  	_ =	shalt  }
0x4e: {  	_ =	shalt  }
0x4f: {  	_ =	shalt  }
0x50: {  	_ =	shalt  }
0x51: {  	_ =	shalt  }
0x52: {  	_ =	shalt  }
0x53: {  	_ =	shalt  }
0x54: {  	_ =	shalt  }
0x55: {  	_ =	shalt  }
0x56: {  	_ =	shalt  }
0x57: {  	_ =	shalt  }
0x58: {  	_ =	shalt  }
0x59: {  	_ =	shalt  }
0x5a: {  	_ =	shalt  }
0x5b: {  	_ =	shalt  }
0x5c: {  	_ =	shalt  }
0x5d: {  	_ =	shalt  }
0x5e: {  	_ =	shalt  }
0x5f: {  	_ =	shalt  }
0x60: {  	_ =	shalt  }
0x61: {  	_ =	shalt  }
0x62: {  	_ =	shalt  }
0x63: {  	_ =	shalt  }
0x64: {  	_ =	shalt  }
0x65: {  	_ =	shalt  }
0x66: {  	_ =	shalt  }
0x67: {  	_ =	shalt  }
0x68: {  	_ =	shalt  }
0x69: {  	_ =	shalt  }
0x6a: {  	_ =	shalt  }
0x6b: {  	_ =	shalt  }
0x6c: {  	_ =	shalt  }
0x6d: {  	_ =	shalt  }
0x6e: {  	_ =	shalt  }
0x6f: {  	_ =	shalt  }
0x70: {  	_ =	shalt  }
0x71: {  	_ =	shalt  }
0x72: {  	_ =	shalt  }
0x73: {  	_ =	shalt  }
0x74: {  	_ =	shalt  }
0x75: {  	_ =	shalt  }
0x76: {  	_ =	shalt  }
0x77: {  	_ =	shalt  }
0x78: {  	_ =	shalt  }
0x79: {  	_ =	shalt  }
0x7a: {  	_ =	shalt  }
0x7b: {  	_ =	shalt  }
0x7c: {  	_ =	shalt  }
0x7d: {  	_ =	shalt  }
0x7e: {  	_ =	shalt  }
0x7f: {  	_ =	shalt  }
0x80: {  	_ =	shalt  }
0x81: {  	_ =	shalt  }
0x82: {  	_ =	shalt  }
0x83: {  	_ =	shalt  }
0x84: {  	_ =	shalt  }
0x85: {  	_ =	shalt  }
0x86: {  	_ =	shalt  }
0x87: {  	_ =	shalt  }
.Lfunc_end0:
.L_simem_size_0:
called_computation.1_lowered:
.L_overlay_start_0:
0x88: {  	s2 =	sld [smem:$0x3FD9]  }
0x89: {  	s3 =	sld [smem:$0x3FFE];
	_ =	sdelay $0x1  }
0x8a: {  	s1 =	srdreg.scid  }
0x8b: {  	s0 =	sand.u32 $0x1, s1  }
0x8c: {  	s17 =	sshll.u32 s0, $0xA;
	s2 =	sadd.s32 s3, s2  }
0x8d: {  	s2 =	sadd.s32 s2, s17  }
0x8e: {  	[smem:$0x3FBE] =	sst s2  }
0x8f: {  	_ = 	snop  }
0x90: {  	(tm) =	ssettm $0x1  }
0x91: {  	s18 =	sld [smem:$0x3FFB];
	_ =	sdelay $0x3  }
0x92: {  	_ =	strace s18  }
0x93: {  	s2 =	sld [smem:$0x3FFC];
	_ =	sdelay $0x3  }
0x94: {  	_ =	strace s2  }
0x95: {  	s2 =	sld [smem:$0x3FFD];
	_ =	sdelay $0x3  }
0x96: {  	_ =	strace s2  }
0x97: {  	_ =	strace $0x8FFFFFFF  }
0x98: {  	s19 =	sld [smem:$0x3FDB];
	_ =	sdelay $0x1  }
0x99: {  	s20 =	simm.s32 $_scs_section_size  }
0x9a: {  	s4 =	simm.s32 $_size__tile_overlayer_lowered;
	s5 =	simm.s32 $_tile_overlayer_lowered  }
0x9b: {  	s6 =	simm.s32 $0x1BFF;
	s21 =	sshll.u32 s5, $0x1;
	s3 =	sadd.s32 s20, s19  }
0x9c: {  	s22 =	simm.s32 $0x0;
	s4 =	sshll.u32 s4, $0x1;
	s5 =	sadd.s32 s21, s3  }
0x9d: {  	[timem:s22], [sflag:s6] =	dma.local [hbm:s5], s4  }
0x9e: {  	_ =	swait.ge [sflag:s6], s4  }
0x9f: {  	s4 =	ssub.s32 $0x0, s4;
	[sflag:s6] =	ssyncset.done $0x0  }
0xa0: {  	[sflag:s6] =	ssyncadd.s32 s4;
	_ =	sdelay $0x1  }
0xa1: {  	s23 =	simm.s32 $0x1B8B  }
0xa2: {  	_ =	swait.ge [sflag:s23], $0x1  }
0xa3: {  	[sflag:s23] =	ssyncset.done $0x0  }
0xa4: {  	[sflag:s23] =	ssyncadd.s32 $0xFFFFFFFF  }
0xa5: {  	s4 =	sld [smem:$0x0]  }
0xa6: {  	s5 =	sand.u32 $0xFFFFFFFE, s1  }
0xa7: {  	p0 =	sne.s32 s1, s5  }
0xa8: {  	s5 =	sshll.u32 @p0 s5, $0xE  }
0xa9: {  	s5 =	sadd.s32 @p0 $0x11B8D, s5;
	s6 =	sshll.u32 @p0 s4, $0x11  }
0xaa: {  	s5 =	sor.u32 @p0 s6, s5  }
0xab: {  	[sflag:s5] =	ssyncadd.remote.s32 @p0 $0x1;
	_ =	sdelay $0x1  }
0xac: {  	s5 =	simm.s32 @p0 $0x1B8D  }
0xad: {  	_ =	swait.eq @p0 [sflag:s5], $0x1  }
0xae: {  	[sflag:s5] =	ssyncadd.s32 @p0 $0xFFFFFFFF  }
0xaf: {  	s6 =	sshll.u32 @!p0 s1, $0xE  }
0xb0: {  	s6 =	sor.u32 @!p0 $0x4000, s6;
	s5 =	simm.s32 @!p0 $0x1B8D  }
0xb1: {  	s4 =	sshll.u32 @!p0 s4, $0x11;
	s6 =	sadd.s32 @!p0 $0x11B8D, s6;
	_ =	swait.eq @!p0 [sflag:s5], $0x1  }
0xb2: {  	s4 =	sor.u32 @!p0 s4, s6;
	[sflag:s5] =	ssyncadd.s32 @!p0 $0xFFFFFFFF  }
0xb3: {  	s25 =	simm.s32 $0x1B8E;
	s24 =	sld [smem:$0x3FFE];
	[sflag:s4] =	ssyncadd.remote.s32 @!p0 $0x1  }
0xb4: {  	s26 =	simm.s32 $execute0_lowered;
	[smem:$0x3FD2] =	sst s25  }
0xb5: {  	s5 =	sshll.u32 s26, $0x1;
	_ =	strace $0x80000049;
	[dreg:$0x1] =	wrdreg $0xFFFFFFFF  }
0xb6: {  	s28 =	simm.s32 $_size_execute0_lowered;
	s3 =	sadd.s32 s3, s5;
	[dreg:$0x0] =	wrdreg $0x0  }
0xb7: {  	s5 =	sshll.u32 s28, $0x1;
	[dreg:$0x2] =	wrdreg s3  }
0xb8: {  	[dreg:$0x3] =	wrdreg s5  }
0xb9: {  	[dreg:$0x4] =	wrdreg $0xC0  }
0xba: {  	_ =	task [dreg:s22], $0x5FFFF  }
0xbb: {  	[dreg:$0x1] =	wrdreg $0xFFFFFFFF  }
0xbc: {  	[dreg:$0x0] =	wrdreg $0x60  }
0xbd: {  	[dreg:$0x2] =	wrdreg s24  }
0xbe: {  	[dreg:$0x3] =	wrdreg $0xA  }
0xbf: {  	_ =	task.clear_ibuf [dreg:s22], $0x4FFFF;
	_ =	strace $0x90000049  }
0xc0: {  	s29 =	simm.s32 $0xA;
	_ =	strace $0x8000004B  }
0xc1: {  	_ =	swait.ge [sflag:s29], $0x1  }
0xc2: {  	[sflag:s29] =	ssyncadd.s32 $0xFFFFFFFF  }
0xc3: {  	_ =	strace $0x9000004B  }
0xc4: {  	_ =	sfence  }
0xc5: {  	s30 =	sld [smem:$0x0];
	_ =	sdelay $0x2  }
0xc6: {  	s31 =	sshll.u32 s1, $0xD;
	s1 =	sshrl.u32 s1, $0x2  }
0xc7: {  	s4 =	sand.u32 $0x4000, s31;
	s1 =	sadd.s32 s1, s30  }
0xc8: {  	s0 =	sor.u32 s4, s0;
	s1 =	sshll.u32 s1, $0x11  }
0xc9: {  	s0 =	sor.u32 s1, s0  }
0xca: {  	s0 =	sadd.s32 $0x8F2B, s0  }
0xcb: {  	[sflag:s0] =	ssyncadd.remote.s32 $0x1  }
0xcc: {  	_ =	sfence.sel $0xFFFF  }
0xcd: {  	[dreg:$0x0] =	wrdreg $0xFFFFFFFF;
	(pc) =	sbr.abs _section_cstart, $3  }
0xce: {  	[dreg:$0x1] =	wrdreg $0xFFFFFFFF  }
0xcf: {  	_ =	task.clear_ibuf [dreg:s22], $0x2FFFF;
	_ =	strace $0x9FFFFFFF  }
0xd0: {  	(tm) =	ssettm $0x7FFFFFFF  }
0xd1: {  	_ =	shalt  }
tec
execute0_lowered:
.L_overlay_start_1:
0x0: {  	(tag) =	ssettag $0x1  }
0x1: {  	s4 =	rddreg [dreg:$0x0]  }
0x2: {  	s0 =	rddreg [dreg:$0x1];
	s1 =	stileid.u32  }
0x3: {  	s3 =	srdreg.scid;
	s2 =	simm.s32 $0x0;
	s10 =	simm.s32 $0x3170  }
0x4: {  	s11 =	simm.s32 $0xE0;
	s12 =	simm.s32 $0x4D70;
	s13 =	simm.s32 $0x1  }
0x5: {  	s14 =	simm.s32 $0x2;
	s15 =	simm.s32 $0x0;
	s5 =	sand.u32 $0x1, s3  }
0x6: {  	s31 =	sshll.u32 s1, $0x1;
	[smem:$0x7FF] =	sst s2;
	s6 =	smul.u32 $0x15700, s1  }
0x7: {  	s3 =	sor.u32 s5, s31;
	s8 =	ssub.s32 $0x2, s5;
	s5 =	smul.u32 $0xAB80, s5  }
0x8: {  	_ =	strace $0x8000004A;
	s7 =	smul.u32 $0x1570, s3;
	s9 =	sshrl.u32 s8, $0x1  }
0x9: {  	s3 =	sadd.s32 $0x3C00, s4;
	s6 =	sadd.s32 s6, s4;
	s8 =	ssub.s32 s8, s9  }
0xa: {  	s6 =	sadd.s32 s5, s6;
	s9 =	simm.s32 $0x1570;
	s7 =	sshrl.u32 s7, $0x3  }
0xb: {  	s5 =	smax.u32 s8, $0x1;
	s6 =	sadd.s32 $0x1C7400, s6;
	s4 =	sadd.s32 s4, s7  }
0xc: {  	s8 =	simm.s32 $0x70;
	s7 =	simm.s32 $0x3;
	s4 =	sadd.s32 $0x6ADC0, s4  }
.LBB2_1:
0xd: {  	[tilespmem:s2], [sflag:$0x3] =	stream.linear.gather [hbm4b:s4+s2], $0x1570, $0x38;
	[tilespmem:$0xBD70] =	vst v63  }
0xe: {  	_ =	swait.ge [sflag:s7], $0x1570  }
0xf: {  	[sflag:s7] =	ssyncset.done $0x0  }
0x10: {  	[sflag:s7] =	ssyncadd.s32 $0xFFFFEA90  }
0x11: {  	[tilespmem:s9], [sflag:$0x1] =	stream.indirect.gather [hbm4b:s3+s8], $0x40, s2, s8, $0xb8;
	[tilespmem:$0xBD70] =	vst v63  }
0x12: {  	_ = 	snop  }
0x13: {  	[tilespmem:s10], [sflag:$0x1] =	stream.indirect.gather [hbm4b:s3+s8], $0x40, s8, s8, $0xb8;
	[tilespmem:$0xBD70] =	vst v63  }
0x14: {  	s16 =	simm.s32 $0x150;
	s17 =	smov.u32 s6;
	s18 =	simm.s32 $0x0  }
0x15: {  	[tilespmem:s12], [sflag:$0x1] =	stream.indirect.gather [hbm4b:s3+s8], $0x40, s11, s8, $0xb8;
	[tilespmem:$0xBD70] =	vst v63  }
.LBB2_2:
0x16: {  	p0 =	slt.u32 s18, $0x3  }
0x17: {  	s19 =	simm.s32 @!p0 $0x2  }
0x18: {  	p1 =	sgt.u32 @!p0 s18, $0x2D;
	_ =	swait.ge @!p0 [sflag:s19], $0x1C00  }
0x19: {  	p1 =	por p0, !p1;
	[sflag:s19] =	ssyncset.done @!p0 $0x0  }
0x1a: {  	[sflag:s19] =	ssyncadd.s32 @!p0 $0xFFFFE400;
	s19 =	sadd.s32 @p1 $0x3, s18  }
0x1b: {  	s20 =	smul.u32 @p1 $0xAB, s19;
	_ =	sdelay $0x1  }
0x1c: {  	s20 =	sshrl.u32 @p1 s20, $0xA  }
0x1d: {  	s20 =	sand.u32 @p1 $0x3F, s20  }
0x1e: {  	s20 =	smul.u32 @p1 $0x6, s20;
	_ =	sdelay $0x1  }
0x1f: {  	s19 =	ssub.s32 @p1 s19, s20  }
0x20: {  	s19 =	sand.u32 @p1 $0xFF, s19  }
0x21: {  	s19 =	smul.u32 @p1 $0x7000, s19;
	_ =	sdelay $0x1  }
0x22: {  	s19 =	sshrl.u32 @p1 s19, $0x2  }
0x23: {  	s31 =	smul.u32 $0xAB, s18;
	s19 =	sadd.s32 @p1 $0x1570, s19  }
0x24: {  	[tilespmem:s19], [sflag:$0x1] =	stream.indirect.gather @p1 [hbm4b:s3+s8], $0x40, s16, s8, $0xb8;
	[tilespmem:$0xBD70] =	vst v63  }
0x25: {  	s19 =	sshrl.u32 s31, $0xA  }
0x26: {  	s19 =	sand.u32 $0x3F, s19  }
0x27: {  	s19 =	smul.u32 $0x6, s19;
	_ =	sdelay $0x1  }
0x28: {  	s19 =	ssub.s32 s18, s19  }
0x29: {  	s18 =	sadd.s32 $0x1, s18;
	s19 =	sand.u32 $0xFF, s19  }
0x2a: {  	p0 =	sne.s32 s18, $0x31;
	s19 =	smul.u32 $0x7000, s19  }
.Ltmp0:
0x2b: {  	_ =	swait.ge [sflag:s13], $0x1C00;
	(pc) =	sbr.rel @p0 .LBB2_2-.Ltmp0, $4  }
0x2c: {  	[sflag:s13] =	ssyncset.done $0x0;
	s19 =	sshrl.u32 s19, $0x2  }
0x2d: {  	[sflag:s13] =	ssyncadd.s32 $0xFFFFE400;
	s19 =	sadd.s32 $0x1570, s19  }
0x2e: {  	[hbm4b:s17+s2] =	stream.linear.scatter [tilespmem:s19], [sflag:$0x2], $0x1C00, $0x38;
	[tilespmem:$0xBD70] =	vst v63  }
0x2f: {  	s16 =	sadd.s32 $0x70, s16;
	s17 =	sadd.s32 $0x380, s17  }
0x30: {  	_ =	swait.ge [sflag:s14], $0x1C00  }
0x31: {  	[sflag:s14] =	ssyncset.done $0x0  }
0x32: {  	s15 =	sadd.s32 $0x1, s15;
	[sflag:s14] =	ssyncadd.s32 $0xFFFFE400  }
0x33: {  	p0 =	sne.s32 s15, s5;
	_ =	swait.ge [sflag:s14], $0x1C00  }
.Ltmp1:
0x34: {  	[sflag:s14] =	ssyncset.done $0x0;
	(pc) =	sbr.rel @p0 .LBB2_1-.Ltmp1, $4  }
0x35: {  	[sflag:s14] =	ssyncadd.s32 $0xFFFFE400  }
0x36: {  	_ =	swait.ge [sflag:s14], $0x1C00  }
0x37: {  	[sflag:s14] =	ssyncset.done $0x0  }
0x38: {  	[sflag:s14] =	ssyncadd.s32 $0xFFFFE400  }
0x39: {  	_ =	sfence.sel $0x180000  }
0x3a: {  	[bflag:$0x0] =	sbarrier.arrive $0xFFFF  }
0x3b: {  	p0 =	sne.s32 s1, $0x0;
	_ =	strace $0x9000004A  }
0x3c: {  	s0 =	sadd.s32 @!p0 $0x100000, s0;
	[bflag:$0x2] =	sbarrier.arrive $0xFFFF  }
0x3d: {  	[sflag:s0] =	ssyncadd.tile.s32 @!p0 $0x1;
	_ =	shalt  }
.Lfunc_end2:
_tile_overlayer_lowered:
.L_overlay_start_2:
0x3e: {  	(tag) =	ssettag $0x2  }
0x3f: {  	s0 =	rddreg [dreg:$0x0];
	s2 =	stileid.u32  }
0x40: {  	s1 =	rddreg [dreg:$0x1];
	p0 =	sne.s32 s2, $0x0  }
0x41: {  	s3 =	rddreg [dreg:$0x2];
	[bflag:$0x3] =	sbarrier.arrive $0xFFFF;
	s2 =	simm.s32 @!p0 $0x1C03  }
0x42: {  	[timem:s3], [sflag:s2] =	dma.local @!p0 [hbm:s0], s1  }
0x43: {  	s0 =	simm.s32 @!p0 $0x3  }
0x44: {  	_ =	swait.ge @!p0 [sflag:s0], s1  }
0x45: {  	s1 =	ssub.s32 @!p0 $0x0, s1;
	[sflag:s0] =	ssyncset.done @!p0 $0x0  }
0x46: {  	[sflag:s0] =	ssyncadd.s32 @!p0 s1  }
0x47: {  	[bflag:$0x3] =	sbarrier.arrive $0xFFFF  }
0x48: {  	_ =	shalt  }

// kernel: kernel.18.cloned.1.call-start
scs
__scs_entry_jumppad:
0x0: {  	(pc) =	sbr.rel $0x88, $3  }
0x1: {  	(tag) =	ssettag $0x0;
	lr =	simm.s32 $0x1  }
0x2: {  	[smem:$0x3F97] =	sst lr;
	_ =	strace $0xD0000000  }
0x3: {  	_ = 	snop  }
0x4: {  	_ = 	snop  }
0x5: {  	_ = 	snop  }
0x6: {  	_ = 	snop  }
0x7: {  	_ = 	snop  }
__scs_overlays_trampoline_lowered:
0x8: {  	[smem:$0x3FA6] =	sst s0  }
0x9: {  	[smem:$0x3FA7] =	sst s1  }
0xa: {  	[smem:$0x3FA8] =	sst s2  }
0xb: {  	[smem:$0x3FA9] =	sst s3  }
0xc: {  	[smem:$0x3FAA] =	sst s4  }
0xd: {  	[smem:$0x3FAB] =	sst s5  }
0xe: {  	[smem:$0x3FAC] =	sst s6  }
0xf: {  	[smem:$0x3FAD] =	sst s7  }
0x10: {  	[smem:$0x3FAE] =	sst s8  }
0x11: {  	[smem:$0x3FAF] =	sst s9;
	s0 =	simm.s32 @!p0 $0x0  }
0x12: {  	s1 =	sld [smem:$0x3F95];
	s0 =	simm.s32 @p0 $0x1  }
0x13: {  	[smem:$0x3FB0] =	sst s0;
	s0 =	simm.s32 @!p1 $0x0  }
0x14: {  	s2 =	sld [smem:$0x3F94];
	s0 =	simm.s32 @p1 $0x1  }
0x15: {  	[smem:$0x3FB1] =	sst s0;
	s0 =	simm.s32 @!p2 $0x0  }
0x16: {  	s3 =	sld [smem:$0x3FDB];
	s0 =	simm.s32 @p2 $0x1  }
0x17: {  	s4 =	simm.s32 $0x1BF5;
	[smem:$0x3FB3] =	sst s0  }
0x18: {  	s0 =	sld [smem:$0x3F96];
	_ =	swait.ge [sflag:s4], $0x0  }
0x19: {  	s7 =	sld [smem:$0x3F97]  }
0x1a: {  	s8 =	sadd.s32 $0xFFFFE003, lr  }
0x1b: {  	s9 =	sadd.s32 $0xFFFFFEF7, lr;
	s5 =	simm.s32 $0xFFFFFFFF;
	p2 =	slt.u32 s8, $0xFFFFF086  }
0x1c: {  	p1 =	slt.u32 s9, $0xF7A;
	s5 =	simm.s32 @!p2 $0x0  }
0x1d: {  	s5 =	simm.s32 @p1 $0x1;
	p0 =	seq.s32 s7, s2  }
0x1e: {  	s7 =	smul.u32 @!p0 $0xF7A, s2;
	p2 =	seq.s32 @!p0 s5, $0x0  }
0x1f: {  	s9 =	smul.u32 $0xF7A, s1;
	s8 =	simm.s32 @!p0 $0x1BF5;
	p2 =	por !p2, p0  }
0x20: {  	[sflag:s8] =	ssyncset.s32 @!p0 $0xFFFFF086;
	s6 =	sadd.s32 @!p0 s3, s7;
	s7 =	simm.s32 @!p0 $0x108  }
0x21: {  	s3 =	sadd.s32 s3, s9;
	s6 =	sadd.s32 @!p0 $0x88, s6;
	s7 =	simm.s32 @p2 $0x1082  }
0x22: {  	[simem:s7], [sflag:s8] =	dma.local @!p0 [hbm:s6], $0xF7A  }
0x23: {  	s9 =	sor.u32 $0xD0000000, s2;
	s6 =	simm.s32 $0x108;
	_ =	swait.ge @!p0 [sflag:s8], $0x0  }
0x24: {  	s3 =	sadd.s32 $0x88, s3;
	s6 =	simm.s32 @!p1 $0x1082;
	[sflag:s4] =	ssyncset.s32 $0xFFFFF086  }
0x25: {  	[simem:s6], [sflag:s4] =	dma.local [hbm:s3], $0xF7A  }
0x26: {  	[smem:$0x3F97] =	sst s1;
	(tag) =	ssettag s2;
	_ =	strace s9  }
0x27: {  	s1 =	sld [smem:$0x3FA7]  }
0x28: {  	s2 =	sld [smem:$0x3FA8]  }
0x29: {  	s4 =	sld [smem:$0x3FAA]  }
0x2a: {  	p0 =	seq.s32 s5, $0x0;
	s5 =	sld [smem:$0x3FAB]  }
0x2b: {  	s6 =	sld [smem:$0x3FAC]  }
0x2c: {  	s7 =	sld [smem:$0x3FAD]  }
0x2d: {  	s3 =	simm.s32 $0x108;
	s8 =	sld [smem:$0x3FAE]  }
0x2e: {  	s3 =	simm.s32 @!p0 $0x1082;
	s9 =	sld [smem:$0x3FAF]  }
0x2f: {  	lr =	sadd.s32 s0, s3;
	s0 =	sld [smem:$0x3FA6]  }
0x30: {  	s3 =	sld [smem:$0x3FA9]  }
0x31: {  	[smem:$0x3FB2] =	sst s10  }
0x32: {  	s10 =	sld [smem:$0x3FB0];
	_ =	sdelay $0x3  }
0x33: {  	p0 =	seq.s32 s10, $0x1;
	s10 =	sld [smem:$0x3FB2];
	_ =	sdelay $0x3  }
0x34: {  	[smem:$0x3FB2] =	sst s10  }
0x35: {  	s10 =	sld [smem:$0x3FB1];
	_ =	sdelay $0x3  }
0x36: {  	p1 =	seq.s32 s10, $0x1;
	s10 =	sld [smem:$0x3FB2];
	_ =	sdelay $0x3  }
0x37: {  	[smem:$0x3FB2] =	sst s10  }
0x38: {  	s10 =	sld [smem:$0x3FB3]  }
0x39: {  	_ = 	snop;
	(pc) =	sbr.ind lr, $3  }
0x3a: {  	_ = 	snop  }
0x3b: {  	_ = 	snop  }
0x3c: {  	p2 =	seq.s32 s10, $0x1;
	s10 =	sld [smem:$0x3FB2]  }
0x3d: {  	_ =	shalt  }
0x3e: {  	_ =	shalt  }
0x3f: {  	_ =	shalt  }
0x40: {  	_ =	shalt  }
0x41: {  	_ =	shalt  }
0x42: {  	_ =	shalt  }
0x43: {  	_ =	shalt  }
0x44: {  	_ =	shalt  }
0x45: {  	_ =	shalt  }
0x46: {  	_ =	shalt  }
0x47: {  	_ =	shalt  }
0x48: {  	_ =	shalt  }
0x49: {  	_ =	shalt  }
0x4a: {  	_ =	shalt  }
0x4b: {  	_ =	shalt  }
0x4c: {  	_ =	shalt  }
0x4d: {  	_ =	shalt  }
0x4e: {  	_ =	shalt  }
0x4f: {  	_ =	shalt  }
0x50: {  	_ =	shalt  }
0x51: {  	_ =	shalt  }
0x52: {  	_ =	shalt  }
0x53: {  	_ =	shalt  }
0x54: {  	_ =	shalt  }
0x55: {  	_ =	shalt  }
0x56: {  	_ =	shalt  }
0x57: {  	_ =	shalt  }
0x58: {  	_ =	shalt  }
0x59: {  	_ =	shalt  }
0x5a: {  	_ =	shalt  }
0x5b: {  	_ =	shalt  }
0x5c: {  	_ =	shalt  }
0x5d: {  	_ =	shalt  }
0x5e: {  	_ =	shalt  }
0x5f: {  	_ =	shalt  }
0x60: {  	_ =	shalt  }
0x61: {  	_ =	shalt  }
0x62: {  	_ =	shalt  }
0x63: {  	_ =	shalt  }
0x64: {  	_ =	shalt  }
0x65: {  	_ =	shalt  }
0x66: {  	_ =	shalt  }
0x67: {  	_ =	shalt  }
0x68: {  	_ =	shalt  }
0x69: {  	_ =	shalt  }
0x6a: {  	_ =	shalt  }
0x6b: {  	_ =	shalt  }
0x6c: {  	_ =	shalt  }
0x6d: {  	_ =	shalt  }
0x6e: {  	_ =	shalt  }
0x6f: {  	_ =	shalt  }
0x70: {  	_ =	shalt  }
0x71: {  	_ =	shalt  }
0x72: {  	_ =	shalt  }
0x73: {  	_ =	shalt  }
0x74: {  	_ =	shalt  }
0x75: {  	_ =	shalt  }
0x76: {  	_ =	shalt  }
0x77: {  	_ =	shalt  }
0x78: {  	_ =	shalt  }
0x79: {  	_ =	shalt  }
0x7a: {  	_ =	shalt  }
0x7b: {  	_ =	shalt  }
0x7c: {  	_ =	shalt  }
0x7d: {  	_ =	shalt  }
0x7e: {  	_ =	shalt  }
0x7f: {  	_ =	shalt  }
0x80: {  	_ =	shalt  }
0x81: {  	_ =	shalt  }
0x82: {  	_ =	shalt  }
0x83: {  	_ =	shalt  }
0x84: {  	_ =	shalt  }
0x85: {  	_ =	shalt  }
0x86: {  	_ =	shalt  }
0x87: {  	_ =	shalt  }
.Lfunc_end0:
.L_simem_size_0:
called_computation.2_lowered:
.L_overlay_start_0:
0x88: {  	s2 =	sld [smem:$0x3FD9]  }
0x89: {  	s3 =	sld [smem:$0x3FFE];
	_ =	sdelay $0x1  }
0x8a: {  	s1 =	srdreg.scid  }
0x8b: {  	s0 =	sand.u32 $0x1, s1  }
0x8c: {  	s17 =	sshll.u32 s0, $0xA;
	s2 =	sadd.s32 s3, s2  }
0x8d: {  	s2 =	sadd.s32 s2, s17  }
0x8e: {  	[smem:$0x3FBE] =	sst s2  }
0x8f: {  	_ = 	snop  }
0x90: {  	s2 =	sld [smem:$0x3FD0];
	(tm) =	ssettm $0x1  }
0x91: {  	s18 =	sld [smem:$0x3FFB];
	_ =	sdelay $0x3  }
0x92: {  	_ =	strace s18  }
0x93: {  	s3 =	sld [smem:$0x3FFC];
	_ =	sdelay $0x3  }
0x94: {  	_ =	strace s3  }
0x95: {  	s3 =	sld [smem:$0x3FFD];
	_ =	sdelay $0x3  }
0x96: {  	_ =	strace s3  }
0x97: {  	_ =	strace $0x8FFFFFFF  }
0x98: {  	s19 =	sld [smem:$0x3FDB];
	_ =	sdelay $0x1  }
0x99: {  	s4 =	simm.s32 $_scs_section_size  }
0x9a: {  	s5 =	simm.s32 $_size__tile_overlayer_lowered;
	s6 =	simm.s32 $_tile_overlayer_lowered  }
0x9b: {  	s22 =	simm.s32 $0x1BFF;
	s21 =	sshll.u32 s6, $0x1;
	s3 =	sadd.s32 s4, s19  }
0x9c: {  	s7 =	simm.s32 $0x0;
	s20 =	sshll.u32 s5, $0x1;
	s5 =	sadd.s32 s21, s3  }
0x9d: {  	[timem:s7], [sflag:s22] =	dma.local [hbm:s5], s20  }
0x9e: {  	_ =	swait.ge [sflag:s22], s20  }
0x9f: {  	s4 =	ssub.s32 $0x0, s20;
	[sflag:s22] =	ssyncset.done $0x0  }
0xa0: {  	[sflag:s22] =	ssyncadd.s32 s4;
	_ =	sdelay $0x1  }
0xa1: {  	s23 =	simm.s32 $0x1B8B  }
0xa2: {  	_ =	swait.ge [sflag:s23], $0x1  }
0xa3: {  	[sflag:s23] =	ssyncset.done $0x0  }
0xa4: {  	s25 =	simm.s32 $0x1B8E;
	s24 =	sld [smem:$0x3FFE];
	[sflag:s23] =	ssyncadd.s32 $0xFFFFFFFF  }
0xa5: {  	s26 =	simm.s32 $execute0_lowered;
	[smem:$0x3FD2] =	sst s25  }
0xa6: {  	s5 =	sshll.u32 s26, $0x1;
	_ =	strace $0x8000004C;
	[dreg:$0x1] =	wrdreg $0xFFFFFFFF  }
0xa7: {  	s28 =	simm.s32 $_size_execute0_lowered;
	s3 =	sadd.s32 s3, s5;
	[dreg:$0x0] =	wrdreg $0x0  }
0xa8: {  	s5 =	sshll.u32 s28, $0x1;
	[dreg:$0x2] =	wrdreg s3  }
0xa9: {  	[dreg:$0x3] =	wrdreg s5  }
0xaa: {  	[dreg:$0x4] =	wrdreg $0xC0  }
0xab: {  	_ =	task [dreg:s7], $0x5FFFF  }
0xac: {  	[dreg:$0x1] =	wrdreg $0xFFFFFFFF  }
0xad: {  	[dreg:$0x0] =	wrdreg $0x60  }
0xae: {  	[dreg:$0x2] =	wrdreg s2  }
0xaf: {  	[dreg:$0x3] =	wrdreg s24  }
0xb0: {  	[dreg:$0x4] =	wrdreg $0x9  }
0xb1: {  	_ =	task.clear_ibuf [dreg:s7], $0x5FFFF;
	_ =	strace $0x9000004C  }
0xb2: {  	s29 =	simm.s32 $0x9;
	_ =	strace $0x8000004E  }
0xb3: {  	_ =	swait.ge [sflag:s29], $0x1  }
0xb4: {  	[sflag:s29] =	ssyncadd.s32 $0xFFFFFFFF  }
0xb5: {  	_ =	strace $0x9000004E  }
0xb6: {  	_ =	sfence  }
0xb7: {  	s30 =	sld [smem:$0x0];
	_ =	sdelay $0x2  }
0xb8: {  	s31 =	sshll.u32 s1, $0xD;
	s1 =	sshrl.u32 s1, $0x2  }
0xb9: {  	s3 =	sand.u32 $0x4000, s31;
	s1 =	sadd.s32 s1, s30  }
0xba: {  	s0 =	sor.u32 s3, s0;
	s1 =	sshll.u32 s1, $0x11  }
0xbb: {  	s0 =	sor.u32 s1, s0  }
0xbc: {  	s0 =	sadd.s32 $0x8F2B, s0  }
0xbd: {  	[sflag:s0] =	ssyncadd.remote.s32 $0x1  }
0xbe: {  	_ =	sfence.sel $0xFFFF  }
0xbf: {  	[dreg:$0x0] =	wrdreg $0xFFFFFFFF;
	(pc) =	sbr.abs _section_cstart, $3  }
0xc0: {  	[dreg:$0x1] =	wrdreg $0xFFFFFFFF  }
0xc1: {  	_ =	task.clear_ibuf [dreg:s7], $0x2FFFF;
	_ =	strace $0x9FFFFFFF  }
0xc2: {  	(tm) =	ssettm $0x7FFFFFFF  }
0xc3: {  	_ =	shalt  }
tec
execute0_lowered:
.L_overlay_start_1:
0x0: {  	(tag) =	ssettag $0x1  }
0x1: {  	s1 =	srdreg.scid  }
0x2: {  	s0 =	stileid.u32;
	s2 =	rddreg [dreg:$0x0]  }
0x3: {  	s5 =	rddreg [dreg:$0x1];
	s3 =	simm.s32 $0x0;
	s10 =	simm.s32 $0x3170  }
0x4: {  	s11 =	simm.s32 $0xE0;
	s12 =	simm.s32 $0x4D70;
	s13 =	simm.s32 $0x1  }
0x5: {  	s14 =	simm.s32 $0x2;
	s15 =	simm.s32 $0x0;
	s4 =	sand.u32 $0x1, s1  }
0x6: {  	s30 =	sshll.u32 s0, $0x1;
	s1 =	rddreg [dreg:$0x2];
	s7 =	smul.u32 $0x15700, s0  }
0x7: {  	s6 =	sor.u32 s4, s30;
	s8 =	ssub.s32 $0x2, s4;
	s4 =	smul.u32 $0xAB80, s4  }
0x8: {  	[smem:$0x7FF] =	sst s3;
	s6 =	smul.u32 $0x1570, s6;
	s9 =	sshrl.u32 s8, $0x1  }
0x9: {  	_ =	strace $0x8000004D;
	s7 =	sadd.s32 s7, s5;
	s31 =	ssub.s32 s8, s9  }
0xa: {  	s7 =	sadd.s32 s4, s7;
	s8 =	simm.s32 $0x70;
	s6 =	sshrl.u32 s6, $0x3  }
0xb: {  	s9 =	simm.s32 $0x1570;
	s5 =	sadd.s32 s6, s5;
	s6 =	sadd.s32 $0x70400, s7  }
0xc: {  	s7 =	simm.s32 $0x3;
	s4 =	sadd.s32 $0x65800, s5;
	s5 =	smax.u32 s31, $0x1  }
.LBB2_1:
0xd: {  	[tilespmem:s3], [sflag:$0x3] =	stream.linear.gather [hbm4b:s4+s3], $0x1570, $0x38;
	[tilespmem:$0xBD70] =	vst v63  }
0xe: {  	_ =	swait.ge [sflag:s7], $0x1570  }
0xf: {  	[sflag:s7] =	ssyncset.done $0x0  }
0x10: {  	[sflag:s7] =	ssyncadd.s32 $0xFFFFEA90  }
0x11: {  	[tilespmem:s9], [sflag:$0x1] =	stream.indirect.gather [hbm4b:s2+s8], $0x40, s3, s8, $0xb8;
	[tilespmem:$0xBD70] =	vst v63  }
0x12: {  	_ = 	snop  }
0x13: {  	[tilespmem:s10], [sflag:$0x1] =	stream.indirect.gather [hbm4b:s2+s8], $0x40, s8, s8, $0xb8;
	[tilespmem:$0xBD70] =	vst v63  }
0x14: {  	s16 =	simm.s32 $0x150;
	s17 =	smov.u32 s6;
	s18 =	simm.s32 $0x0  }
0x15: {  	[tilespmem:s12], [sflag:$0x1] =	stream.indirect.gather [hbm4b:s2+s8], $0x40, s11, s8, $0xb8;
	[tilespmem:$0xBD70] =	vst v63  }
.LBB2_2:
0x16: {  	p0 =	slt.u32 s18, $0x3  }
0x17: {  	s19 =	simm.s32 @!p0 $0x2  }
0x18: {  	p1 =	sgt.u32 @!p0 s18, $0x2D;
	_ =	swait.ge @!p0 [sflag:s19], $0x1C00  }
0x19: {  	p1 =	por p0, !p1;
	[sflag:s19] =	ssyncset.done @!p0 $0x0  }
0x1a: {  	[sflag:s19] =	ssyncadd.s32 @!p0 $0xFFFFE400;
	s19 =	sadd.s32 @p1 $0x3, s18  }
0x1b: {  	s20 =	smul.u32 @p1 $0xAB, s19;
	_ =	sdelay $0x1  }
0x1c: {  	s20 =	sshrl.u32 @p1 s20, $0xA  }
0x1d: {  	s20 =	sand.u32 @p1 $0x3F, s20  }
0x1e: {  	s20 =	smul.u32 @p1 $0x6, s20;
	_ =	sdelay $0x1  }
0x1f: {  	s19 =	ssub.s32 @p1 s19, s20  }
0x20: {  	s19 =	sand.u32 @p1 $0xFF, s19  }
0x21: {  	s19 =	smul.u32 @p1 $0x7000, s19;
	_ =	sdelay $0x1  }
0x22: {  	s19 =	sshrl.u32 @p1 s19, $0x2  }
0x23: {  	s31 =	smul.u32 $0xAB, s18;
	s19 =	sadd.s32 @p1 $0x1570, s19  }
0x24: {  	[tilespmem:s19], [sflag:$0x1] =	stream.indirect.gather @p1 [hbm4b:s2+s8], $0x40, s16, s8, $0xb8;
	[tilespmem:$0xBD70] =	vst v63  }
0x25: {  	s19 =	sshrl.u32 s31, $0xA  }
0x26: {  	s19 =	sand.u32 $0x3F, s19  }
0x27: {  	s19 =	smul.u32 $0x6, s19;
	_ =	sdelay $0x1  }
0x28: {  	s19 =	ssub.s32 s18, s19  }
0x29: {  	s18 =	sadd.s32 $0x1, s18;
	s19 =	sand.u32 $0xFF, s19  }
0x2a: {  	p0 =	sne.s32 s18, $0x31;
	s19 =	smul.u32 $0x7000, s19  }
.Ltmp0:
0x2b: {  	_ =	swait.ge [sflag:s13], $0x1C00;
	(pc) =	sbr.rel @p0 .LBB2_2-.Ltmp0, $4  }
0x2c: {  	[sflag:s13] =	ssyncset.done $0x0;
	s19 =	sshrl.u32 s19, $0x2  }
0x2d: {  	[sflag:s13] =	ssyncadd.s32 $0xFFFFE400;
	s19 =	sadd.s32 $0x1570, s19  }
0x2e: {  	[hbm4b:s17+s3] =	stream.linear.scatter [tilespmem:s19], [sflag:$0x2], $0x1C00, $0x38;
	[tilespmem:$0xBD70] =	vst v63  }
0x2f: {  	s16 =	sadd.s32 $0x70, s16;
	s17 =	sadd.s32 $0x380, s17  }
0x30: {  	_ =	swait.ge [sflag:s14], $0x1C00  }
0x31: {  	[sflag:s14] =	ssyncset.done $0x0  }
0x32: {  	s15 =	sadd.s32 $0x1, s15;
	[sflag:s14] =	ssyncadd.s32 $0xFFFFE400  }
0x33: {  	p0 =	sne.s32 s15, s5;
	_ =	swait.ge [sflag:s14], $0x1C00  }
.Ltmp1:
0x34: {  	[sflag:s14] =	ssyncset.done $0x0;
	(pc) =	sbr.rel @p0 .LBB2_1-.Ltmp1, $4  }
0x35: {  	[sflag:s14] =	ssyncadd.s32 $0xFFFFE400  }
0x36: {  	_ =	swait.ge [sflag:s14], $0x1C00  }
0x37: {  	[sflag:s14] =	ssyncset.done $0x0  }
0x38: {  	[sflag:s14] =	ssyncadd.s32 $0xFFFFE400  }
0x39: {  	_ =	sfence.sel $0x180000  }
0x3a: {  	[bflag:$0x0] =	sbarrier.arrive $0xFFFF  }
0x3b: {  	p0 =	sne.s32 s0, $0x0;
	_ =	strace $0x9000004D  }
0x3c: {  	s0 =	sadd.s32 @!p0 $0x100000, s1;
	[bflag:$0x2] =	sbarrier.arrive $0xFFFF  }
0x3d: {  	[sflag:s0] =	ssyncadd.tile.s32 @!p0 $0x1;
	_ =	shalt  }
.Lfunc_end2:
_tile_overlayer_lowered:
.L_overlay_start_2:
0x3e: {  	(tag) =	ssettag $0x2  }
0x3f: {  	s0 =	rddreg [dreg:$0x0];
	s2 =	stileid.u32  }
0x40: {  	s1 =	rddreg [dreg:$0x1];
	p0 =	sne.s32 s2, $0x0  }
0x41: {  	s3 =	rddreg [dreg:$0x2];
	[bflag:$0x3] =	sbarrier.arrive $0xFFFF;
	s2 =	simm.s32 @!p0 $0x1C03  }
0x42: {  	[timem:s3], [sflag:s2] =	dma.local @!p0 [hbm:s0], s1  }
0x43: {  	s0 =	simm.s32 @!p0 $0x3  }
0x44: {  	_ =	swait.ge @!p0 [sflag:s0], s1  }
0x45: {  	s1 =	ssub.s32 @!p0 $0x0, s1;
	[sflag:s0] =	ssyncset.done @!p0 $0x0  }
0x46: {  	[sflag:s0] =	ssyncadd.s32 @!p0 s1  }
0x47: {  	[bflag:$0x3] =	sbarrier.arrive $0xFFFF  }
0x48: {  	_ =	shalt  }

// kernel: kernel.21.cloned.1.call-start
scs
__scs_entry_jumppad:
0x0: {  	(pc) =	sbr.rel $0x88, $3  }
0x1: {  	(tag) =	ssettag $0x0;
	lr =	simm.s32 $0x1  }
0x2: {  	[smem:$0x3F97] =	sst lr;
	_ =	strace $0xD0000000  }
0x3: {  	_ = 	snop  }
0x4: {  	_ = 	snop  }
0x5: {  	_ = 	snop  }
0x6: {  	_ = 	snop  }
0x7: {  	_ = 	snop  }
__scs_overlays_trampoline_lowered:
0x8: {  	[smem:$0x3FA6] =	sst s0  }
0x9: {  	[smem:$0x3FA7] =	sst s1  }
0xa: {  	[smem:$0x3FA8] =	sst s2  }
0xb: {  	[smem:$0x3FA9] =	sst s3  }
0xc: {  	[smem:$0x3FAA] =	sst s4  }
0xd: {  	[smem:$0x3FAB] =	sst s5  }
0xe: {  	[smem:$0x3FAC] =	sst s6  }
0xf: {  	[smem:$0x3FAD] =	sst s7  }
0x10: {  	[smem:$0x3FAE] =	sst s8  }
0x11: {  	[smem:$0x3FAF] =	sst s9;
	s0 =	simm.s32 @!p0 $0x0  }
0x12: {  	s1 =	sld [smem:$0x3F95];
	s0 =	simm.s32 @p0 $0x1  }
0x13: {  	[smem:$0x3FB0] =	sst s0;
	s0 =	simm.s32 @!p1 $0x0  }
0x14: {  	s2 =	sld [smem:$0x3F94];
	s0 =	simm.s32 @p1 $0x1  }
0x15: {  	[smem:$0x3FB1] =	sst s0;
	s0 =	simm.s32 @!p2 $0x0  }
0x16: {  	s3 =	sld [smem:$0x3FDB];
	s0 =	simm.s32 @p2 $0x1  }
0x17: {  	s4 =	simm.s32 $0x1BF5;
	[smem:$0x3FB3] =	sst s0  }
0x18: {  	s0 =	sld [smem:$0x3F96];
	_ =	swait.ge [sflag:s4], $0x0  }
0x19: {  	s7 =	sld [smem:$0x3F97]  }
0x1a: {  	s8 =	sadd.s32 $0xFFFFE003, lr  }
0x1b: {  	s9 =	sadd.s32 $0xFFFFFEF7, lr;
	s5 =	simm.s32 $0xFFFFFFFF;
	p2 =	slt.u32 s8, $0xFFFFF086  }
0x1c: {  	p1 =	slt.u32 s9, $0xF7A;
	s5 =	simm.s32 @!p2 $0x0  }
0x1d: {  	s5 =	simm.s32 @p1 $0x1;
	p0 =	seq.s32 s7, s2  }
0x1e: {  	s7 =	smul.u32 @!p0 $0xF7A, s2;
	p2 =	seq.s32 @!p0 s5, $0x0  }
0x1f: {  	s9 =	smul.u32 $0xF7A, s1;
	s8 =	simm.s32 @!p0 $0x1BF5;
	p2 =	por !p2, p0  }
0x20: {  	[sflag:s8] =	ssyncset.s32 @!p0 $0xFFFFF086;
	s6 =	sadd.s32 @!p0 s3, s7;
	s7 =	simm.s32 @!p0 $0x108  }
0x21: {  	s3 =	sadd.s32 s3, s9;
	s6 =	sadd.s32 @!p0 $0x88, s6;
	s7 =	simm.s32 @p2 $0x1082  }
0x22: {  	[simem:s7], [sflag:s8] =	dma.local @!p0 [hbm:s6], $0xF7A  }
0x23: {  	s9 =	sor.u32 $0xD0000000, s2;
	s6 =	simm.s32 $0x108;
	_ =	swait.ge @!p0 [sflag:s8], $0x0  }
0x24: {  	s3 =	sadd.s32 $0x88, s3;
	s6 =	simm.s32 @!p1 $0x1082;
	[sflag:s4] =	ssyncset.s32 $0xFFFFF086  }
0x25: {  	[simem:s6], [sflag:s4] =	dma.local [hbm:s3], $0xF7A  }
0x26: {  	[smem:$0x3F97] =	sst s1;
	(tag) =	ssettag s2;
	_ =	strace s9  }
0x27: {  	s1 =	sld [smem:$0x3FA7]  }
0x28: {  	s2 =	sld [smem:$0x3FA8]  }
0x29: {  	s4 =	sld [smem:$0x3FAA]  }
0x2a: {  	p0 =	seq.s32 s5, $0x0;
	s5 =	sld [smem:$0x3FAB]  }
0x2b: {  	s6 =	sld [smem:$0x3FAC]  }
0x2c: {  	s7 =	sld [smem:$0x3FAD]  }
0x2d: {  	s3 =	simm.s32 $0x108;
	s8 =	sld [smem:$0x3FAE]  }
0x2e: {  	s3 =	simm.s32 @!p0 $0x1082;
	s9 =	sld [smem:$0x3FAF]  }
0x2f: {  	lr =	sadd.s32 s0, s3;
	s0 =	sld [smem:$0x3FA6]  }
0x30: {  	s3 =	sld [smem:$0x3FA9]  }
0x31: {  	[smem:$0x3FB2] =	sst s10  }
0x32: {  	s10 =	sld [smem:$0x3FB0];
	_ =	sdelay $0x3  }
0x33: {  	p0 =	seq.s32 s10, $0x1;
	s10 =	sld [smem:$0x3FB2];
	_ =	sdelay $0x3  }
0x34: {  	[smem:$0x3FB2] =	sst s10  }
0x35: {  	s10 =	sld [smem:$0x3FB1];
	_ =	sdelay $0x3  }
0x36: {  	p1 =	seq.s32 s10, $0x1;
	s10 =	sld [smem:$0x3FB2];
	_ =	sdelay $0x3  }
0x37: {  	[smem:$0x3FB2] =	sst s10  }
0x38: {  	s10 =	sld [smem:$0x3FB3]  }
0x39: {  	_ = 	snop;
	(pc) =	sbr.ind lr, $3  }
0x3a: {  	_ = 	snop  }
0x3b: {  	_ = 	snop  }
0x3c: {  	p2 =	seq.s32 s10, $0x1;
	s10 =	sld [smem:$0x3FB2]  }
0x3d: {  	_ =	shalt  }
0x3e: {  	_ =	shalt  }
0x3f: {  	_ =	shalt  }
0x40: {  	_ =	shalt  }
0x41: {  	_ =	shalt  }
0x42: {  	_ =	shalt  }
0x43: {  	_ =	shalt  }
0x44: {  	_ =	shalt  }
0x45: {  	_ =	shalt  }
0x46: {  	_ =	shalt  }
0x47: {  	_ =	shalt  }
0x48: {  	_ =	shalt  }
0x49: {  	_ =	shalt  }
0x4a: {  	_ =	shalt  }
0x4b: {  	_ =	shalt  }
0x4c: {  	_ =	shalt  }
0x4d: {  	_ =	shalt  }
0x4e: {  	_ =	shalt  }
0x4f: {  	_ =	shalt  }
0x50: {  	_ =	shalt  }
0x51: {  	_ =	shalt  }
0x52: {  	_ =	shalt  }
0x53: {  	_ =	shalt  }
0x54: {  	_ =	shalt  }
0x55: {  	_ =	shalt  }
0x56: {  	_ =	shalt  }
0x57: {  	_ =	shalt  }
0x58: {  	_ =	shalt  }
0x59: {  	_ =	shalt  }
0x5a: {  	_ =	shalt  }
0x5b: {  	_ =	shalt  }
0x5c: {  	_ =	shalt  }
0x5d: {  	_ =	shalt  }
0x5e: {  	_ =	shalt  }
0x5f: {  	_ =	shalt  }
0x60: {  	_ =	shalt  }
0x61: {  	_ =	shalt  }
0x62: {  	_ =	shalt  }
0x63: {  	_ =	shalt  }
0x64: {  	_ =	shalt  }
0x65: {  	_ =	shalt  }
0x66: {  	_ =	shalt  }
0x67: {  	_ =	shalt  }
0x68: {  	_ =	shalt  }
0x69: {  	_ =	shalt  }
0x6a: {  	_ =	shalt  }
0x6b: {  	_ =	shalt  }
0x6c: {  	_ =	shalt  }
0x6d: {  	_ =	shalt  }
0x6e: {  	_ =	shalt  }
0x6f: {  	_ =	shalt  }
0x70: {  	_ =	shalt  }
0x71: {  	_ =	shalt  }
0x72: {  	_ =	shalt  }
0x73: {  	_ =	shalt  }
0x74: {  	_ =	shalt  }
0x75: {  	_ =	shalt  }
0x76: {  	_ =	shalt  }
0x77: {  	_ =	shalt  }
0x78: {  	_ =	shalt  }
0x79: {  	_ =	shalt  }
0x7a: {  	_ =	shalt  }
0x7b: {  	_ =	shalt  }
0x7c: {  	_ =	shalt  }
0x7d: {  	_ =	shalt  }
0x7e: {  	_ =	shalt  }
0x7f: {  	_ =	shalt  }
0x80: {  	_ =	shalt  }
0x81: {  	_ =	shalt  }
0x82: {  	_ =	shalt  }
0x83: {  	_ =	shalt  }
0x84: {  	_ =	shalt  }
0x85: {  	_ =	shalt  }
0x86: {  	_ =	shalt  }
0x87: {  	_ =	shalt  }
.Lfunc_end0:
.L_simem_size_0:
called_computation.3_lowered:
.L_overlay_start_0:
0x88: {  	s2 =	sld [smem:$0x3FD9]  }
0x89: {  	s3 =	sld [smem:$0x3FFE];
	_ =	sdelay $0x1  }
0x8a: {  	s1 =	srdreg.scid  }
0x8b: {  	s0 =	sand.u32 $0x1, s1  }
0x8c: {  	s17 =	sshll.u32 s0, $0xA;
	s2 =	sadd.s32 s3, s2  }
0x8d: {  	s2 =	sadd.s32 s2, s17  }
0x8e: {  	[smem:$0x3FBE] =	sst s2  }
0x8f: {  	_ = 	snop  }
0x90: {  	s18 =	sld [smem:$0x3FD0];
	(tm) =	ssettm $0x1  }
0x91: {  	s19 =	sld [smem:$0x3FFB];
	_ =	sdelay $0x3  }
0x92: {  	_ =	strace s19  }
0x93: {  	s2 =	sld [smem:$0x3FFC];
	_ =	sdelay $0x3  }
0x94: {  	_ =	strace s2  }
0x95: {  	s2 =	sld [smem:$0x3FFD];
	_ =	sdelay $0x3  }
0x96: {  	_ =	strace s2  }
0x97: {  	_ =	strace $0x8FFFFFFF  }
0x98: {  	s20 =	sld [smem:$0x3FDB];
	_ =	sdelay $0x1  }
0x99: {  	s4 =	simm.s32 $_scs_section_size  }
0x9a: {  	s5 =	simm.s32 $_size__tile_overlayer_lowered;
	s6 =	simm.s32 $_tile_overlayer_lowered  }
0x9b: {  	s7 =	simm.s32 $0x1BFF;
	s21 =	sshll.u32 s6, $0x1;
	s4 =	sadd.s32 s4, s20  }
0x9c: {  	s22 =	simm.s32 $0x0;
	s5 =	sshll.u32 s5, $0x1;
	s6 =	sadd.s32 s21, s4  }
0x9d: {  	[timem:s22], [sflag:s7] =	dma.local [hbm:s6], s5  }
0x9e: {  	_ =	swait.ge [sflag:s7], s5  }
0x9f: {  	s5 =	ssub.s32 $0x0, s5;
	[sflag:s7] =	ssyncset.done $0x0  }
0xa0: {  	[sflag:s7] =	ssyncadd.s32 s5;
	_ =	sdelay $0x1  }
0xa1: {  	s23 =	simm.s32 $0x1B8B  }
0xa2: {  	_ =	swait.ge [sflag:s23], $0x1  }
0xa3: {  	[sflag:s23] =	ssyncset.done $0x0  }
0xa4: {  	[sflag:s23] =	ssyncadd.s32 $0xFFFFFFFF  }
0xa5: {  	s5 =	sld [smem:$0x0]  }
0xa6: {  	s6 =	sand.u32 $0xFFFFFFFE, s1  }
0xa7: {  	p0 =	sne.s32 s1, s6  }
0xa8: {  	s6 =	sshll.u32 @p0 s6, $0xE  }
0xa9: {  	s6 =	sadd.s32 @p0 $0x11B8D, s6;
	s7 =	sshll.u32 @p0 s5, $0x11  }
0xaa: {  	s6 =	sor.u32 @p0 s7, s6  }
0xab: {  	[sflag:s6] =	ssyncadd.remote.s32 @p0 $0x1;
	_ =	sdelay $0x1  }
0xac: {  	s6 =	simm.s32 @p0 $0x1B8D  }
0xad: {  	_ =	swait.eq @p0 [sflag:s6], $0x1  }
0xae: {  	[sflag:s6] =	ssyncadd.s32 @p0 $0xFFFFFFFF  }
0xaf: {  	s7 =	sshll.u32 @!p0 s1, $0xE  }
0xb0: {  	s7 =	sor.u32 @!p0 $0x4000, s7;
	s6 =	simm.s32 @!p0 $0x1B8D  }
0xb1: {  	s5 =	sshll.u32 @!p0 s5, $0x11;
	s7 =	sadd.s32 @!p0 $0x11B8D, s7;
	_ =	swait.eq @!p0 [sflag:s6], $0x1  }
0xb2: {  	s5 =	sor.u32 @!p0 s5, s7;
	[sflag:s6] =	ssyncadd.s32 @!p0 $0xFFFFFFFF  }
0xb3: {  	s25 =	simm.s32 $0x1B8E;
	s24 =	sld [smem:$0x3FFE];
	[sflag:s5] =	ssyncadd.remote.s32 @!p0 $0x1  }
0xb4: {  	s26 =	simm.s32 $execute0_lowered;
	[smem:$0x3FD2] =	sst s25  }
0xb5: {  	s6 =	sshll.u32 s26, $0x1;
	_ =	strace $0x8000004F;
	[dreg:$0x1] =	wrdreg $0xFFFFFFFF  }
0xb6: {  	s28 =	simm.s32 $_size_execute0_lowered;
	s4 =	sadd.s32 s4, s6;
	[dreg:$0x0] =	wrdreg $0x0  }
0xb7: {  	s6 =	sshll.u32 s28, $0x1;
	[dreg:$0x2] =	wrdreg s4  }
0xb8: {  	[dreg:$0x3] =	wrdreg s6  }
0xb9: {  	[dreg:$0x4] =	wrdreg $0xC0  }
0xba: {  	_ =	task [dreg:s22], $0x5FFFF  }
0xbb: {  	[dreg:$0x1] =	wrdreg $0xFFFFFFFF  }
0xbc: {  	[dreg:$0x0] =	wrdreg $0x60  }
0xbd: {  	[dreg:$0x2] =	wrdreg s18  }
0xbe: {  	[dreg:$0x3] =	wrdreg s24  }
0xbf: {  	[dreg:$0x4] =	wrdreg $0xA  }
0xc0: {  	_ =	task.clear_ibuf [dreg:s22], $0x5FFFF;
	_ =	strace $0x9000004F  }
0xc1: {  	s29 =	simm.s32 $0xA;
	_ =	strace $0x80000051  }
0xc2: {  	_ =	swait.ge [sflag:s29], $0x1  }
0xc3: {  	[sflag:s29] =	ssyncadd.s32 $0xFFFFFFFF  }
0xc4: {  	_ =	strace $0x90000051  }
0xc5: {  	_ =	sfence  }
0xc6: {  	s30 =	sld [smem:$0x0];
	_ =	sdelay $0x2  }
0xc7: {  	s31 =	sshll.u32 s1, $0xD;
	s1 =	sshrl.u32 s1, $0x2  }
0xc8: {  	s4 =	sand.u32 $0x4000, s31;
	s1 =	sadd.s32 s1, s30  }
0xc9: {  	s0 =	sor.u32 s4, s0;
	s1 =	sshll.u32 s1, $0x11  }
0xca: {  	s0 =	sor.u32 s1, s0  }
0xcb: {  	s0 =	sadd.s32 $0x8F2B, s0  }
0xcc: {  	[sflag:s0] =	ssyncadd.remote.s32 $0x1  }
0xcd: {  	_ =	sfence.sel $0xFFFF  }
0xce: {  	[dreg:$0x0] =	wrdreg $0xFFFFFFFF;
	(pc) =	sbr.abs _section_cstart, $3  }
0xcf: {  	[dreg:$0x1] =	wrdreg $0xFFFFFFFF  }
0xd0: {  	_ =	task.clear_ibuf [dreg:s22], $0x2FFFF;
	_ =	strace $0x9FFFFFFF  }
0xd1: {  	(tm) =	ssettm $0x7FFFFFFF  }
tec
execute0_lowered:
.L_overlay_start_1:
0x0: {  	(tag) =	ssettag $0x1  }
0x1: {  	s2 =	rddreg [dreg:$0x0]  }
0x2: {  	s4 =	rddreg [dreg:$0x1];
	s1 =	stileid.u32  }
0x3: {  	s3 =	srdreg.scid;
	s0 =	rddreg [dreg:$0x2];
	s10 =	simm.s32 $0x3170  }
0x4: {  	s11 =	simm.s32 $0xE0;
	s12 =	simm.s32 $0x4D70;
	s13 =	simm.s32 $0x1  }
0x5: {  	s14 =	simm.s32 $0x2;
	s15 =	simm.s32 $0x0;
	s5 =	sand.u32 $0x1, s3  }
0x6: {  	s6 =	sshll.u32 s1, $0x1;
	s3 =	simm.s32 $0x0;
	s7 =	smul.u32 $0x15700, s1  }
0x7: {  	s6 =	sor.u32 s5, s6;
	s8 =	ssub.s32 $0x2, s5;
	s5 =	smul.u32 $0xAB80, s5  }
0x8: {  	[smem:$0x7FF] =	sst s3;
	s6 =	smul.u32 $0x1570, s6;
	s9 =	sshrl.u32 s8, $0x1  }
0x9: {  	_ =	strace $0x80000050;
	s7 =	sadd.s32 s7, s4;
	s8 =	ssub.s32 s8, s9  }
0xa: {  	s31 =	sadd.s32 s5, s7;
	s7 =	simm.s32 $0x3;
	s6 =	sshrl.u32 s6, $0x3  }
0xb: {  	s9 =	simm.s32 $0x1570;
	s5 =	smax.u32 s8, $0x1;
	s4 =	sadd.s32 s4, s6  }
0xc: {  	s8 =	simm.s32 $0x70;
	s6 =	sadd.s32 $0x1C7400, s31;
	s4 =	sadd.s32 $0x6ADC0, s4  }
.LBB2_1:
0xd: {  	[tilespmem:s3], [sflag:$0x3] =	stream.linear.gather [hbm4b:s4+s3], $0x1570, $0x38;
	[tilespmem:$0xBD70] =	vst v63  }
0xe: {  	_ =	swait.ge [sflag:s7], $0x1570  }
0xf: {  	[sflag:s7] =	ssyncset.done $0x0  }
0x10: {  	[sflag:s7] =	ssyncadd.s32 $0xFFFFEA90  }
0x11: {  	[tilespmem:s9], [sflag:$0x1] =	stream.indirect.gather [hbm4b:s2+s8], $0x40, s3, s8, $0xb8;
	[tilespmem:$0xBD70] =	vst v63  }
0x12: {  	_ = 	snop  }
0x13: {  	[tilespmem:s10], [sflag:$0x1] =	stream.indirect.gather [hbm4b:s2+s8], $0x40, s8, s8, $0xb8;
	[tilespmem:$0xBD70] =	vst v63  }
0x14: {  	s16 =	simm.s32 $0x150;
	s17 =	smov.u32 s6;
	s18 =	simm.s32 $0x0  }
0x15: {  	[tilespmem:s12], [sflag:$0x1] =	stream.indirect.gather [hbm4b:s2+s8], $0x40, s11, s8, $0xb8;
	[tilespmem:$0xBD70] =	vst v63  }
.LBB2_2:
0x16: {  	p0 =	slt.u32 s18, $0x3  }
0x17: {  	s19 =	simm.s32 @!p0 $0x2  }
0x18: {  	p1 =	sgt.u32 @!p0 s18, $0x2D;
	_ =	swait.ge @!p0 [sflag:s19], $0x1C00  }
0x19: {  	p1 =	por p0, !p1;
	[sflag:s19] =	ssyncset.done @!p0 $0x0  }
0x1a: {  	[sflag:s19] =	ssyncadd.s32 @!p0 $0xFFFFE400;
	s19 =	sadd.s32 @p1 $0x3, s18  }
0x1b: {  	s20 =	smul.u32 @p1 $0xAB, s19;
	_ =	sdelay $0x1  }
0x1c: {  	s20 =	sshrl.u32 @p1 s20, $0xA  }
0x1d: {  	s20 =	sand.u32 @p1 $0x3F, s20  }
0x1e: {  	s20 =	smul.u32 @p1 $0x6, s20;
	_ =	sdelay $0x1  }
0x1f: {  	s19 =	ssub.s32 @p1 s19, s20  }
0x20: {  	s19 =	sand.u32 @p1 $0xFF, s19  }
0x21: {  	s19 =	smul.u32 @p1 $0x7000, s19;
	_ =	sdelay $0x1  }
0x22: {  	s19 =	sshrl.u32 @p1 s19, $0x2  }
0x23: {  	s31 =	smul.u32 $0xAB, s18;
	s19 =	sadd.s32 @p1 $0x1570, s19  }
0x24: {  	[tilespmem:s19], [sflag:$0x1] =	stream.indirect.gather @p1 [hbm4b:s2+s8], $0x40, s16, s8, $0xb8;
	[tilespmem:$0xBD70] =	vst v63  }
0x25: {  	s19 =	sshrl.u32 s31, $0xA  }
0x26: {  	s19 =	sand.u32 $0x3F, s19  }
0x27: {  	s19 =	smul.u32 $0x6, s19;
	_ =	sdelay $0x1  }
0x28: {  	s19 =	ssub.s32 s18, s19  }
0x29: {  	s18 =	sadd.s32 $0x1, s18;
	s19 =	sand.u32 $0xFF, s19  }
0x2a: {  	p0 =	sne.s32 s18, $0x31;
	s19 =	smul.u32 $0x7000, s19  }
.Ltmp0:
0x2b: {  	_ =	swait.ge [sflag:s13], $0x1C00;
	(pc) =	sbr.rel @p0 .LBB2_2-.Ltmp0, $4  }
0x2c: {  	[sflag:s13] =	ssyncset.done $0x0;
	s19 =	sshrl.u32 s19, $0x2  }
0x2d: {  	[sflag:s13] =	ssyncadd.s32 $0xFFFFE400;
	s19 =	sadd.s32 $0x1570, s19  }
0x2e: {  	[hbm4b:s17+s3] =	stream.linear.scatter [tilespmem:s19], [sflag:$0x2], $0x1C00, $0x38;
	[tilespmem:$0xBD70] =	vst v63  }
0x2f: {  	s16 =	sadd.s32 $0x70, s16;
	s17 =	sadd.s32 $0x380, s17  }
0x30: {  	_ =	swait.ge [sflag:s14], $0x1C00  }
0x31: {  	[sflag:s14] =	ssyncset.done $0x0  }
0x32: {  	s15 =	sadd.s32 $0x1, s15;
	[sflag:s14] =	ssyncadd.s32 $0xFFFFE400  }
0x33: {  	p0 =	sne.s32 s15, s5;
	_ =	swait.ge [sflag:s14], $0x1C00  }
.Ltmp1:
0x34: {  	[sflag:s14] =	ssyncset.done $0x0;
	(pc) =	sbr.rel @p0 .LBB2_1-.Ltmp1, $4  }
0x35: {  	[sflag:s14] =	ssyncadd.s32 $0xFFFFE400  }
0x36: {  	_ =	swait.ge [sflag:s14], $0x1C00  }
0x37: {  	[sflag:s14] =	ssyncset.done $0x0  }
0x38: {  	[sflag:s14] =	ssyncadd.s32 $0xFFFFE400  }
0x39: {  	_ =	sfence.sel $0x180000  }
0x3a: {  	[bflag:$0x0] =	sbarrier.arrive $0xFFFF  }
0x3b: {  	p0 =	sne.s32 s1, $0x0;
	_ =	strace $0x90000050  }
0x3c: {  	s0 =	sadd.s32 @!p0 $0x100000, s0;
	[bflag:$0x2] =	sbarrier.arrive $0xFFFF  }
0x3d: {  	[sflag:s0] =	ssyncadd.tile.s32 @!p0 $0x1;
	_ =	shalt  }
.Lfunc_end2:
_tile_overlayer_lowered:
.L_overlay_start_2:
0x3e: {  	(tag) =	ssettag $0x2  }
0x3f: {  	s0 =	rddreg [dreg:$0x0];
	s2 =	stileid.u32  }
0x40: {  	s1 =	rddreg [dreg:$0x1];
	p0 =	sne.s32 s2, $0x0  }
0x41: {  	s3 =	rddreg [dreg:$0x2];
	[bflag:$0x3] =	sbarrier.arrive $0xFFFF;
	s2 =	simm.s32 @!p0 $0x1C03  }
0x42: {  	[timem:s3], [sflag:s2] =	dma.local @!p0 [hbm:s0], s1  }
0x43: {  	s0 =	simm.s32 @!p0 $0x3  }
0x44: {  	_ =	swait.ge @!p0 [sflag:s0], s1  }
0x45: {  	s1 =	ssub.s32 @!p0 $0x0, s1;
	[sflag:s0] =	ssyncset.done @!p0 $0x0  }
0x46: {  	[sflag:s0] =	ssyncadd.s32 @!p0 s1  }
0x47: {  	[bflag:$0x3] =	sbarrier.arrive $0xFFFF  }
0x48: {  	_ =	shalt  }

</sc_bundles>
